<compile_context>
chip_gen: v7x
topology: tpu7x:2x2x1
jax: 0.10.2.dev20260603
libtpu: 0.0.44.dev20260713+nightly
codegen_flags: <defaults>
</compile_context>

<pallas_src>
import functools
import math

import jax
import jax.numpy as jnp
from jax import lax
from jax.experimental import pallas as pl
from jax.experimental.pallas import tpu as pltpu
from jax.experimental.pallas import tpu_sc as plsc

B, S, NCAND = 1024, 50, 32
D, NH, NE, TOPK, NL = 128, 4, 4, 2, 2
VOCAB, NCAT, HID = 100000, 100, 256
DH = D // NH
SP = 56
MB = 4
MBI = 8
NTOK_H = B * S
NTOK_I = B * NCAND

_INV_SQRT_DH = 1.0 / math.sqrt(DH)
_NEG = -1e30


def _mm_nt(a, b):
    return lax.dot_general(a, b, (((1,), (1,)), ((), ())),
                           preferred_element_type=jnp.float32)


def _mm_nn(a, b):
    return lax.dot_general(a, b, (((1,), (0,)), ((), ())),
                           preferred_element_type=jnp.float32)


def _layernorm(x, g, b):
    m = jnp.mean(x, axis=-1, keepdims=True)
    xc = x - m
    v = jnp.mean(xc * xc, axis=-1, keepdims=True)
    return xc / jnp.sqrt(v + 1e-5) * g + b


def _gelu(x):
    return 0.5 * x * (1.0 + lax.erf(x * (1.0 / math.sqrt(2.0))))


def _softmax_rows(x):
    m = jnp.max(x, axis=-1, keepdims=True)
    e = jnp.exp(x - m)
    return e / jnp.sum(e, axis=-1, keepdims=True)


def _top2_comb(w):
    lane = lax.broadcasted_iota(jnp.int32, w.shape, 1)
    rank = jnp.zeros(w.shape, jnp.int32)
    for j in range(NE):
        wj = w[:, j:j + 1]
        rank = rank + (wj > w).astype(jnp.int32) \
                    + ((wj == w) & (lane > j)).astype(jnp.int32)
    sel = rank < TOPK
    comb = jnp.where(sel, w, 0.0)
    return comb / jnp.sum(comb, axis=-1, keepdims=True)


def _moe_block(xf, gw, gb, w1, b1, w2, b2):
    logits = _mm_nt(xf, gw) + gb
    probs = _softmax_rows(logits)
    comb = _top2_comb(probs)
    acc = jnp.zeros(xf.shape, jnp.float32)
    for e in range(NE):
        h = _gelu(_mm_nt(xf, w1[e]) + b1[e])
        o = _mm_nt(h, w2[e]) + b2[e]
        acc = acc + o * comb[:, e:e + 1]
    return acc, probs


def _attention(q, k, v, mask, nrows_kv):
    del nrows_kv
    outs = []
    for h in range(NH):
        qh = q[:, h * DH:(h + 1) * DH]
        kh = k[:, h * DH:(h + 1) * DH]
        vh = v[:, h * DH:(h + 1) * DH]
        sc = _mm_nt(qh, kh) * _INV_SQRT_DH
        sc = jnp.where(mask, sc, _NEG)
        outs.append(_mm_nn(_softmax_rows(sc), vh))
    return jnp.concatenate(outs, axis=-1)



def _gather_rows(table, idx):
    n_rows = idx.shape[0]
    info = plsc.get_sparse_core_info()
    nw = info.num_cores * info.num_subcores
    b_per_w = n_rows // nw
    chunk = 128
    nch = b_per_w // chunk
    mesh = plsc.VectorSubcoreMesh(core_axis_name="c", subcore_axis_name="s")

    @functools.partial(
        pl.kernel, mesh=mesh,
        out_type=jax.ShapeDtypeStruct((n_rows, D), jnp.float32),
        scratch_types=[
            pltpu.VMEM((chunk,), jnp.int32),
            pltpu.VMEM((chunk, D), jnp.float32),
            pltpu.SemaphoreType.DMA,
        ],
    )
    def k(table_hbm, idx_hbm, out_hbm, idx_v, rows_v, sem):
        wid = lax.axis_index("s") * info.num_cores + lax.axis_index("c")
        base = wid * b_per_w

        def body(i, carry):
            off = base + i * chunk
            pltpu.sync_copy(idx_hbm.at[pl.ds(off, chunk)], idx_v)
            pltpu.async_copy(table_hbm.at[idx_v], rows_v, sem).wait()
            pltpu.sync_copy(rows_v, out_hbm.at[pl.ds(off, chunk)])
            return carry

        lax.fori_loop(0, nch, body, 0)

    return k(table, idx)



def _hist_kernel(x_ref, cos_ref, sin_ref, qkvw_ref, qkvb_ref, outw_ref,
                 outb_ref, ln1g_ref, ln1b_ref, ln2g_ref, ln2b_ref,
                 gatew_ref, gateb_ref, w1_ref, b1_ref, w2_ref, b2_ref,
                 ung_ref, unb_ref, hist_ref, rsum_ref):
    pid = pl.program_id(0)
    T = MB * SP
    x = x_ref[...].reshape(T, D)

    cos = jnp.concatenate([cos_ref[...]] * MB, axis=0)
    sin = jnp.concatenate([sin_ref[...]] * MB, axis=0)
    xr = jnp.concatenate([x[:, 1:], x[:, :1]], axis=-1)
    x = x * cos + xr * sin

    qi = lax.broadcasted_iota(jnp.int32, (T, T), 0)
    ki = lax.broadcasted_iota(jnp.int32, (T, T), 1)
    attn_mask = ((qi // SP) == (ki // SP)) & ((ki % SP) < S)
    tok_pos = lax.broadcasted_iota(jnp.int32, (T, 1), 0) % SP
    real_tok = tok_pos < S

    @pl.when(pid == 0)
    def _():
        rsum_ref[...] = jnp.zeros_like(rsum_ref)

    for l in range(NL):
        qkv = _mm_nt(x, qkvw_ref[l]) + qkvb_ref[l]
        a = _attention(qkv[:, :D], qkv[:, D:2 * D], qkv[:, 2 * D:],
                       attn_mask, T)
        a = _mm_nt(a, outw_ref[l]) + outb_ref[l]
        x = _layernorm(x + a, ln1g_ref[l], ln1b_ref[l])
        routed, probs = _moe_block(x, gatew_ref[l], gateb_ref[l],
                                   w1_ref[l], b1_ref[l], w2_ref[l], b2_ref[l])
        part = jnp.sum(jnp.where(real_tok, probs, 0.0), axis=0, keepdims=True)
        rsum_ref[l:l + 1, :] += part
        x = _layernorm(x + routed, ln2g_ref[l], ln2b_ref[l])

    x = _layernorm(x, ung_ref[...], unb_ref[...])
    hist_ref[...] = x.reshape(MB, SP, D)



def _item_kernel(hist_ref, cand_ref, catid_ref, catemb_ref, gatew_ref,
                 gateb_ref, w1_ref, b1_ref, w2_ref, b2_ref, ing_ref, inb_ref,
                 caw_ref, cab_ref, caow_ref, caob_ref, fw1_ref, fb1_ref,
                 fw2_ref, fb2_ref, rsumh_ref, logit_ref, aux_ref,
                 acc_ref):
    pid = pl.program_id(0)
    nsteps = pl.num_programs(0)
    T = MBI * NCAND
    TK = MBI * SP

    @pl.when(pid == 0)
    def _():
        acc_ref[...] = jnp.zeros_like(acc_ref)

    ids = catid_ref[...]
    onehot = (lax.broadcasted_iota(jnp.int32, (T, 128), 1) == ids)
    cat = lax.dot_general(onehot.astype(jnp.float32), catemb_ref[...],
                          (((1,), (0,)), ((), ())),
                          precision=lax.Precision.HIGHEST,
                          preferred_element_type=jnp.float32)

    item0 = cand_ref[...].reshape(T, D) + cat
    routed, probs = _moe_block(item0, gatew_ref[...], gateb_ref[...],
                               w1_ref[...], b1_ref[...], w2_ref[...],
                               b2_ref[...])
    acc_ref[0:1, 0:NE] += jnp.sum(probs, axis=0, keepdims=True)
    item = _layernorm(routed, ing_ref[...], inb_ref[...])

    histf = hist_ref[...].reshape(TK, D)
    q = _mm_nt(item, caw_ref[0:D]) + cab_ref[:, 0:D]
    k = _mm_nt(histf, caw_ref[D:2 * D]) + cab_ref[:, D:2 * D]
    v = _mm_nt(histf, caw_ref[2 * D:]) + cab_ref[:, 2 * D:]

    qi = lax.broadcasted_iota(jnp.int32, (T, TK), 0)
    ki = lax.broadcasted_iota(jnp.int32, (T, TK), 1)
    mask = ((qi // NCAND) == (ki // SP)) & ((ki % SP) < S)
    ta = _attention(q, k, v, mask, TK)
    ta = _mm_nt(ta, caow_ref[...]) + caob_ref[...]

    fused = jnp.concatenate([ta, item], axis=-1)
    h = _gelu(_mm_nt(fused, fw1_ref[...]) + fb1_ref[...])
    logit_ref[...] = jnp.sum(h * fw2_ref[...], axis=-1, keepdims=True) \
        + fb2_ref[...]

    @pl.when(pid == nsteps - 1)
    def _():
        aux = jnp.zeros((1, 1), jnp.float32)
        for l in range(NL):
            avg = rsumh_ref[l:l + 1, :] * (1.0 / NTOK_H)
            aux += jnp.sum((avg - 1.0 / NE) ** 2, axis=-1, keepdims=True) / NE
        avg_i = acc_ref[0:1, 0:NE] * (1.0 / NTOK_I)
        aux += jnp.sum((avg_i - 1.0 / NE) ** 2, axis=-1, keepdims=True) / NE
        aux_ref[...] = aux


def _full_spec(shape):
    return pl.BlockSpec(shape, lambda i: tuple(0 for _ in shape))


def _hist_tower(xh, p):
    cos_t, sin_t = _rope_tables()
    qkvw = jnp.stack([p['qkv_w%d' % i] for i in range(NL)])
    qkvb = jnp.stack([p['qkv_b%d' % i].reshape(1, 3 * D) for i in range(NL)])
    outw = jnp.stack([p['out_w%d' % i] for i in range(NL)])
    outb = jnp.stack([p['out_b%d' % i].reshape(1, D) for i in range(NL)])
    ln1g = jnp.stack([p['ln1_g%d' % i].reshape(1, D) for i in range(NL)])
    ln1b = jnp.stack([p['ln1_b%d' % i].reshape(1, D) for i in range(NL)])
    ln2g = jnp.stack([p['ln2_g%d' % i].reshape(1, D) for i in range(NL)])
    ln2b = jnp.stack([p['ln2_b%d' % i].reshape(1, D) for i in range(NL)])
    gatew = jnp.stack([p['gate_w%d' % i] for i in range(NL)])
    gateb = jnp.stack([p['gate_b%d' % i].reshape(1, NE) for i in range(NL)])
    w1 = jnp.stack([p['w1_%d' % i] for i in range(NL)])
    b1 = jnp.stack([p['b1_%d' % i].reshape(NE, 1, HID) for i in range(NL)])
    w2 = jnp.stack([p['w2_%d' % i] for i in range(NL)])
    b2 = jnp.stack([p['b2_%d' % i].reshape(NE, 1, D) for i in range(NL)])

    full = _full_spec
    hist, rsum = pl.pallas_call(
        _hist_kernel,
        grid=(B // MB,),
        in_specs=[
            pl.BlockSpec((MB, SP, D), lambda i: (i, 0, 0)),
            full((SP, D)), full((SP, D)),
            full((NL, 3 * D, D)), full((NL, 1, 3 * D)),
            full((NL, D, D)), full((NL, 1, D)),
            full((NL, 1, D)), full((NL, 1, D)),
            full((NL, 1, D)), full((NL, 1, D)),
            full((NL, NE, D)), full((NL, 1, NE)),
            full((NL, NE, HID, D)), full((NL, NE, 1, HID)),
            full((NL, NE, D, HID)), full((NL, NE, 1, D)),
            full((1, D)), full((1, D)),
        ],
        out_specs=[
            pl.BlockSpec((MB, SP, D), lambda i: (i, 0, 0)),
            pl.BlockSpec((8, NE), lambda i: (0, 0)),
        ],
        out_shape=[
            jax.ShapeDtypeStruct((B, SP, D), jnp.float32),
            jax.ShapeDtypeStruct((8, NE), jnp.float32),
        ],
    )(xh, cos_t, sin_t, qkvw, qkvb, outw, outb, ln1g, ln1b, ln2g, ln2b,
      gatew, gateb, w1, b1, w2, b2,
      p['un_g'].reshape(1, D), p['un_b'].reshape(1, D))
    return hist, rsum


def _item_stage(hist, cand, category_ids, p, rsum):
    full = _full_spec
    catemb = jnp.zeros((128, D), jnp.float32).at[:NCAT].set(p['cat_emb'])
    logits, aux = pl.pallas_call(
        _item_kernel,
        grid=(B // MBI,),
        in_specs=[
            pl.BlockSpec((MBI, SP, D), lambda i: (i, 0, 0)),
            pl.BlockSpec((MBI, NCAND, D), lambda i: (i, 0, 0)),
            pl.BlockSpec((MBI * NCAND, 1), lambda i: (i, 0)),
            full((128, D)),
            full((NE, D)), full((1, NE)),
            full((NE, HID, D)), full((NE, 1, HID)),
            full((NE, D, HID)), full((NE, 1, D)),
            full((1, D)), full((1, D)),
            full((3 * D, D)), full((1, 3 * D)),
            full((D, D)), full((1, D)),
            full((D, 2 * D)), full((1, D)),
            full((1, D)), full((1, 1)),
            full((8, NE)),
        ],
        out_specs=[
            pl.BlockSpec((MBI * NCAND, 1), lambda i: (i, 0)),
            pl.BlockSpec((1, 1), lambda i: (0, 0)),
        ],
        out_shape=[
            jax.ShapeDtypeStruct((B * NCAND, 1), jnp.float32),
            jax.ShapeDtypeStruct((1, 1), jnp.float32),
        ],
        scratch_shapes=[pltpu.VMEM((8, 128), jnp.float32)],
    )(hist, cand, category_ids.astype(jnp.int32).reshape(B * NCAND, 1), catemb,
      p['it_gate_w'], p['it_gate_b'].reshape(1, NE),
      p['it_w1'], p['it_b1'].reshape(NE, 1, HID),
      p['it_w2'], p['it_b2'].reshape(NE, 1, D),
      p['in_g'].reshape(1, D), p['in_b'].reshape(1, D),
      p['ca_qkv_w'], p['ca_qkv_b'].reshape(1, 3 * D),
      p['ca_out_w'], p['ca_out_b'].reshape(1, D),
      p['fus_w1'], p['fus_b1'].reshape(1, D),
      p['fus_w2'], p['fus_b2'].reshape(1, 1),
      rsum)
    return logits.reshape(B, NCAND), aux.reshape(())


def _run_towers(xh, cand, category_ids, p):
    hist, rsum = _hist_tower(xh, p)
    return _item_stage(hist, cand, category_ids, p, rsum)


def _rope_tables():
    inv = 1.0 / 10000 ** (jnp.arange(0, D, 2, dtype=jnp.float32) / D)
    t = jnp.arange(SP, dtype=jnp.float32)
    fr = jnp.einsum('i,j->ij', t, inv)
    emb = jnp.concatenate([fr, fr], axis=-1)
    return jnp.cos(emb), jnp.sin(emb)


def kernel(history_seq, candidate_ids, category_ids, params):
    p = params
    hist_idx = jnp.pad(history_seq.astype(jnp.int32),
                       ((0, 0), (0, SP - S))).reshape(-1)
    cand_idx = candidate_ids.astype(jnp.int32).reshape(-1)
    xh = _gather_rows(p['item_emb'], hist_idx).reshape(B, SP, D)
    cand = _gather_rows(p['item_emb'], cand_idx).reshape(B, NCAND, D)
    return _run_towers(xh, cand, category_ids, p)

# --- scband reference (transcript-rebuilt; emitter-appended) ---
"""Pipeline reference for scband-ultimate-two-tower-mo-erec-model-38345468019295 (READ-ONLY COPY).

The authoritative reference and input builder live on the scoring server;
editing this copy changes nothing except your own understanding.
"""

import jax, jax.numpy as jnp
import numpy as np

B, S, NC = 1024, 50, 32
D, H, E, K, NL = 128, 4, 4, 2, 2
VOCAB, NCAT, HID = 100000, 100, 256


def _ln(x, g, b, eps=1e-5):
    m = x.mean(-1, keepdims=True)
    v = ((x - m) ** 2).mean(-1, keepdims=True)
    return (x - m) / jnp.sqrt(v + eps) * g + b


def _mha(q_in, kv_in, qkv_w, qkv_b, out_w, out_b, nheads):
    d = q_in.shape[-1]
    dh = d // nheads
    q = q_in @ qkv_w[:d].T + qkv_b[:d]
    k = kv_in @ qkv_w[d:2 * d].T + qkv_b[d:2 * d]
    v = kv_in @ qkv_w[2 * d:].T + qkv_b[2 * d:]
    def sp(t):
        b, s, _ = t.shape
        return t.reshape(b, s, nheads, dh).transpose(0, 2, 1, 3)
    qh, kh, vh = sp(q), sp(k), sp(v)
    a = jax.nn.softmax(qh @ kh.transpose(0, 1, 3, 2) / jnp.sqrt(jnp.float32(dh)), axis=-1)
    o = (a @ vh).transpose(0, 2, 1, 3).reshape(q_in.shape)
    return o @ out_w.T + out_b


def _moe(xf, gw, gb, w1, b1, w2, b2, top_k):
    logits = xf @ gw.T + gb
    w = jax.nn.softmax(logits.astype(jnp.float32), axis=-1)
    tw, ti = jax.lax.top_k(w, top_k)
    tw = tw / tw.sum(-1, keepdims=True)
    T = xf.shape[0]
    ne = gw.shape[0]
    comb = jnp.zeros((T, ne), jnp.float32).at[jnp.arange(T)[:, None], ti].add(tw)
    routed = jnp.zeros_like(xf)
    for e in range(ne):
        h = jax.nn.gelu(xf @ w1[e].T + b1[e], approximate=False)
        o = h @ w2[e].T + b2[e]
        routed = routed + o * comb[:, e:e + 1]
    return routed, logits


def _rope(x):
    d = x.shape[-1]
    inv = 1.0 / 10000 ** (jnp.arange(0, d, 2, dtype=jnp.float32) / d)
    t = jnp.arange(x.shape[1], dtype=jnp.float32)
    fr = jnp.einsum('i,j->ij', t, inv)
    emb = jnp.concatenate([fr, fr], axis=-1)
    return x * jnp.cos(emb)[None] + jnp.roll(x, -1, axis=-1) * jnp.sin(emb)[None]


def _forward(history_seq, candidate_ids, category_ids, p):
    x = p['item_emb'][history_seq]
    x = _rope(x)
    routers = []
    for i in range(NL):
        a = _mha(x, x, p['qkv_w%d' % i], p['qkv_b%d' % i], p['out_w%d' % i], p['out_b%d' % i], H)
        x = _ln(x + a, p['ln1_g%d' % i], p['ln1_b%d' % i])
        m, r = _moe(x.reshape(-1, D), p['gate_w%d' % i], p['gate_b%d' % i], p['w1_%d' % i], p['b1_%d' % i], p['w2_%d' % i], p['b2_%d' % i], 2)
        routers.append(r)
        x = _ln(x + m.reshape(x.shape), p['ln2_g%d' % i], p['ln2_b%d' % i])
    hist = _ln(x, p['un_g'], p['un_b'])
    item = p['item_emb'][candidate_ids] + p['cat_emb'][category_ids]
    mi, ri = _moe(item.reshape(-1, D), p['it_gate_w'], p['it_gate_b'], p['it_w1'], p['it_b1'], p['it_w2'], p['it_b2'], K)
    item = _ln(mi.reshape(B, NC, D), p['in_g'], p['in_b'])
    q = item.reshape(B * NC, 1, D)
    kv = jnp.broadcast_to(hist[:, None], (B, NC, S, D)).reshape(B * NC, S, D)
    ta = _mha(q, kv, p['ca_qkv_w'], p['ca_qkv_b'], p['ca_out_w'], p['ca_out_b'], H).reshape(B, NC, D)
    fused = jnp.concatenate([ta, item], axis=-1)
    h = jax.nn.gelu(fused @ p['fus_w1'].T + p['fus_b1'], approximate=False)
    logits = (h @ p['fus_w2'].T + p['fus_b2'])[..., 0]
    aux = jnp.float32(0.0)
    for r in routers + [ri]:
        probs = jax.nn.softmax(r, axis=-1)
        avg = probs.mean(0)
        aux = aux + ((avg - 1.0 / E) ** 2).mean()
    return logits, aux


def setup_inputs(seed: int = 0):
    key = jax.random.key(seed)
    ks = iter(jax.random.split(key, 64))
    def nrm(shape):
        return jax.random.normal(next(ks), shape, dtype=jnp.float32) * 0.02
    inp = {}
    inp['history_seq'] = jax.random.randint(next(ks), (B, S), 0, VOCAB)
    inp['candidate_ids'] = jax.random.randint(next(ks), (B, NC), 0, VOCAB)
    inp['category_ids'] = jax.random.randint(next(ks), (B, NC), 0, NCAT)
    p = {}
    p['item_emb'] = nrm((VOCAB, D))
    p['cat_emb'] = nrm((NCAT, D))
    p['un_g'] = jnp.ones((D,), jnp.float32)
    p['un_b'] = jnp.zeros((D,), jnp.float32)
    p['in_g'] = jnp.ones((D,), jnp.float32)
    p['in_b'] = jnp.zeros((D,), jnp.float32)
    p['ca_qkv_w'] = nrm((3 * D, D))
    p['ca_qkv_b'] = jnp.zeros((3 * D,), jnp.float32)
    p['ca_out_w'] = nrm((D, D))
    p['ca_out_b'] = jnp.zeros((D,), jnp.float32)
    p['fus_w1'] = nrm((D, 2 * D))
    p['fus_b1'] = jnp.zeros((D,), jnp.float32)
    p['fus_w2'] = nrm((1, D))
    p['fus_b2'] = jnp.zeros((1,), jnp.float32)
    p['it_gate_w'] = nrm((E, D))
    p['it_gate_b'] = jnp.zeros((E,), jnp.float32)
    p['it_w1'] = nrm((E, HID, D))
    p['it_b1'] = jnp.zeros((E, HID), jnp.float32)
    p['it_w2'] = nrm((E, D, HID))
    p['it_b2'] = jnp.zeros((E, D), jnp.float32)
    for i in range(NL):
        p['qkv_w%d' % i] = nrm((3 * D, D))
        p['qkv_b%d' % i] = jnp.zeros((3 * D,), jnp.float32)
        p['out_w%d' % i] = nrm((D, D))
        p['out_b%d' % i] = jnp.zeros((D,), jnp.float32)
        p['ln1_g%d' % i] = jnp.ones((D,), jnp.float32)
        p['ln1_b%d' % i] = jnp.zeros((D,), jnp.float32)
        p['ln2_g%d' % i] = jnp.ones((D,), jnp.float32)
        p['ln2_b%d' % i] = jnp.zeros((D,), jnp.float32)
        p['gate_w%d' % i] = nrm((E, D))
        p['gate_b%d' % i] = jnp.zeros((E,), jnp.float32)
        p['w1_%d' % i] = nrm((E, HID, D))
        p['b1_%d' % i] = jnp.zeros((E, HID), jnp.float32)
        p['w2_%d' % i] = nrm((E, D, HID))
        p['b2_%d' % i] = jnp.zeros((E, D), jnp.float32)
    inp['params'] = p
    return inp


def reference(history_seq, candidate_ids, category_ids, params):
    return _forward(history_seq, candidate_ids, category_ids, params)

if __name__ == "__main__":
    import jax
    _d = setup_inputs()
    print(jax.jit(kernel)(*tuple(_d.values())))

</pallas_src>

<mosaic_0001>
#map = affine_map<(d0, d1) -> (0, 0)>
#map1 = affine_map<(d0, d1) -> (0)>
module attributes {stable_mosaic.version = 14 : i64} {
  func.func @k(%arg0: i32, %arg1: i32, %arg2: memref<100000x128xf32, #tpu.memory_space<hbm>>, %arg3: memref<57344xi32, #tpu.memory_space<hbm>>, %arg4: memref<57344x128xf32, #tpu.memory_space<hbm>>, %arg5: memref<128xi32, #tpu.memory_space<vmem>>, %arg6: memref<128x128xf32, #tpu.memory_space<vmem>>, %arg7: memref<!tpu.dma_semaphore, #tpu.memory_space<semaphore_mem>>) attributes {dimension_semantics = [#tpu.dimension_semantics<core_parallel>, #tpu.dimension_semantics<subcore_parallel>], iteration_bounds = array<i64: 2, 16>, scalar_prefetch = 0 : i64, scratch_operands = 3 : i64, tpu.core_type = #tpu.core_type<sc_vector_subcore>, window_params = [{transform_indices = #map}, {transform_indices = #map1}, {transform_indices = #map}]} {
    %mul3A = arith.constant 2 : i32
    %mul3A_0 = arith.muli %arg1, %mul3A : i32
    %add3A = arith.addi %mul3A_0, %arg0 : i32
    %mul3A_1 = arith.constant 1792 : i32
    %mul3A_2 = arith.muli %add3A, %mul3A_1 : i32
    %scan3A = arith.constant 0 : i32
    %scan3A_3 = arith.constant 0 : i32
    %scan3A_4 = arith.constant 14 : i32
    %scan3A_5 = arith.addi %scan3A_3, %scan3A_4 : i32
    %scan3A_6 = arith.constant 1 : i32
    scf.for %scan3A_8 = %scan3A_3 to %scan3A_5 step %scan3A_6  : i32 {
      %mul3A_9 = arith.constant 128 : i32
      %mul3A_10 = arith.muli %scan3A_8, %mul3A_9 : i32
      %add3A_11 = arith.addi %mul3A_2, %mul3A_10 : i32
      "tpu.region"() ({
        %run_scoped3A = tpu.sem_alloc : memref<!tpu.dma_semaphore, #tpu.memory_space<semaphore_mem>>
        %dma_start3A_16 = tpu.memref_slice %arg3[%add3A_11] : memref<57344xi32, #tpu.memory_space<hbm>> -> memref<128xi32, #tpu.memory_space<hbm>>
        %dma_start3A_17 = tpu.memref_slice %arg3[%add3A_11] : memref<57344xi32, #tpu.memory_space<hbm>> -> memref<128xi32, #tpu.memory_space<hbm>>
        tpu.enqueue_dma source(%dma_start3A_17 : memref<128xi32, #tpu.memory_space<hbm>>) target(%arg5 : memref<128xi32, #tpu.memory_space<vmem>>) target_semaphore(%run_scoped3A : memref<!tpu.dma_semaphore, #tpu.memory_space<semaphore_mem>>)
        %dma_wait3A_18 = tpu.memref_slice %arg3[%add3A_11] : memref<57344xi32, #tpu.memory_space<hbm>> -> memref<128xi32, #tpu.memory_space<hbm>>
        %dma_wait3A_19 = tpu.memref_slice %arg3[%add3A_11] : memref<57344xi32, #tpu.memory_space<hbm>> -> memref<128xi32, #tpu.memory_space<hbm>>
        tpu.wait_dma2 semaphore(%run_scoped3A : memref<!tpu.dma_semaphore, #tpu.memory_space<semaphore_mem>>) src(%dma_wait3A_19 : memref<128xi32, #tpu.memory_space<hbm>>) dst(%arg5 : memref<128xi32, #tpu.memory_space<vmem>>)
        tpu.yield
      }) : () -> ()
      %dma_start3A = arith.constant 0 : i32
      %dma_start3A_12 = arith.constant 0 : i32
      %dma_start3A_13 = tpu.memref_slice %arg2[%dma_start3A, %dma_start3A_12] : memref<100000x128xf32, #tpu.memory_space<hbm>> -> memref<100000x128xf32, #tpu.memory_space<hbm>>
      tpu.enqueue_indirect_dma source(%dma_start3A_13 : memref<100000x128xf32, #tpu.memory_space<hbm>>) target(%arg6 : memref<128x128xf32, #tpu.memory_space<vmem>>) offsets(%arg5 : memref<128xi32, #tpu.memory_space<vmem>>) semaphore(%arg7 : memref<!tpu.dma_semaphore, #tpu.memory_space<semaphore_mem>>)
      %dma_wait3A = arith.constant 0 : i32
      %dma_wait3A_14 = arith.constant 0 : i32
      %dma_wait3A_15 = tpu.memref_slice %arg2[%dma_wait3A, %dma_wait3A_14] : memref<100000x128xf32, #tpu.memory_space<hbm>> -> memref<100000x128xf32, #tpu.memory_space<hbm>>
      tpu.wait_indirect_dma semaphore(%arg7 : memref<!tpu.dma_semaphore, #tpu.memory_space<semaphore_mem>>) src(%dma_wait3A_15 : memref<100000x128xf32, #tpu.memory_space<hbm>>) dst(%arg6 : memref<128x128xf32, #tpu.memory_space<vmem>>)
      "tpu.region"() ({
        %run_scoped3A = tpu.sem_alloc : memref<!tpu.dma_semaphore, #tpu.memory_space<semaphore_mem>>
        %dma_start3A_16 = arith.constant 0 : i32
        %dma_start3A_17 = tpu.memref_slice %arg4[%add3A_11, %dma_start3A_16] : memref<57344x128xf32, #tpu.memory_space<hbm>> -> memref<128x128xf32, #tpu.memory_space<hbm>>
        %dma_start3A_18 = arith.constant 0 : i32
        %dma_start3A_19 = tpu.memref_slice %arg4[%add3A_11, %dma_start3A_18] : memref<57344x128xf32, #tpu.memory_space<hbm>> -> memref<128x128xf32, #tpu.memory_space<hbm>>
        tpu.enqueue_dma source(%arg6 : memref<128x128xf32, #tpu.memory_space<vmem>>) target(%dma_start3A_19 : memref<128x128xf32, #tpu.memory_space<hbm>>) target_semaphore(%run_scoped3A : memref<!tpu.dma_semaphore, #tpu.memory_space<semaphore_mem>>)
        %dma_wait3A_20 = arith.constant 0 : i32
        %dma_wait3A_21 = tpu.memref_slice %arg4[%add3A_11, %dma_wait3A_20] : memref<57344x128xf32, #tpu.memory_space<hbm>> -> memref<128x128xf32, #tpu.memory_space<hbm>>
        %dma_wait3A_22 = arith.constant 0 : i32
        %dma_wait3A_23 = tpu.memref_slice %arg4[%add3A_11, %dma_wait3A_22] : memref<57344x128xf32, #tpu.memory_space<hbm>> -> memref<128x128xf32, #tpu.memory_space<hbm>>
        tpu.wait_dma2 semaphore(%run_scoped3A : memref<!tpu.dma_semaphore, #tpu.memory_space<semaphore_mem>>) src(%arg6 : memref<128x128xf32, #tpu.memory_space<vmem>>) dst(%dma_wait3A_23 : memref<128x128xf32, #tpu.memory_space<hbm>>)
        tpu.yield
      }) : () -> ()
    }
    %scan3A_7 = arith.constant 14 : i32
    return
  }
}

#map = affine_map<(d0, d1) -> (0, 0)>
#map1 = affine_map<(d0, d1) -> (0)>
module attributes {stable_mosaic.version = 14 : i64} {
  func.func @k(%arg0: i32, %arg1: i32, %arg2: memref<100000x128xf32, #tpu.memory_space<hbm>>, %arg3: memref<32768xi32, #tpu.memory_space<hbm>>, %arg4: memref<32768x128xf32, #tpu.memory_space<hbm>>, %arg5: memref<128xi32, #tpu.memory_space<vmem>>, %arg6: memref<128x128xf32, #tpu.memory_space<vmem>>, %arg7: memref<!tpu.dma_semaphore, #tpu.memory_space<semaphore_mem>>) attributes {dimension_semantics = [#tpu.dimension_semantics<core_parallel>, #tpu.dimension_semantics<subcore_parallel>], iteration_bounds = array<i64: 2, 16>, scalar_prefetch = 0 : i64, scratch_operands = 3 : i64, tpu.core_type = #tpu.core_type<sc_vector_subcore>, window_params = [{transform_indices = #map}, {transform_indices = #map1}, {transform_indices = #map}]} {
    %mul3A = arith.constant 2 : i32
    %mul3A_0 = arith.muli %arg1, %mul3A : i32
    %add3A = arith.addi %mul3A_0, %arg0 : i32
    %mul3A_1 = arith.constant 1024 : i32
    %mul3A_2 = arith.muli %add3A, %mul3A_1 : i32
    %scan3A = arith.constant 0 : i32
    %scan3A_3 = arith.constant 0 : i32
    %scan3A_4 = arith.constant 8 : i32
    %scan3A_5 = arith.addi %scan3A_3, %scan3A_4 : i32
    %scan3A_6 = arith.constant 1 : i32
    scf.for %scan3A_8 = %scan3A_3 to %scan3A_5 step %scan3A_6  : i32 {
      %mul3A_9 = arith.constant 128 : i32
      %mul3A_10 = arith.muli %scan3A_8, %mul3A_9 : i32
      %add3A_11 = arith.addi %mul3A_2, %mul3A_10 : i32
      "tpu.region"() ({
        %run_scoped3A = tpu.sem_alloc : memref<!tpu.dma_semaphore, #tpu.memory_space<semaphore_mem>>
        %dma_start3A_16 = tpu.memref_slice %arg3[%add3A_11] : memref<32768xi32, #tpu.memory_space<hbm>> -> memref<128xi32, #tpu.memory_space<hbm>>
        %dma_start3A_17 = tpu.memref_slice %arg3[%add3A_11] : memref<32768xi32, #tpu.memory_space<hbm>> -> memref<128xi32, #tpu.memory_space<hbm>>
        tpu.enqueue_dma source(%dma_start3A_17 : memref<128xi32, #tpu.memory_space<hbm>>) target(%arg5 : memref<128xi32, #tpu.memory_space<vmem>>) target_semaphore(%run_scoped3A : memref<!tpu.dma_semaphore, #tpu.memory_space<semaphore_mem>>)
        %dma_wait3A_18 = tpu.memref_slice %arg3[%add3A_11] : memref<32768xi32, #tpu.memory_space<hbm>> -> memref<128xi32, #tpu.memory_space<hbm>>
        %dma_wait3A_19 = tpu.memref_slice %arg3[%add3A_11] : memref<32768xi32, #tpu.memory_space<hbm>> -> memref<128xi32, #tpu.memory_space<hbm>>
        tpu.wait_dma2 semaphore(%run_scoped3A : memref<!tpu.dma_semaphore, #tpu.memory_space<semaphore_mem>>) src(%dma_wait3A_19 : memref<128xi32, #tpu.memory_space<hbm>>) dst(%arg5 : memref<128xi32, #tpu.memory_space<vmem>>)
        tpu.yield
      }) : () -> ()
      %dma_start3A = arith.constant 0 : i32
      %dma_start3A_12 = arith.constant 0 : i32
      %dma_start3A_13 = tpu.memref_slice %arg2[%dma_start3A, %dma_start3A_12] : memref<100000x128xf32, #tpu.memory_space<hbm>> -> memref<100000x128xf32, #tpu.memory_space<hbm>>
      tpu.enqueue_indirect_dma source(%dma_start3A_13 : memref<100000x128xf32, #tpu.memory_space<hbm>>) target(%arg6 : memref<128x128xf32, #tpu.memory_space<vmem>>) offsets(%arg5 : memref<128xi32, #tpu.memory_space<vmem>>) semaphore(%arg7 : memref<!tpu.dma_semaphore, #tpu.memory_space<semaphore_mem>>)
      %dma_wait3A = arith.constant 0 : i32
      %dma_wait3A_14 = arith.constant 0 : i32
      %dma_wait3A_15 = tpu.memref_slice %arg2[%dma_wait3A, %dma_wait3A_14] : memref<100000x128xf32, #tpu.memory_space<hbm>> -> memref<100000x128xf32, #tpu.memory_space<hbm>>
      tpu.wait_indirect_dma semaphore(%arg7 : memref<!tpu.dma_semaphore, #tpu.memory_space<semaphore_mem>>) src(%dma_wait3A_15 : memref<100000x128xf32, #tpu.memory_space<hbm>>) dst(%arg6 : memref<128x128xf32, #tpu.memory_space<vmem>>)
      "tpu.region"() ({
        %run_scoped3A = tpu.sem_alloc : memref<!tpu.dma_semaphore, #tpu.memory_space<semaphore_mem>>
        %dma_start3A_16 = arith.constant 0 : i32
        %dma_start3A_17 = tpu.memref_slice %arg4[%add3A_11, %dma_start3A_16] : memref<32768x128xf32, #tpu.memory_space<hbm>> -> memref<128x128xf32, #tpu.memory_space<hbm>>
        %dma_start3A_18 = arith.constant 0 : i32
        %dma_start3A_19 = tpu.memref_slice %arg4[%add3A_11, %dma_start3A_18] : memref<32768x128xf32, #tpu.memory_space<hbm>> -> memref<128x128xf32, #tpu.memory_space<hbm>>
        tpu.enqueue_dma source(%arg6 : memref<128x128xf32, #tpu.memory_space<vmem>>) target(%dma_start3A_19 : memref<128x128xf32, #tpu.memory_space<hbm>>) target_semaphore(%run_scoped3A : memref<!tpu.dma_semaphore, #tpu.memory_space<semaphore_mem>>)
        %dma_wait3A_20 = arith.constant 0 : i32
        %dma_wait3A_21 = tpu.memref_slice %arg4[%add3A_11, %dma_wait3A_20] : memref<32768x128xf32, #tpu.memory_space<hbm>> -> memref<128x128xf32, #tpu.memory_space<hbm>>
        %dma_wait3A_22 = arith.constant 0 : i32
        %dma_wait3A_23 = tpu.memref_slice %arg4[%add3A_11, %dma_wait3A_22] : memref<32768x128xf32, #tpu.memory_space<hbm>> -> memref<128x128xf32, #tpu.memory_space<hbm>>
        tpu.wait_dma2 semaphore(%run_scoped3A : memref<!tpu.dma_semaphore, #tpu.memory_space<semaphore_mem>>) src(%arg6 : memref<128x128xf32, #tpu.memory_space<vmem>>) dst(%dma_wait3A_23 : memref<128x128xf32, #tpu.memory_space<hbm>>)
        tpu.yield
      }) : () -> ()
    }
    %scan3A_7 = arith.constant 8 : i32
    return
  }
}

module attributes {stable_mosaic.version = 14 : i64} {
  func.func @_hist_kernel(%arg0: i32, %arg1: memref<4x56x128xf32, #tpu.memory_space<vmem>>, %arg2: memref<56x128xf32, #tpu.memory_space<vmem>>, %arg3: memref<56x128xf32, #tpu.memory_space<vmem>>, %arg4: memref<2x384x128xf32, #tpu.memory_space<vmem>>, %arg5: memref<2x1x384xf32, #tpu.memory_space<vmem>>, %arg6: memref<2x128x128xf32, #tpu.memory_space<vmem>>, %arg7: memref<2x1x128xf32, #tpu.memory_space<vmem>>, %arg8: memref<2x1x128xf32, #tpu.memory_space<vmem>>, %arg9: memref<2x1x128xf32, #tpu.memory_space<vmem>>, %arg10: memref<2x1x128xf32, #tpu.memory_space<vmem>>, %arg11: memref<2x1x128xf32, #tpu.memory_space<vmem>>, %arg12: memref<2x4x128xf32, #tpu.memory_space<vmem>>, %arg13: memref<2x1x4xf32, #tpu.memory_space<vmem>>, %arg14: memref<2x4x256x128xf32, #tpu.memory_space<vmem>>, %arg15: memref<2x4x1x256xf32, #tpu.memory_space<vmem>>, %arg16: memref<2x4x128x256xf32, #tpu.memory_space<vmem>>, %arg17: memref<2x4x1x128xf32, #tpu.memory_space<vmem>>, %arg18: memref<1x128xf32, #tpu.memory_space<vmem>>, %arg19: memref<1x128xf32, #tpu.memory_space<vmem>>, %arg20: memref<4x56x128xf32, #tpu.memory_space<vmem>>, %arg21: memref<8x4xf32, #tpu.memory_space<vmem>>) attributes {dimension_semantics = [#tpu.dimension_semantics<arbitrary>], iteration_bounds = array<i64: 256>, scalar_prefetch = 0 : i64, scratch_operands = 0 : i64, tpu.core_type = #tpu.core_type<tc>, window_params = [{transform_indices = @transform_0, window_bounds = array<i64: 4, 56, 128>}, {pipeline_mode = #tpu.pipeline_mode<synchronous>, transform_indices = @transform_1, window_bounds = array<i64: 56, 128>}, {pipeline_mode = #tpu.pipeline_mode<synchronous>, transform_indices = @transform_2, window_bounds = array<i64: 56, 128>}, {pipeline_mode = #tpu.pipeline_mode<synchronous>, transform_indices = @transform_3, window_bounds = array<i64: 2, 384, 128>}, {pipeline_mode = #tpu.pipeline_mode<synchronous>, transform_indices = @transform_4, window_bounds = array<i64: 2, 1, 384>}, {pipeline_mode = #tpu.pipeline_mode<synchronous>, transform_indices = @transform_5, window_bounds = array<i64: 2, 128, 128>}, {pipeline_mode = #tpu.pipeline_mode<synchronous>, transform_indices = @transform_6, window_bounds = array<i64: 2, 1, 128>}, {pipeline_mode = #tpu.pipeline_mode<synchronous>, transform_indices = @transform_7, window_bounds = array<i64: 2, 1, 128>}, {pipeline_mode = #tpu.pipeline_mode<synchronous>, transform_indices = @transform_8, window_bounds = array<i64: 2, 1, 128>}, {pipeline_mode = #tpu.pipeline_mode<synchronous>, transform_indices = @transform_9, window_bounds = array<i64: 2, 1, 128>}, {pipeline_mode = #tpu.pipeline_mode<synchronous>, transform_indices = @transform_10, window_bounds = array<i64: 2, 1, 128>}, {pipeline_mode = #tpu.pipeline_mode<synchronous>, transform_indices = @transform_11, window_bounds = array<i64: 2, 4, 128>}, {pipeline_mode = #tpu.pipeline_mode<synchronous>, transform_indices = @transform_12, window_bounds = array<i64: 2, 1, 4>}, {pipeline_mode = #tpu.pipeline_mode<synchronous>, transform_indices = @transform_13, window_bounds = array<i64: 2, 4, 256, 128>}, {pipeline_mode = #tpu.pipeline_mode<synchronous>, transform_indices = @transform_14, window_bounds = array<i64: 2, 4, 1, 256>}, {pipeline_mode = #tpu.pipeline_mode<synchronous>, transform_indices = @transform_15, window_bounds = array<i64: 2, 4, 128, 256>}, {pipeline_mode = #tpu.pipeline_mode<synchronous>, transform_indices = @transform_16, window_bounds = array<i64: 2, 4, 1, 128>}, {pipeline_mode = #tpu.pipeline_mode<synchronous>, transform_indices = @transform_17, window_bounds = array<i64: 1, 128>}, {pipeline_mode = #tpu.pipeline_mode<synchronous>, transform_indices = @transform_18, window_bounds = array<i64: 1, 128>}, {transform_indices = @transform_19, window_bounds = array<i64: 4, 56, 128>}, {pipeline_mode = #tpu.pipeline_mode<synchronous>, transform_indices = @transform_20, window_bounds = array<i64: 8, 4>}]} {
    %get3A = arith.constant 0 : index
    %get3A_0 = arith.constant 0 : index
    %get3A_1 = arith.constant 0 : index
    %get3A_2 = vector.load %arg1[%get3A, %get3A_0, %get3A_1] : memref<4x56x128xf32, #tpu.memory_space<vmem>>, vector<4x56x128xf32>
    %reshape3A = vector.shape_cast %get3A_2 : vector<4x56x128xf32> to vector<224x128xf32>
    %get3A_3 = arith.constant 0 : index
    %get3A_4 = arith.constant 0 : index
    %get3A_5 = vector.load %arg2[%get3A_3, %get3A_4] : memref<56x128xf32, #tpu.memory_space<vmem>>, vector<56x128xf32>
    %concatenate3A = tpu.concatenate %get3A_5, %get3A_5, %get3A_5, %get3A_5 in 0 : vector<56x128xf32>, vector<56x128xf32>, vector<56x128xf32>, vector<56x128xf32> -> vector<224x128xf32>
    %get3A_6 = arith.constant 0 : index
    %get3A_7 = arith.constant 0 : index
    %get3A_8 = vector.load %arg3[%get3A_6, %get3A_7] : memref<56x128xf32, #tpu.memory_space<vmem>>, vector<56x128xf32>
    %concatenate3A_9 = tpu.concatenate %get3A_8, %get3A_8, %get3A_8, %get3A_8 in 0 : vector<56x128xf32>, vector<56x128xf32>, vector<56x128xf32>, vector<56x128xf32> -> vector<224x128xf32>
    %slice3A = vector.extract_strided_slice %reshape3A {offsets = [0, 1], sizes = [224, 127], strides = [1, 1]} : vector<224x128xf32> to vector<224x127xf32>
    %slice3A_10 = vector.extract_strided_slice %reshape3A {offsets = [0, 0], sizes = [224, 1], strides = [1, 1]} : vector<224x128xf32> to vector<224x1xf32>
    %concatenate3A_11 = tpu.concatenate %slice3A, %slice3A_10 in 1 : vector<224x127xf32>, vector<224x1xf32> -> vector<224x128xf32>
    %mul3A = arith.mulf %reshape3A, %concatenate3A : vector<224x128xf32>
    %mul3A_12 = arith.mulf %concatenate3A_11, %concatenate3A_9 : vector<224x128xf32>
    %add3A = arith.addf %mul3A, %mul3A_12 : vector<224x128xf32>
    %iota3A = tpu.iota {dimensions = array<i32: 0>} : vector<224x224xi32>
    %iota3A_13 = tpu.iota {dimensions = array<i32: 1>} : vector<224x224xi32>
    %jit3A = arith.constant 56 : i32
    %div3A = vector.broadcast %jit3A : i32 to vector<224x224xi32>
    %div3A_14 = arith.divsi %iota3A, %div3A : vector<224x224xi32>
    %sign3A = arith.constant 0 : i32
    %sign3A_15 = vector.broadcast %sign3A : i32 to vector<224x224xi32>
    %sign3A_16 = arith.cmpi sgt, %iota3A, %sign3A_15 : vector<224x224xi32>
    %sign3A_17 = arith.extui %sign3A_16 : vector<224x224xi1> to vector<224x224xi32>
    %sign3A_18 = arith.constant 0 : i32
    %sign3A_19 = vector.broadcast %sign3A_18 : i32 to vector<224x224xi32>
    %sign3A_20 = arith.cmpi slt, %iota3A, %sign3A_19 : vector<224x224xi32>
    %sign3A_21 = arith.extui %sign3A_20 : vector<224x224xi1> to vector<224x224xi32>
    %sign3A_22 = arith.subi %sign3A_17, %sign3A_21 : vector<224x224xi32>
    %sign3A_23 = arith.constant 0 : i32
    %sign3A_24 = arith.cmpi sgt, %jit3A, %sign3A_23 : i32
    %sign3A_25 = arith.extui %sign3A_24 : i1 to i32
    %sign3A_26 = arith.constant 0 : i32
    %sign3A_27 = arith.cmpi slt, %jit3A, %sign3A_26 : i32
    %sign3A_28 = arith.extui %sign3A_27 : i1 to i32
    %sign3A_29 = arith.subi %sign3A_25, %sign3A_28 : i32
    %ne3A = vector.broadcast %sign3A_29 : i32 to vector<224x224xi32>
    %ne3A_30 = arith.cmpi ne, %sign3A_22, %ne3A : vector<224x224xi32>
    %rem3A = vector.broadcast %jit3A : i32 to vector<224x224xi32>
    %rem3A_31 = arith.remsi %iota3A, %rem3A : vector<224x224xi32>
    %ne3A_32 = arith.constant 0 : i32
    %ne3A_33 = vector.broadcast %ne3A_32 : i32 to vector<224x224xi32>
    %ne3A_34 = arith.cmpi ne, %rem3A_31, %ne3A_33 : vector<224x224xi32>
    %and3A = arith.andi %ne3A_30, %ne3A_34 : vector<224x224xi1>
    %sub3A = arith.constant 1 : i32
    %sub3A_35 = vector.broadcast %sub3A : i32 to vector<224x224xi32>
    %sub3A_36 = arith.subi %div3A_14, %sub3A_35 : vector<224x224xi32>
    %select_n3A = arith.select %and3A, %sub3A_36, %div3A_14 : vector<224x224xi1>, vector<224x224xi32>
    %jit3A_37 = arith.constant 56 : i32
    %div3A_38 = vector.broadcast %jit3A_37 : i32 to vector<224x224xi32>
    %div3A_39 = arith.divsi %iota3A_13, %div3A_38 : vector<224x224xi32>
    %sign3A_40 = arith.constant 0 : i32
    %sign3A_41 = vector.broadcast %sign3A_40 : i32 to vector<224x224xi32>
    %sign3A_42 = arith.cmpi sgt, %iota3A_13, %sign3A_41 : vector<224x224xi32>
    %sign3A_43 = arith.extui %sign3A_42 : vector<224x224xi1> to vector<224x224xi32>
    %sign3A_44 = arith.constant 0 : i32
    %sign3A_45 = vector.broadcast %sign3A_44 : i32 to vector<224x224xi32>
    %sign3A_46 = arith.cmpi slt, %iota3A_13, %sign3A_45 : vector<224x224xi32>
    %sign3A_47 = arith.extui %sign3A_46 : vector<224x224xi1> to vector<224x224xi32>
    %sign3A_48 = arith.subi %sign3A_43, %sign3A_47 : vector<224x224xi32>
    %sign3A_49 = arith.constant 0 : i32
    %sign3A_50 = arith.cmpi sgt, %jit3A_37, %sign3A_49 : i32
    %sign3A_51 = arith.extui %sign3A_50 : i1 to i32
    %sign3A_52 = arith.constant 0 : i32
    %sign3A_53 = arith.cmpi slt, %jit3A_37, %sign3A_52 : i32
    %sign3A_54 = arith.extui %sign3A_53 : i1 to i32
    %sign3A_55 = arith.subi %sign3A_51, %sign3A_54 : i32
    %ne3A_56 = vector.broadcast %sign3A_55 : i32 to vector<224x224xi32>
    %ne3A_57 = arith.cmpi ne, %sign3A_48, %ne3A_56 : vector<224x224xi32>
    %rem3A_58 = vector.broadcast %jit3A_37 : i32 to vector<224x224xi32>
    %rem3A_59 = arith.remsi %iota3A_13, %rem3A_58 : vector<224x224xi32>
    %ne3A_60 = arith.constant 0 : i32
    %ne3A_61 = vector.broadcast %ne3A_60 : i32 to vector<224x224xi32>
    %ne3A_62 = arith.cmpi ne, %rem3A_59, %ne3A_61 : vector<224x224xi32>
    %and3A_63 = arith.andi %ne3A_57, %ne3A_62 : vector<224x224xi1>
    %sub3A_64 = arith.constant 1 : i32
    %sub3A_65 = vector.broadcast %sub3A_64 : i32 to vector<224x224xi32>
    %sub3A_66 = arith.subi %div3A_39, %sub3A_65 : vector<224x224xi32>
    %select_n3A_67 = arith.select %and3A_63, %sub3A_66, %div3A_39 : vector<224x224xi1>, vector<224x224xi32>
    %eq3A = arith.cmpi eq, %select_n3A, %select_n3A_67 : vector<224x224xi32>
    %jit3A_68 = arith.constant 56 : i32
    %eq3A_69 = arith.constant 0 : i32
    %eq3A_70 = arith.cmpi eq, %jit3A_68, %eq3A_69 : i32
    %jit3A_71 = arith.constant 1 : i32
    %select_n3A_72 = arith.select %eq3A_70, %jit3A_71, %jit3A_68 : i32
    %rem3A_73 = vector.broadcast %select_n3A_72 : i32 to vector<224x224xi32>
    %rem3A_74 = arith.remsi %iota3A_13, %rem3A_73 : vector<224x224xi32>
    %ne3A_75 = arith.constant 0 : i32
    %ne3A_76 = vector.broadcast %ne3A_75 : i32 to vector<224x224xi32>
    %ne3A_77 = arith.cmpi ne, %rem3A_74, %ne3A_76 : vector<224x224xi32>
    %lt3A = arith.constant 0 : i32
    %lt3A_78 = vector.broadcast %lt3A : i32 to vector<224x224xi32>
    %lt3A_79 = arith.cmpi slt, %rem3A_74, %lt3A_78 : vector<224x224xi32>
    %lt3A_80 = arith.constant 0 : i32
    %lt3A_81 = arith.cmpi slt, %select_n3A_72, %lt3A_80 : i32
    %ne3A_82 = vector.broadcast %lt3A_81 : i1 to vector<224x224xi1>
    %ne3A_83 = vector.broadcast %ne3A_82 : vector<224x224xi1> to vector<224x224xi1>
    %ne3A_84 = arith.xori %lt3A_79, %ne3A_83 : vector<224x224xi1>
    %and3A_85 = arith.andi %ne3A_84, %ne3A_77 : vector<224x224xi1>
    %add3A_86 = vector.broadcast %select_n3A_72 : i32 to vector<224x224xi32>
    %add3A_87 = arith.addi %rem3A_74, %add3A_86 : vector<224x224xi32>
    %select_n3A_88 = arith.select %and3A_85, %add3A_87, %rem3A_74 : vector<224x224xi1>, vector<224x224xi32>
    %lt3A_89 = arith.constant 50 : i32
    %lt3A_90 = vector.broadcast %lt3A_89 : i32 to vector<224x224xi32>
    %lt3A_91 = arith.cmpi slt, %select_n3A_88, %lt3A_90 : vector<224x224xi32>
    %and3A_92 = arith.andi %eq3A, %lt3A_91 : vector<224x224xi1>
    %iota3A_93 = tpu.iota {dimensions = array<i32: 0>} : vector<224x1xi32>
    %jit3A_94 = arith.constant 56 : i32
    %eq3A_95 = arith.constant 0 : i32
    %eq3A_96 = arith.cmpi eq, %jit3A_94, %eq3A_95 : i32
    %jit3A_97 = arith.constant 1 : i32
    %select_n3A_98 = arith.select %eq3A_96, %jit3A_97, %jit3A_94 : i32
    %rem3A_99 = vector.broadcast %select_n3A_98 : i32 to vector<224x1xi32>
    %rem3A_100 = arith.remsi %iota3A_93, %rem3A_99 : vector<224x1xi32>
    %ne3A_101 = arith.constant 0 : i32
    %ne3A_102 = vector.broadcast %ne3A_101 : i32 to vector<224x1xi32>
    %ne3A_103 = arith.cmpi ne, %rem3A_100, %ne3A_102 : vector<224x1xi32>
    %lt3A_104 = arith.constant 0 : i32
    %lt3A_105 = vector.broadcast %lt3A_104 : i32 to vector<224x1xi32>
    %lt3A_106 = arith.cmpi slt, %rem3A_100, %lt3A_105 : vector<224x1xi32>
    %lt3A_107 = arith.constant 0 : i32
    %lt3A_108 = arith.cmpi slt, %select_n3A_98, %lt3A_107 : i32
    %ne3A_109 = vector.broadcast %lt3A_108 : i1 to vector<224x1xi1>
    %ne3A_110 = vector.broadcast %ne3A_109 : vector<224x1xi1> to vector<224x1xi1>
    %ne3A_111 = arith.xori %lt3A_106, %ne3A_110 : vector<224x1xi1>
    %and3A_112 = arith.andi %ne3A_111, %ne3A_103 : vector<224x1xi1>
    %add3A_113 = vector.broadcast %select_n3A_98 : i32 to vector<224x1xi32>
    %add3A_114 = arith.addi %rem3A_100, %add3A_113 : vector<224x1xi32>
    %select_n3A_115 = arith.select %and3A_112, %add3A_114, %rem3A_100 : vector<224x1xi1>, vector<224x1xi32>
    %lt3A_116 = arith.constant 50 : i32
    %lt3A_117 = vector.broadcast %lt3A_116 : i32 to vector<224x1xi32>
    %lt3A_118 = arith.cmpi slt, %select_n3A_115, %lt3A_117 : vector<224x1xi32>
    %eq3A_119 = arith.constant 0 : i32
    %eq3A_120 = arith.cmpi eq, %arg0, %eq3A_119 : i32
    %convert_element_type3A = arith.extui %eq3A_120 : i1 to i32
    %cond3A = arith.constant 0 : i32
    %cond3A_121 = arith.cmpi ne, %convert_element_type3A, %cond3A : i32
    scf.if %cond3A_121 {
      %broadcast_in_dim3A_1060 = arith.constant 0.000000e+00 : f32
      %broadcast_in_dim3A_1061 = vector.broadcast %broadcast_in_dim3A_1060 : f32 to vector<8x4xf32>
      %swap3A_1062 = arith.constant 0 : index
      %swap3A_1063 = arith.constant 0 : index
      %swap3A_1064 = vector.load %arg21[%swap3A_1062, %swap3A_1063] : memref<8x4xf32, #tpu.memory_space<vmem>>, vector<8x4xf32>
      tpu.vector_store %arg21[%swap3A_1062, %swap3A_1063], %broadcast_in_dim3A_1061 {strides = array<i32>} : memref<8x4xf32, #tpu.memory_space<vmem>>, vector<8x4xf32>,
    } else {
    }
    %get3A_122 = arith.constant 0 : index
    %get3A_123 = arith.constant 0 : index
    %get3A_124 = arith.constant 0 : index
    %get3A_125 = vector.load %arg4[%get3A_122, %get3A_123, %get3A_124] : memref<2x384x128xf32, #tpu.memory_space<vmem>>, vector<1x384x128xf32>
    %get3A_126 = vector.shape_cast %get3A_125 : vector<1x384x128xf32> to vector<384x128xf32>
    %dot_general3A = arith.constant dense<0.000000e+00> : vector<224x384xf32>
    %dot_general3A_127 = tpu.matmul %add3A, %get3A_126, %dot_general3A {dimension_numbers = #tpu.dot_dimension_numbers<[1], [1], [0], [0], [0, 0, 1, 0], [], []>, transpose_lhs_hint = false} : vector<224x128xf32>, vector<384x128xf32>, vector<224x384xf32> -> vector<224x384xf32>
    %get3A_128 = arith.constant 0 : index
    %get3A_129 = arith.constant 0 : index
    %get3A_130 = arith.constant 0 : index
    %get3A_131 = vector.load %arg5[%get3A_128, %get3A_129, %get3A_130] : memref<2x1x384xf32, #tpu.memory_space<vmem>>, vector<1x1x384xf32>
    %get3A_132 = vector.shape_cast %get3A_131 : vector<1x1x384xf32> to vector<1x384xf32>
    %add3A_133 = vector.broadcast %get3A_132 : vector<1x384xf32> to vector<224x384xf32>
    %add3A_134 = arith.addf %dot_general3A_127, %add3A_133 : vector<224x384xf32>
    %slice3A_135 = vector.extract_strided_slice %add3A_134 {offsets = [0, 0], sizes = [224, 128], strides = [1, 1]} : vector<224x384xf32> to vector<224x128xf32>
    %slice3A_136 = vector.extract_strided_slice %add3A_134 {offsets = [0, 128], sizes = [224, 128], strides = [1, 1]} : vector<224x384xf32> to vector<224x128xf32>
    %slice3A_137 = vector.extract_strided_slice %add3A_134 {offsets = [0, 256], sizes = [224, 128], strides = [1, 1]} : vector<224x384xf32> to vector<224x128xf32>
    %slice3A_138 = vector.extract_strided_slice %slice3A_135 {offsets = [0, 0], sizes = [224, 32], strides = [1, 1]} : vector<224x128xf32> to vector<224x32xf32>
    %slice3A_139 = vector.extract_strided_slice %slice3A_136 {offsets = [0, 0], sizes = [224, 32], strides = [1, 1]} : vector<224x128xf32> to vector<224x32xf32>
    %slice3A_140 = vector.extract_strided_slice %slice3A_137 {offsets = [0, 0], sizes = [224, 32], strides = [1, 1]} : vector<224x128xf32> to vector<224x32xf32>
    %dot_general3A_141 = arith.constant dense<0.000000e+00> : vector<224x224xf32>
    %dot_general3A_142 = tpu.matmul %slice3A_138, %slice3A_139, %dot_general3A_141 {dimension_numbers = #tpu.dot_dimension_numbers<[1], [1], [0], [0], [0, 0, 1, 0], [], []>, transpose_lhs_hint = false} : vector<224x32xf32>, vector<224x32xf32>, vector<224x224xf32> -> vector<224x224xf32>
    %mul3A_143 = arith.constant 0.176776692 : f32
    %mul3A_144 = vector.broadcast %mul3A_143 : f32 to vector<224x224xf32>
    %mul3A_145 = arith.mulf %dot_general3A_142, %mul3A_144 : vector<224x224xf32>
    %jit3A_146 = arith.constant -1.000000e+30 : f32
    %broadcast_in_dim3A = vector.broadcast %jit3A_146 : f32 to vector<224x224xf32>
    %select_n3A_147 = arith.select %and3A_92, %mul3A_145, %broadcast_in_dim3A : vector<224x224xi1>, vector<224x224xf32>
    %reduce_max3A = arith.constant dense<0xFF800000> : vector<224xf32>
    %reduce_max3A_148 = vector.multi_reduction <maximumf>, %select_n3A_147, %reduce_max3A [1] : vector<224x224xf32> to vector<224xf32>
    %broadcast_in_dim3A_149 = vector.shape_cast %reduce_max3A_148 : vector<224xf32> to vector<224x1xf32>
    %sub3A_150 = vector.broadcast %broadcast_in_dim3A_149 : vector<224x1xf32> to vector<224x224xf32>
    %sub3A_151 = arith.subf %select_n3A_147, %sub3A_150 : vector<224x224xf32>
    %exp3A = math.exp %sub3A_151 : vector<224x224xf32>
    %reduce_sum3A = arith.constant dense<0.000000e+00> : vector<224xf32>
    %reduce_sum3A_152 = vector.multi_reduction <add>, %exp3A, %reduce_sum3A [1] : vector<224x224xf32> to vector<224xf32>
    %broadcast_in_dim3A_153 = vector.shape_cast %reduce_sum3A_152 : vector<224xf32> to vector<224x1xf32>
    %div3A_154 = vector.broadcast %broadcast_in_dim3A_153 : vector<224x1xf32> to vector<224x224xf32>
    %div3A_155 = arith.divf %exp3A, %div3A_154 : vector<224x224xf32>
    %dot_general3A_156 = arith.constant dense<0.000000e+00> : vector<224x32xf32>
    %dot_general3A_157 = tpu.matmul %div3A_155, %slice3A_140, %dot_general3A_156 {dimension_numbers = #tpu.dot_dimension_numbers<[1], [0], [0], [1], [0, 0, 1, 1], [], []>, transpose_lhs_hint = false} : vector<224x224xf32>, vector<224x32xf32>, vector<224x32xf32> -> vector<224x32xf32>
    %slice3A_158 = vector.extract_strided_slice %slice3A_135 {offsets = [0, 32], sizes = [224, 32], strides = [1, 1]} : vector<224x128xf32> to vector<224x32xf32>
    %slice3A_159 = vector.extract_strided_slice %slice3A_136 {offsets = [0, 32], sizes = [224, 32], strides = [1, 1]} : vector<224x128xf32> to vector<224x32xf32>
    %slice3A_160 = vector.extract_strided_slice %slice3A_137 {offsets = [0, 32], sizes = [224, 32], strides = [1, 1]} : vector<224x128xf32> to vector<224x32xf32>
    %dot_general3A_161 = arith.constant dense<0.000000e+00> : vector<224x224xf32>
    %dot_general3A_162 = tpu.matmul %slice3A_158, %slice3A_159, %dot_general3A_161 {dimension_numbers = #tpu.dot_dimension_numbers<[1], [1], [0], [0], [0, 0, 1, 0], [], []>, transpose_lhs_hint = false} : vector<224x32xf32>, vector<224x32xf32>, vector<224x224xf32> -> vector<224x224xf32>
    %mul3A_163 = arith.constant 0.176776692 : f32
    %mul3A_164 = vector.broadcast %mul3A_163 : f32 to vector<224x224xf32>
    %mul3A_165 = arith.mulf %dot_general3A_162, %mul3A_164 : vector<224x224xf32>
    %jit3A_166 = arith.constant -1.000000e+30 : f32
    %broadcast_in_dim3A_167 = vector.broadcast %jit3A_166 : f32 to vector<224x224xf32>
    %select_n3A_168 = arith.select %and3A_92, %mul3A_165, %broadcast_in_dim3A_167 : vector<224x224xi1>, vector<224x224xf32>
    %reduce_max3A_169 = arith.constant dense<0xFF800000> : vector<224xf32>
    %reduce_max3A_170 = vector.multi_reduction <maximumf>, %select_n3A_168, %reduce_max3A_169 [1] : vector<224x224xf32> to vector<224xf32>
    %broadcast_in_dim3A_171 = vector.shape_cast %reduce_max3A_170 : vector<224xf32> to vector<224x1xf32>
    %sub3A_172 = vector.broadcast %broadcast_in_dim3A_171 : vector<224x1xf32> to vector<224x224xf32>
    %sub3A_173 = arith.subf %select_n3A_168, %sub3A_172 : vector<224x224xf32>
    %exp3A_174 = math.exp %sub3A_173 : vector<224x224xf32>
    %reduce_sum3A_175 = arith.constant dense<0.000000e+00> : vector<224xf32>
    %reduce_sum3A_176 = vector.multi_reduction <add>, %exp3A_174, %reduce_sum3A_175 [1] : vector<224x224xf32> to vector<224xf32>
    %broadcast_in_dim3A_177 = vector.shape_cast %reduce_sum3A_176 : vector<224xf32> to vector<224x1xf32>
    %div3A_178 = vector.broadcast %broadcast_in_dim3A_177 : vector<224x1xf32> to vector<224x224xf32>
    %div3A_179 = arith.divf %exp3A_174, %div3A_178 : vector<224x224xf32>
    %dot_general3A_180 = arith.constant dense<0.000000e+00> : vector<224x32xf32>
    %dot_general3A_181 = tpu.matmul %div3A_179, %slice3A_160, %dot_general3A_180 {dimension_numbers = #tpu.dot_dimension_numbers<[1], [0], [0], [1], [0, 0, 1, 1], [], []>, transpose_lhs_hint = false} : vector<224x224xf32>, vector<224x32xf32>, vector<224x32xf32> -> vector<224x32xf32>
    %slice3A_182 = vector.extract_strided_slice %slice3A_135 {offsets = [0, 64], sizes = [224, 32], strides = [1, 1]} : vector<224x128xf32> to vector<224x32xf32>
    %slice3A_183 = vector.extract_strided_slice %slice3A_136 {offsets = [0, 64], sizes = [224, 32], strides = [1, 1]} : vector<224x128xf32> to vector<224x32xf32>
    %slice3A_184 = vector.extract_strided_slice %slice3A_137 {offsets = [0, 64], sizes = [224, 32], strides = [1, 1]} : vector<224x128xf32> to vector<224x32xf32>
    %dot_general3A_185 = arith.constant dense<0.000000e+00> : vector<224x224xf32>
    %dot_general3A_186 = tpu.matmul %slice3A_182, %slice3A_183, %dot_general3A_185 {dimension_numbers = #tpu.dot_dimension_numbers<[1], [1], [0], [0], [0, 0, 1, 0], [], []>, transpose_lhs_hint = false} : vector<224x32xf32>, vector<224x32xf32>, vector<224x224xf32> -> vector<224x224xf32>
    %mul3A_187 = arith.constant 0.176776692 : f32
    %mul3A_188 = vector.broadcast %mul3A_187 : f32 to vector<224x224xf32>
    %mul3A_189 = arith.mulf %dot_general3A_186, %mul3A_188 : vector<224x224xf32>
    %jit3A_190 = arith.constant -1.000000e+30 : f32
    %broadcast_in_dim3A_191 = vector.broadcast %jit3A_190 : f32 to vector<224x224xf32>
    %select_n3A_192 = arith.select %and3A_92, %mul3A_189, %broadcast_in_dim3A_191 : vector<224x224xi1>, vector<224x224xf32>
    %reduce_max3A_193 = arith.constant dense<0xFF800000> : vector<224xf32>
    %reduce_max3A_194 = vector.multi_reduction <maximumf>, %select_n3A_192, %reduce_max3A_193 [1] : vector<224x224xf32> to vector<224xf32>
    %broadcast_in_dim3A_195 = vector.shape_cast %reduce_max3A_194 : vector<224xf32> to vector<224x1xf32>
    %sub3A_196 = vector.broadcast %broadcast_in_dim3A_195 : vector<224x1xf32> to vector<224x224xf32>
    %sub3A_197 = arith.subf %select_n3A_192, %sub3A_196 : vector<224x224xf32>
    %exp3A_198 = math.exp %sub3A_197 : vector<224x224xf32>
    %reduce_sum3A_199 = arith.constant dense<0.000000e+00> : vector<224xf32>
    %reduce_sum3A_200 = vector.multi_reduction <add>, %exp3A_198, %reduce_sum3A_199 [1] : vector<224x224xf32> to vector<224xf32>
    %broadcast_in_dim3A_201 = vector.shape_cast %reduce_sum3A_200 : vector<224xf32> to vector<224x1xf32>
    %div3A_202 = vector.broadcast %broadcast_in_dim3A_201 : vector<224x1xf32> to vector<224x224xf32>
    %div3A_203 = arith.divf %exp3A_198, %div3A_202 : vector<224x224xf32>
    %dot_general3A_204 = arith.constant dense<0.000000e+00> : vector<224x32xf32>
    %dot_general3A_205 = tpu.matmul %div3A_203, %slice3A_184, %dot_general3A_204 {dimension_numbers = #tpu.dot_dimension_numbers<[1], [0], [0], [1], [0, 0, 1, 1], [], []>, transpose_lhs_hint = false} : vector<224x224xf32>, vector<224x32xf32>, vector<224x32xf32> -> vector<224x32xf32>
    %slice3A_206 = vector.extract_strided_slice %slice3A_135 {offsets = [0, 96], sizes = [224, 32], strides = [1, 1]} : vector<224x128xf32> to vector<224x32xf32>
    %slice3A_207 = vector.extract_strided_slice %slice3A_136 {offsets = [0, 96], sizes = [224, 32], strides = [1, 1]} : vector<224x128xf32> to vector<224x32xf32>
    %slice3A_208 = vector.extract_strided_slice %slice3A_137 {offsets = [0, 96], sizes = [224, 32], strides = [1, 1]} : vector<224x128xf32> to vector<224x32xf32>
    %dot_general3A_209 = arith.constant dense<0.000000e+00> : vector<224x224xf32>
    %dot_general3A_210 = tpu.matmul %slice3A_206, %slice3A_207, %dot_general3A_209 {dimension_numbers = #tpu.dot_dimension_numbers<[1], [1], [0], [0], [0, 0, 1, 0], [], []>, transpose_lhs_hint = false} : vector<224x32xf32>, vector<224x32xf32>, vector<224x224xf32> -> vector<224x224xf32>
    %mul3A_211 = arith.constant 0.176776692 : f32
    %mul3A_212 = vector.broadcast %mul3A_211 : f32 to vector<224x224xf32>
    %mul3A_213 = arith.mulf %dot_general3A_210, %mul3A_212 : vector<224x224xf32>
    %jit3A_214 = arith.constant -1.000000e+30 : f32
    %broadcast_in_dim3A_215 = vector.broadcast %jit3A_214 : f32 to vector<224x224xf32>
    %select_n3A_216 = arith.select %and3A_92, %mul3A_213, %broadcast_in_dim3A_215 : vector<224x224xi1>, vector<224x224xf32>
    %reduce_max3A_217 = arith.constant dense<0xFF800000> : vector<224xf32>
    %reduce_max3A_218 = vector.multi_reduction <maximumf>, %select_n3A_216, %reduce_max3A_217 [1] : vector<224x224xf32> to vector<224xf32>
    %broadcast_in_dim3A_219 = vector.shape_cast %reduce_max3A_218 : vector<224xf32> to vector<224x1xf32>
    %sub3A_220 = vector.broadcast %broadcast_in_dim3A_219 : vector<224x1xf32> to vector<224x224xf32>
    %sub3A_221 = arith.subf %select_n3A_216, %sub3A_220 : vector<224x224xf32>
    %exp3A_222 = math.exp %sub3A_221 : vector<224x224xf32>
    %reduce_sum3A_223 = arith.constant dense<0.000000e+00> : vector<224xf32>
    %reduce_sum3A_224 = vector.multi_reduction <add>, %exp3A_222, %reduce_sum3A_223 [1] : vector<224x224xf32> to vector<224xf32>
    %broadcast_in_dim3A_225 = vector.shape_cast %reduce_sum3A_224 : vector<224xf32> to vector<224x1xf32>
    %div3A_226 = vector.broadcast %broadcast_in_dim3A_225 : vector<224x1xf32> to vector<224x224xf32>
    %div3A_227 = arith.divf %exp3A_222, %div3A_226 : vector<224x224xf32>
    %dot_general3A_228 = arith.constant dense<0.000000e+00> : vector<224x32xf32>
    %dot_general3A_229 = tpu.matmul %div3A_227, %slice3A_208, %dot_general3A_228 {dimension_numbers = #tpu.dot_dimension_numbers<[1], [0], [0], [1], [0, 0, 1, 1], [], []>, transpose_lhs_hint = false} : vector<224x224xf32>, vector<224x32xf32>, vector<224x32xf32> -> vector<224x32xf32>
    %concatenate3A_230 = tpu.concatenate %dot_general3A_157, %dot_general3A_181, %dot_general3A_205, %dot_general3A_229 in 1 : vector<224x32xf32>, vector<224x32xf32>, vector<224x32xf32>, vector<224x32xf32> -> vector<224x128xf32>
    %get3A_231 = arith.constant 0 : index
    %get3A_232 = arith.constant 0 : index
    %get3A_233 = arith.constant 0 : index
    %get3A_234 = vector.load %arg6[%get3A_231, %get3A_232, %get3A_233] : memref<2x128x128xf32, #tpu.memory_space<vmem>>, vector<1x128x128xf32>
    %get3A_235 = vector.shape_cast %get3A_234 : vector<1x128x128xf32> to vector<128x128xf32>
    %dot_general3A_236 = arith.constant dense<0.000000e+00> : vector<224x128xf32>
    %dot_general3A_237 = tpu.matmul %concatenate3A_230, %get3A_235, %dot_general3A_236 {dimension_numbers = #tpu.dot_dimension_numbers<[1], [1], [0], [0], [0, 0, 1, 0], [], []>, transpose_lhs_hint = false} : vector<224x128xf32>, vector<128x128xf32>, vector<224x128xf32> -> vector<224x128xf32>
    %get3A_238 = arith.constant 0 : index
    %get3A_239 = arith.constant 0 : index
    %get3A_240 = arith.constant 0 : index
    %get3A_241 = vector.load %arg7[%get3A_238, %get3A_239, %get3A_240] : memref<2x1x128xf32, #tpu.memory_space<vmem>>, vector<1x1x128xf32>
    %get3A_242 = vector.shape_cast %get3A_241 : vector<1x1x128xf32> to vector<1x128xf32>
    %add3A_243 = vector.broadcast %get3A_242 : vector<1x128xf32> to vector<224x128xf32>
    %add3A_244 = arith.addf %dot_general3A_237, %add3A_243 : vector<224x128xf32>
    %add3A_245 = arith.addf %add3A, %add3A_244 : vector<224x128xf32>
    %get3A_246 = arith.constant 0 : index
    %get3A_247 = arith.constant 0 : index
    %get3A_248 = arith.constant 0 : index
    %get3A_249 = vector.load %arg8[%get3A_246, %get3A_247, %get3A_248] : memref<2x1x128xf32, #tpu.memory_space<vmem>>, vector<1x1x128xf32>
    %get3A_250 = vector.shape_cast %get3A_249 : vector<1x1x128xf32> to vector<1x128xf32>
    %get3A_251 = arith.constant 0 : index
    %get3A_252 = arith.constant 0 : index
    %get3A_253 = arith.constant 0 : index
    %get3A_254 = vector.load %arg9[%get3A_251, %get3A_252, %get3A_253] : memref<2x1x128xf32, #tpu.memory_space<vmem>>, vector<1x1x128xf32>
    %get3A_255 = vector.shape_cast %get3A_254 : vector<1x1x128xf32> to vector<1x128xf32>
    %reduce_sum3A_256 = arith.constant dense<0.000000e+00> : vector<224xf32>
    %reduce_sum3A_257 = vector.multi_reduction <add>, %add3A_245, %reduce_sum3A_256 [1] : vector<224x128xf32> to vector<224xf32>
    %broadcast_in_dim3A_258 = vector.shape_cast %reduce_sum3A_257 : vector<224xf32> to vector<224x1xf32>
    %div3A_259 = arith.constant 1.280000e+02 : f32
    %div3A_260 = vector.broadcast %div3A_259 : f32 to vector<224x1xf32>
    %div3A_261 = arith.divf %broadcast_in_dim3A_258, %div3A_260 : vector<224x1xf32>
    %sub3A_262 = vector.broadcast %div3A_261 : vector<224x1xf32> to vector<224x128xf32>
    %sub3A_263 = arith.subf %add3A_245, %sub3A_262 : vector<224x128xf32>
    %mul3A_264 = arith.mulf %sub3A_263, %sub3A_263 : vector<224x128xf32>
    %reduce_sum3A_265 = arith.constant dense<0.000000e+00> : vector<224xf32>
    %reduce_sum3A_266 = vector.multi_reduction <add>, %mul3A_264, %reduce_sum3A_265 [1] : vector<224x128xf32> to vector<224xf32>
    %broadcast_in_dim3A_267 = vector.shape_cast %reduce_sum3A_266 : vector<224xf32> to vector<224x1xf32>
    %div3A_268 = arith.constant 1.280000e+02 : f32
    %div3A_269 = vector.broadcast %div3A_268 : f32 to vector<224x1xf32>
    %div3A_270 = arith.divf %broadcast_in_dim3A_267, %div3A_269 : vector<224x1xf32>
    %add3A_271 = arith.constant 9.99999974E-6 : f32
    %add3A_272 = vector.broadcast %add3A_271 : f32 to vector<224x1xf32>
    %add3A_273 = arith.addf %div3A_270, %add3A_272 : vector<224x1xf32>
    %sqrt3A = math.sqrt %add3A_273 : vector<224x1xf32>
    %div3A_274 = vector.broadcast %sqrt3A : vector<224x1xf32> to vector<224x128xf32>
    %div3A_275 = arith.divf %sub3A_263, %div3A_274 : vector<224x128xf32>
    %mul3A_276 = vector.broadcast %get3A_250 : vector<1x128xf32> to vector<224x128xf32>
    %mul3A_277 = arith.mulf %div3A_275, %mul3A_276 : vector<224x128xf32>
    %add3A_278 = vector.broadcast %get3A_255 : vector<1x128xf32> to vector<224x128xf32>
    %add3A_279 = arith.addf %mul3A_277, %add3A_278 : vector<224x128xf32>
    %get3A_280 = arith.constant 0 : index
    %get3A_281 = arith.constant 0 : index
    %get3A_282 = arith.constant 0 : index
    %get3A_283 = vector.load %arg12[%get3A_280, %get3A_281, %get3A_282] : memref<2x4x128xf32, #tpu.memory_space<vmem>>, vector<1x4x128xf32>
    %get3A_284 = vector.shape_cast %get3A_283 : vector<1x4x128xf32> to vector<4x128xf32>
    %get3A_285 = arith.constant 0 : index
    %get3A_286 = arith.constant 0 : index
    %get3A_287 = arith.constant 0 : index
    %get3A_288 = vector.load %arg13[%get3A_285, %get3A_286, %get3A_287] : memref<2x1x4xf32, #tpu.memory_space<vmem>>, vector<1x1x4xf32>
    %get3A_289 = vector.shape_cast %get3A_288 : vector<1x1x4xf32> to vector<1x4xf32>
    %get3A_290 = arith.constant 0 : index
    %get3A_291 = arith.constant 0 : index
    %get3A_292 = arith.constant 0 : index
    %get3A_293 = arith.constant 0 : index
    %get3A_294 = vector.load %arg14[%get3A_290, %get3A_291, %get3A_292, %get3A_293] : memref<2x4x256x128xf32, #tpu.memory_space<vmem>>, vector<1x4x256x128xf32>
    %get3A_295 = vector.shape_cast %get3A_294 : vector<1x4x256x128xf32> to vector<4x256x128xf32>
    %get3A_296 = arith.constant 0 : index
    %get3A_297 = arith.constant 0 : index
    %get3A_298 = arith.constant 0 : index
    %get3A_299 = arith.constant 0 : index
    %get3A_300 = vector.load %arg15[%get3A_296, %get3A_297, %get3A_298, %get3A_299] : memref<2x4x1x256xf32, #tpu.memory_space<vmem>>, vector<1x4x1x256xf32>
    %get3A_301 = vector.shape_cast %get3A_300 : vector<1x4x1x256xf32> to vector<4x1x256xf32>
    %get3A_302 = arith.constant 0 : index
    %get3A_303 = arith.constant 0 : index
    %get3A_304 = arith.constant 0 : index
    %get3A_305 = arith.constant 0 : index
    %get3A_306 = vector.load %arg16[%get3A_302, %get3A_303, %get3A_304, %get3A_305] : memref<2x4x128x256xf32, #tpu.memory_space<vmem>>, vector<1x4x128x256xf32>
    %get3A_307 = vector.shape_cast %get3A_306 : vector<1x4x128x256xf32> to vector<4x128x256xf32>
    %get3A_308 = arith.constant 0 : index
    %get3A_309 = arith.constant 0 : index
    %get3A_310 = arith.constant 0 : index
    %get3A_311 = arith.constant 0 : index
    %get3A_312 = vector.load %arg17[%get3A_308, %get3A_309, %get3A_310, %get3A_311] : memref<2x4x1x128xf32, #tpu.memory_space<vmem>>, vector<1x4x1x128xf32>
    %get3A_313 = vector.shape_cast %get3A_312 : vector<1x4x1x128xf32> to vector<4x1x128xf32>
    %dot_general3A_314 = arith.constant dense<0.000000e+00> : vector<224x4xf32>
    %dot_general3A_315 = tpu.matmul %add3A_279, %get3A_284, %dot_general3A_314 {dimension_numbers = #tpu.dot_dimension_numbers<[1], [1], [0], [0], [0, 0, 1, 0], [], []>, transpose_lhs_hint = false} : vector<224x128xf32>, vector<4x128xf32>, vector<224x4xf32> -> vector<224x4xf32>
    %add3A_316 = vector.broadcast %get3A_289 : vector<1x4xf32> to vector<224x4xf32>
    %add3A_317 = arith.addf %dot_general3A_315, %add3A_316 : vector<224x4xf32>
    %reduce_max3A_318 = arith.constant dense<0xFF800000> : vector<224xf32>
    %reduce_max3A_319 = vector.multi_reduction <maximumf>, %add3A_317, %reduce_max3A_318 [1] : vector<224x4xf32> to vector<224xf32>
    %broadcast_in_dim3A_320 = vector.shape_cast %reduce_max3A_319 : vector<224xf32> to vector<224x1xf32>
    %sub3A_321 = vector.broadcast %broadcast_in_dim3A_320 : vector<224x1xf32> to vector<224x4xf32>
    %sub3A_322 = arith.subf %add3A_317, %sub3A_321 : vector<224x4xf32>
    %exp3A_323 = math.exp %sub3A_322 : vector<224x4xf32>
    %reduce_sum3A_324 = arith.constant dense<0.000000e+00> : vector<224xf32>
    %reduce_sum3A_325 = vector.multi_reduction <add>, %exp3A_323, %reduce_sum3A_324 [1] : vector<224x4xf32> to vector<224xf32>
    %broadcast_in_dim3A_326 = vector.shape_cast %reduce_sum3A_325 : vector<224xf32> to vector<224x1xf32>
    %div3A_327 = vector.broadcast %broadcast_in_dim3A_326 : vector<224x1xf32> to vector<224x4xf32>
    %div3A_328 = arith.divf %exp3A_323, %div3A_327 : vector<224x4xf32>
    %iota3A_329 = tpu.iota {dimensions = array<i32: 1>} : vector<224x4xi32>
    %broadcast_in_dim3A_330 = arith.constant 0 : i32
    %broadcast_in_dim3A_331 = vector.broadcast %broadcast_in_dim3A_330 : i32 to vector<224x4xi32>
    %slice3A_332 = vector.extract_strided_slice %div3A_328 {offsets = [0, 0], sizes = [224, 1], strides = [1, 1]} : vector<224x4xf32> to vector<224x1xf32>
    %gt3A = vector.broadcast %slice3A_332 : vector<224x1xf32> to vector<224x4xf32>
    %gt3A_333 = arith.cmpf ogt, %gt3A, %div3A_328 : vector<224x4xf32>
    %convert_element_type3A_334 = arith.extui %gt3A_333 : vector<224x4xi1> to vector<224x4xi32>
    %add3A_335 = arith.addi %broadcast_in_dim3A_331, %convert_element_type3A_334 : vector<224x4xi32>
    %eq3A_336 = vector.broadcast %slice3A_332 : vector<224x1xf32> to vector<224x4xf32>
    %eq3A_337 = arith.cmpf oeq, %eq3A_336, %div3A_328 : vector<224x4xf32>
    %gt3A_338 = arith.constant 0 : i32
    %gt3A_339 = vector.broadcast %gt3A_338 : i32 to vector<224x4xi32>
    %gt3A_340 = arith.cmpi sgt, %iota3A_329, %gt3A_339 : vector<224x4xi32>
    %and3A_341 = arith.andi %eq3A_337, %gt3A_340 : vector<224x4xi1>
    %convert_element_type3A_342 = arith.extui %and3A_341 : vector<224x4xi1> to vector<224x4xi32>
    %add3A_343 = arith.addi %add3A_335, %convert_element_type3A_342 : vector<224x4xi32>
    %slice3A_344 = vector.extract_strided_slice %div3A_328 {offsets = [0, 1], sizes = [224, 1], strides = [1, 1]} : vector<224x4xf32> to vector<224x1xf32>
    %gt3A_345 = vector.broadcast %slice3A_344 : vector<224x1xf32> to vector<224x4xf32>
    %gt3A_346 = arith.cmpf ogt, %gt3A_345, %div3A_328 : vector<224x4xf32>
    %convert_element_type3A_347 = arith.extui %gt3A_346 : vector<224x4xi1> to vector<224x4xi32>
    %add3A_348 = arith.addi %add3A_343, %convert_element_type3A_347 : vector<224x4xi32>
    %eq3A_349 = vector.broadcast %slice3A_344 : vector<224x1xf32> to vector<224x4xf32>
    %eq3A_350 = arith.cmpf oeq, %eq3A_349, %div3A_328 : vector<224x4xf32>
    %gt3A_351 = arith.constant 1 : i32
    %gt3A_352 = vector.broadcast %gt3A_351 : i32 to vector<224x4xi32>
    %gt3A_353 = arith.cmpi sgt, %iota3A_329, %gt3A_352 : vector<224x4xi32>
    %and3A_354 = arith.andi %eq3A_350, %gt3A_353 : vector<224x4xi1>
    %convert_element_type3A_355 = arith.extui %and3A_354 : vector<224x4xi1> to vector<224x4xi32>
    %add3A_356 = arith.addi %add3A_348, %convert_element_type3A_355 : vector<224x4xi32>
    %slice3A_357 = vector.extract_strided_slice %div3A_328 {offsets = [0, 2], sizes = [224, 1], strides = [1, 1]} : vector<224x4xf32> to vector<224x1xf32>
    %gt3A_358 = vector.broadcast %slice3A_357 : vector<224x1xf32> to vector<224x4xf32>
    %gt3A_359 = arith.cmpf ogt, %gt3A_358, %div3A_328 : vector<224x4xf32>
    %convert_element_type3A_360 = arith.extui %gt3A_359 : vector<224x4xi1> to vector<224x4xi32>
    %add3A_361 = arith.addi %add3A_356, %convert_element_type3A_360 : vector<224x4xi32>
    %eq3A_362 = vector.broadcast %slice3A_357 : vector<224x1xf32> to vector<224x4xf32>
    %eq3A_363 = arith.cmpf oeq, %eq3A_362, %div3A_328 : vector<224x4xf32>
    %gt3A_364 = arith.constant 2 : i32
    %gt3A_365 = vector.broadcast %gt3A_364 : i32 to vector<224x4xi32>
    %gt3A_366 = arith.cmpi sgt, %iota3A_329, %gt3A_365 : vector<224x4xi32>
    %and3A_367 = arith.andi %eq3A_363, %gt3A_366 : vector<224x4xi1>
    %convert_element_type3A_368 = arith.extui %and3A_367 : vector<224x4xi1> to vector<224x4xi32>
    %add3A_369 = arith.addi %add3A_361, %convert_element_type3A_368 : vector<224x4xi32>
    %slice3A_370 = vector.extract_strided_slice %div3A_328 {offsets = [0, 3], sizes = [224, 1], strides = [1, 1]} : vector<224x4xf32> to vector<224x1xf32>
    %gt3A_371 = vector.broadcast %slice3A_370 : vector<224x1xf32> to vector<224x4xf32>
    %gt3A_372 = arith.cmpf ogt, %gt3A_371, %div3A_328 : vector<224x4xf32>
    %convert_element_type3A_373 = arith.extui %gt3A_372 : vector<224x4xi1> to vector<224x4xi32>
    %add3A_374 = arith.addi %add3A_369, %convert_element_type3A_373 : vector<224x4xi32>
    %eq3A_375 = vector.broadcast %slice3A_370 : vector<224x1xf32> to vector<224x4xf32>
    %eq3A_376 = arith.cmpf oeq, %eq3A_375, %div3A_328 : vector<224x4xf32>
    %gt3A_377 = arith.constant 3 : i32
    %gt3A_378 = vector.broadcast %gt3A_377 : i32 to vector<224x4xi32>
    %gt3A_379 = arith.cmpi sgt, %iota3A_329, %gt3A_378 : vector<224x4xi32>
    %and3A_380 = arith.andi %eq3A_376, %gt3A_379 : vector<224x4xi1>
    %convert_element_type3A_381 = arith.extui %and3A_380 : vector<224x4xi1> to vector<224x4xi32>
    %add3A_382 = arith.addi %add3A_374, %convert_element_type3A_381 : vector<224x4xi32>
    %lt3A_383 = arith.constant 2 : i32
    %lt3A_384 = vector.broadcast %lt3A_383 : i32 to vector<224x4xi32>
    %lt3A_385 = arith.cmpi slt, %add3A_382, %lt3A_384 : vector<224x4xi32>
    %jit3A_386 = arith.constant 0.000000e+00 : f32
    %broadcast_in_dim3A_387 = vector.broadcast %jit3A_386 : f32 to vector<224x4xf32>
    %select_n3A_388 = arith.select %lt3A_385, %div3A_328, %broadcast_in_dim3A_387 : vector<224x4xi1>, vector<224x4xf32>
    %reduce_sum3A_389 = arith.constant dense<0.000000e+00> : vector<224xf32>
    %reduce_sum3A_390 = vector.multi_reduction <add>, %select_n3A_388, %reduce_sum3A_389 [1] : vector<224x4xf32> to vector<224xf32>
    %broadcast_in_dim3A_391 = vector.shape_cast %reduce_sum3A_390 : vector<224xf32> to vector<224x1xf32>
    %div3A_392 = vector.broadcast %broadcast_in_dim3A_391 : vector<224x1xf32> to vector<224x4xf32>
    %div3A_393 = arith.divf %select_n3A_388, %div3A_392 : vector<224x4xf32>
    %broadcast_in_dim3A_394 = arith.constant 0.000000e+00 : f32
    %broadcast_in_dim3A_395 = vector.broadcast %broadcast_in_dim3A_394 : f32 to vector<224x128xf32>
    %slice3A_396 = vector.extract_strided_slice %get3A_295 {offsets = [0, 0, 0], sizes = [1, 256, 128], strides = [1, 1, 1]} : vector<4x256x128xf32> to vector<1x256x128xf32>
    %squeeze3A = vector.shape_cast %slice3A_396 : vector<1x256x128xf32> to vector<256x128xf32>
    %dot_general3A_397 = arith.constant dense<0.000000e+00> : vector<224x256xf32>
    %dot_general3A_398 = tpu.matmul %add3A_279, %squeeze3A, %dot_general3A_397 {dimension_numbers = #tpu.dot_dimension_numbers<[1], [1], [0], [0], [0, 0, 1, 0], [], []>, transpose_lhs_hint = false} : vector<224x128xf32>, vector<256x128xf32>, vector<224x256xf32> -> vector<224x256xf32>
    %slice3A_399 = vector.extract_strided_slice %get3A_301 {offsets = [0, 0, 0], sizes = [1, 1, 256], strides = [1, 1, 1]} : vector<4x1x256xf32> to vector<1x1x256xf32>
    %squeeze3A_400 = vector.shape_cast %slice3A_399 : vector<1x1x256xf32> to vector<1x256xf32>
    %add3A_401 = vector.broadcast %squeeze3A_400 : vector<1x256xf32> to vector<224x256xf32>
    %add3A_402 = arith.addf %dot_general3A_398, %add3A_401 : vector<224x256xf32>
    %mul3A_403 = arith.constant 5.000000e-01 : f32
    %mul3A_404 = vector.broadcast %mul3A_403 : f32 to vector<224x256xf32>
    %mul3A_405 = arith.mulf %mul3A_404, %add3A_402 : vector<224x256xf32>
    %mul3A_406 = arith.constant 0.707106769 : f32
    %mul3A_407 = vector.broadcast %mul3A_406 : f32 to vector<224x256xf32>
    %mul3A_408 = arith.mulf %add3A_402, %mul3A_407 : vector<224x256xf32>
    %erf3A = math.erf %mul3A_408 : vector<224x256xf32>
    %add3A_409 = arith.constant 1.000000e+00 : f32
    %add3A_410 = vector.broadcast %add3A_409 : f32 to vector<224x256xf32>
    %add3A_411 = arith.addf %add3A_410, %erf3A : vector<224x256xf32>
    %mul3A_412 = arith.mulf %mul3A_405, %add3A_411 : vector<224x256xf32>
    %slice3A_413 = vector.extract_strided_slice %get3A_307 {offsets = [0, 0, 0], sizes = [1, 128, 256], strides = [1, 1, 1]} : vector<4x128x256xf32> to vector<1x128x256xf32>
    %squeeze3A_414 = vector.shape_cast %slice3A_413 : vector<1x128x256xf32> to vector<128x256xf32>
    %dot_general3A_415 = arith.constant dense<0.000000e+00> : vector<224x128xf32>
    %dot_general3A_416 = tpu.matmul %mul3A_412, %squeeze3A_414, %dot_general3A_415 {dimension_numbers = #tpu.dot_dimension_numbers<[1], [1], [0], [0], [0, 0, 1, 0], [], []>, transpose_lhs_hint = false} : vector<224x256xf32>, vector<128x256xf32>, vector<224x128xf32> -> vector<224x128xf32>
    %slice3A_417 = vector.extract_strided_slice %get3A_313 {offsets = [0, 0, 0], sizes = [1, 1, 128], strides = [1, 1, 1]} : vector<4x1x128xf32> to vector<1x1x128xf32>
    %squeeze3A_418 = vector.shape_cast %slice3A_417 : vector<1x1x128xf32> to vector<1x128xf32>
    %add3A_419 = vector.broadcast %squeeze3A_418 : vector<1x128xf32> to vector<224x128xf32>
    %add3A_420 = arith.addf %dot_general3A_416, %add3A_419 : vector<224x128xf32>
    %slice3A_421 = vector.extract_strided_slice %div3A_393 {offsets = [0, 0], sizes = [224, 1], strides = [1, 1]} : vector<224x4xf32> to vector<224x1xf32>
    %mul3A_422 = vector.broadcast %slice3A_421 : vector<224x1xf32> to vector<224x128xf32>
    %mul3A_423 = arith.mulf %add3A_420, %mul3A_422 : vector<224x128xf32>
    %add3A_424 = arith.addf %broadcast_in_dim3A_395, %mul3A_423 : vector<224x128xf32>
    %slice3A_425 = vector.extract_strided_slice %get3A_295 {offsets = [1, 0, 0], sizes = [1, 256, 128], strides = [1, 1, 1]} : vector<4x256x128xf32> to vector<1x256x128xf32>
    %squeeze3A_426 = vector.shape_cast %slice3A_425 : vector<1x256x128xf32> to vector<256x128xf32>
    %dot_general3A_427 = arith.constant dense<0.000000e+00> : vector<224x256xf32>
    %dot_general3A_428 = tpu.matmul %add3A_279, %squeeze3A_426, %dot_general3A_427 {dimension_numbers = #tpu.dot_dimension_numbers<[1], [1], [0], [0], [0, 0, 1, 0], [], []>, transpose_lhs_hint = false} : vector<224x128xf32>, vector<256x128xf32>, vector<224x256xf32> -> vector<224x256xf32>
    %slice3A_429 = vector.extract_strided_slice %get3A_301 {offsets = [1, 0, 0], sizes = [1, 1, 256], strides = [1, 1, 1]} : vector<4x1x256xf32> to vector<1x1x256xf32>
    %squeeze3A_430 = vector.shape_cast %slice3A_429 : vector<1x1x256xf32> to vector<1x256xf32>
    %add3A_431 = vector.broadcast %squeeze3A_430 : vector<1x256xf32> to vector<224x256xf32>
    %add3A_432 = arith.addf %dot_general3A_428, %add3A_431 : vector<224x256xf32>
    %mul3A_433 = arith.constant 5.000000e-01 : f32
    %mul3A_434 = vector.broadcast %mul3A_433 : f32 to vector<224x256xf32>
    %mul3A_435 = arith.mulf %mul3A_434, %add3A_432 : vector<224x256xf32>
    %mul3A_436 = arith.constant 0.707106769 : f32
    %mul3A_437 = vector.broadcast %mul3A_436 : f32 to vector<224x256xf32>
    %mul3A_438 = arith.mulf %add3A_432, %mul3A_437 : vector<224x256xf32>
    %erf3A_439 = math.erf %mul3A_438 : vector<224x256xf32>
    %add3A_440 = arith.constant 1.000000e+00 : f32
    %add3A_441 = vector.broadcast %add3A_440 : f32 to vector<224x256xf32>
    %add3A_442 = arith.addf %add3A_441, %erf3A_439 : vector<224x256xf32>
    %mul3A_443 = arith.mulf %mul3A_435, %add3A_442 : vector<224x256xf32>
    %slice3A_444 = vector.extract_strided_slice %get3A_307 {offsets = [1, 0, 0], sizes = [1, 128, 256], strides = [1, 1, 1]} : vector<4x128x256xf32> to vector<1x128x256xf32>
    %squeeze3A_445 = vector.shape_cast %slice3A_444 : vector<1x128x256xf32> to vector<128x256xf32>
    %dot_general3A_446 = arith.constant dense<0.000000e+00> : vector<224x128xf32>
    %dot_general3A_447 = tpu.matmul %mul3A_443, %squeeze3A_445, %dot_general3A_446 {dimension_numbers = #tpu.dot_dimension_numbers<[1], [1], [0], [0], [0, 0, 1, 0], [], []>, transpose_lhs_hint = false} : vector<224x256xf32>, vector<128x256xf32>, vector<224x128xf32> -> vector<224x128xf32>
    %slice3A_448 = vector.extract_strided_slice %get3A_313 {offsets = [1, 0, 0], sizes = [1, 1, 128], strides = [1, 1, 1]} : vector<4x1x128xf32> to vector<1x1x128xf32>
    %squeeze3A_449 = vector.shape_cast %slice3A_448 : vector<1x1x128xf32> to vector<1x128xf32>
    %add3A_450 = vector.broadcast %squeeze3A_449 : vector<1x128xf32> to vector<224x128xf32>
    %add3A_451 = arith.addf %dot_general3A_447, %add3A_450 : vector<224x128xf32>
    %slice3A_452 = vector.extract_strided_slice %div3A_393 {offsets = [0, 1], sizes = [224, 1], strides = [1, 1]} : vector<224x4xf32> to vector<224x1xf32>
    %mul3A_453 = vector.broadcast %slice3A_452 : vector<224x1xf32> to vector<224x128xf32>
    %mul3A_454 = arith.mulf %add3A_451, %mul3A_453 : vector<224x128xf32>
    %add3A_455 = arith.addf %add3A_424, %mul3A_454 : vector<224x128xf32>
    %slice3A_456 = vector.extract_strided_slice %get3A_295 {offsets = [2, 0, 0], sizes = [1, 256, 128], strides = [1, 1, 1]} : vector<4x256x128xf32> to vector<1x256x128xf32>
    %squeeze3A_457 = vector.shape_cast %slice3A_456 : vector<1x256x128xf32> to vector<256x128xf32>
    %dot_general3A_458 = arith.constant dense<0.000000e+00> : vector<224x256xf32>
    %dot_general3A_459 = tpu.matmul %add3A_279, %squeeze3A_457, %dot_general3A_458 {dimension_numbers = #tpu.dot_dimension_numbers<[1], [1], [0], [0], [0, 0, 1, 0], [], []>, transpose_lhs_hint = false} : vector<224x128xf32>, vector<256x128xf32>, vector<224x256xf32> -> vector<224x256xf32>
    %slice3A_460 = vector.extract_strided_slice %get3A_301 {offsets = [2, 0, 0], sizes = [1, 1, 256], strides = [1, 1, 1]} : vector<4x1x256xf32> to vector<1x1x256xf32>
    %squeeze3A_461 = vector.shape_cast %slice3A_460 : vector<1x1x256xf32> to vector<1x256xf32>
    %add3A_462 = vector.broadcast %squeeze3A_461 : vector<1x256xf32> to vector<224x256xf32>
    %add3A_463 = arith.addf %dot_general3A_459, %add3A_462 : vector<224x256xf32>
    %mul3A_464 = arith.constant 5.000000e-01 : f32
    %mul3A_465 = vector.broadcast %mul3A_464 : f32 to vector<224x256xf32>
    %mul3A_466 = arith.mulf %mul3A_465, %add3A_463 : vector<224x256xf32>
    %mul3A_467 = arith.constant 0.707106769 : f32
    %mul3A_468 = vector.broadcast %mul3A_467 : f32 to vector<224x256xf32>
    %mul3A_469 = arith.mulf %add3A_463, %mul3A_468 : vector<224x256xf32>
    %erf3A_470 = math.erf %mul3A_469 : vector<224x256xf32>
    %add3A_471 = arith.constant 1.000000e+00 : f32
    %add3A_472 = vector.broadcast %add3A_471 : f32 to vector<224x256xf32>
    %add3A_473 = arith.addf %add3A_472, %erf3A_470 : vector<224x256xf32>
    %mul3A_474 = arith.mulf %mul3A_466, %add3A_473 : vector<224x256xf32>
    %slice3A_475 = vector.extract_strided_slice %get3A_307 {offsets = [2, 0, 0], sizes = [1, 128, 256], strides = [1, 1, 1]} : vector<4x128x256xf32> to vector<1x128x256xf32>
    %squeeze3A_476 = vector.shape_cast %slice3A_475 : vector<1x128x256xf32> to vector<128x256xf32>
    %dot_general3A_477 = arith.constant dense<0.000000e+00> : vector<224x128xf32>
    %dot_general3A_478 = tpu.matmul %mul3A_474, %squeeze3A_476, %dot_general3A_477 {dimension_numbers = #tpu.dot_dimension_numbers<[1], [1], [0], [0], [0, 0, 1, 0], [], []>, transpose_lhs_hint = false} : vector<224x256xf32>, vector<128x256xf32>, vector<224x128xf32> -> vector<224x128xf32>
    %slice3A_479 = vector.extract_strided_slice %get3A_313 {offsets = [2, 0, 0], sizes = [1, 1, 128], strides = [1, 1, 1]} : vector<4x1x128xf32> to vector<1x1x128xf32>
    %squeeze3A_480 = vector.shape_cast %slice3A_479 : vector<1x1x128xf32> to vector<1x128xf32>
    %add3A_481 = vector.broadcast %squeeze3A_480 : vector<1x128xf32> to vector<224x128xf32>
    %add3A_482 = arith.addf %dot_general3A_478, %add3A_481 : vector<224x128xf32>
    %slice3A_483 = vector.extract_strided_slice %div3A_393 {offsets = [0, 2], sizes = [224, 1], strides = [1, 1]} : vector<224x4xf32> to vector<224x1xf32>
    %mul3A_484 = vector.broadcast %slice3A_483 : vector<224x1xf32> to vector<224x128xf32>
    %mul3A_485 = arith.mulf %add3A_482, %mul3A_484 : vector<224x128xf32>
    %add3A_486 = arith.addf %add3A_455, %mul3A_485 : vector<224x128xf32>
    %slice3A_487 = vector.extract_strided_slice %get3A_295 {offsets = [3, 0, 0], sizes = [1, 256, 128], strides = [1, 1, 1]} : vector<4x256x128xf32> to vector<1x256x128xf32>
    %squeeze3A_488 = vector.shape_cast %slice3A_487 : vector<1x256x128xf32> to vector<256x128xf32>
    %dot_general3A_489 = arith.constant dense<0.000000e+00> : vector<224x256xf32>
    %dot_general3A_490 = tpu.matmul %add3A_279, %squeeze3A_488, %dot_general3A_489 {dimension_numbers = #tpu.dot_dimension_numbers<[1], [1], [0], [0], [0, 0, 1, 0], [], []>, transpose_lhs_hint = false} : vector<224x128xf32>, vector<256x128xf32>, vector<224x256xf32> -> vector<224x256xf32>
    %slice3A_491 = vector.extract_strided_slice %get3A_301 {offsets = [3, 0, 0], sizes = [1, 1, 256], strides = [1, 1, 1]} : vector<4x1x256xf32> to vector<1x1x256xf32>
    %squeeze3A_492 = vector.shape_cast %slice3A_491 : vector<1x1x256xf32> to vector<1x256xf32>
    %add3A_493 = vector.broadcast %squeeze3A_492 : vector<1x256xf32> to vector<224x256xf32>
    %add3A_494 = arith.addf %dot_general3A_490, %add3A_493 : vector<224x256xf32>
    %mul3A_495 = arith.constant 5.000000e-01 : f32
    %mul3A_496 = vector.broadcast %mul3A_495 : f32 to vector<224x256xf32>
    %mul3A_497 = arith.mulf %mul3A_496, %add3A_494 : vector<224x256xf32>
    %mul3A_498 = arith.constant 0.707106769 : f32
    %mul3A_499 = vector.broadcast %mul3A_498 : f32 to vector<224x256xf32>
    %mul3A_500 = arith.mulf %add3A_494, %mul3A_499 : vector<224x256xf32>
    %erf3A_501 = math.erf %mul3A_500 : vector<224x256xf32>
    %add3A_502 = arith.constant 1.000000e+00 : f32
    %add3A_503 = vector.broadcast %add3A_502 : f32 to vector<224x256xf32>
    %add3A_504 = arith.addf %add3A_503, %erf3A_501 : vector<224x256xf32>
    %mul3A_505 = arith.mulf %mul3A_497, %add3A_504 : vector<224x256xf32>
    %slice3A_506 = vector.extract_strided_slice %get3A_307 {offsets = [3, 0, 0], sizes = [1, 128, 256], strides = [1, 1, 1]} : vector<4x128x256xf32> to vector<1x128x256xf32>
    %squeeze3A_507 = vector.shape_cast %slice3A_506 : vector<1x128x256xf32> to vector<128x256xf32>
    %dot_general3A_508 = arith.constant dense<0.000000e+00> : vector<224x128xf32>
    %dot_general3A_509 = tpu.matmul %mul3A_505, %squeeze3A_507, %dot_general3A_508 {dimension_numbers = #tpu.dot_dimension_numbers<[1], [1], [0], [0], [0, 0, 1, 0], [], []>, transpose_lhs_hint = false} : vector<224x256xf32>, vector<128x256xf32>, vector<224x128xf32> -> vector<224x128xf32>
    %slice3A_510 = vector.extract_strided_slice %get3A_313 {offsets = [3, 0, 0], sizes = [1, 1, 128], strides = [1, 1, 1]} : vector<4x1x128xf32> to vector<1x1x128xf32>
    %squeeze3A_511 = vector.shape_cast %slice3A_510 : vector<1x1x128xf32> to vector<1x128xf32>
    %add3A_512 = vector.broadcast %squeeze3A_511 : vector<1x128xf32> to vector<224x128xf32>
    %add3A_513 = arith.addf %dot_general3A_509, %add3A_512 : vector<224x128xf32>
    %slice3A_514 = vector.extract_strided_slice %div3A_393 {offsets = [0, 3], sizes = [224, 1], strides = [1, 1]} : vector<224x4xf32> to vector<224x1xf32>
    %mul3A_515 = vector.broadcast %slice3A_514 : vector<224x1xf32> to vector<224x128xf32>
    %mul3A_516 = arith.mulf %add3A_513, %mul3A_515 : vector<224x128xf32>
    %add3A_517 = arith.addf %add3A_486, %mul3A_516 : vector<224x128xf32>
    %jit3A_518 = arith.constant 0.000000e+00 : f32
    %broadcast_in_dim3A_519 = vector.shape_cast %lt3A_118 : vector<224x1xi1> to vector<224x1xi1>
    %broadcast_in_dim3A_520 = vector.broadcast %broadcast_in_dim3A_519 : vector<224x1xi1> to vector<224x4xi1>
    %broadcast_in_dim3A_521 = vector.broadcast %jit3A_518 : f32 to vector<224x4xf32>
    %select_n3A_522 = arith.select %broadcast_in_dim3A_520, %div3A_328, %broadcast_in_dim3A_521 : vector<224x4xi1>, vector<224x4xf32>
    %reduce_sum3A_523 = arith.constant dense<0.000000e+00> : vector<4xf32>
    %reduce_sum3A_524 = vector.multi_reduction <add>, %select_n3A_522, %reduce_sum3A_523 [0] : vector<224x4xf32> to vector<4xf32>
    %broadcast_in_dim3A_525 = vector.shape_cast %reduce_sum3A_524 : vector<4xf32> to vector<1x4xf32>
    %get3A_526 = arith.constant 0 : index
    %get3A_527 = arith.constant 0 : index
    %get3A_528 = vector.load %arg21[%get3A_526, %get3A_527] : memref<8x4xf32, #tpu.memory_space<vmem>>, vector<1x4xf32>
    %add3A_529 = arith.addf %get3A_528, %broadcast_in_dim3A_525 : vector<1x4xf32>
    %swap3A = arith.constant 0 : index
    %swap3A_530 = arith.constant 0 : index
    %swap3A_531 = vector.load %arg21[%swap3A, %swap3A_530] : memref<8x4xf32, #tpu.memory_space<vmem>>, vector<1x4xf32>
    tpu.vector_store %arg21[%swap3A, %swap3A_530], %add3A_529 {strides = array<i32>} : memref<8x4xf32, #tpu.memory_space<vmem>>, vector<1x4xf32>,
    %add3A_532 = arith.addf %add3A_279, %add3A_517 : vector<224x128xf32>
    %get3A_533 = arith.constant 0 : index
    %get3A_534 = arith.constant 0 : index
    %get3A_535 = arith.constant 0 : index
    %get3A_536 = vector.load %arg10[%get3A_533, %get3A_534, %get3A_535] : memref<2x1x128xf32, #tpu.memory_space<vmem>>, vector<1x1x128xf32>
    %get3A_537 = vector.shape_cast %get3A_536 : vector<1x1x128xf32> to vector<1x128xf32>
    %get3A_538 = arith.constant 0 : index
    %get3A_539 = arith.constant 0 : index
    %get3A_540 = arith.constant 0 : index
    %get3A_541 = vector.load %arg11[%get3A_538, %get3A_539, %get3A_540] : memref<2x1x128xf32, #tpu.memory_space<vmem>>, vector<1x1x128xf32>
    %get3A_542 = vector.shape_cast %get3A_541 : vector<1x1x128xf32> to vector<1x128xf32>
    %reduce_sum3A_543 = arith.constant dense<0.000000e+00> : vector<224xf32>
    %reduce_sum3A_544 = vector.multi_reduction <add>, %add3A_532, %reduce_sum3A_543 [1] : vector<224x128xf32> to vector<224xf32>
    %broadcast_in_dim3A_545 = vector.shape_cast %reduce_sum3A_544 : vector<224xf32> to vector<224x1xf32>
    %div3A_546 = arith.constant 1.280000e+02 : f32
    %div3A_547 = vector.broadcast %div3A_546 : f32 to vector<224x1xf32>
    %div3A_548 = arith.divf %broadcast_in_dim3A_545, %div3A_547 : vector<224x1xf32>
    %sub3A_549 = vector.broadcast %div3A_548 : vector<224x1xf32> to vector<224x128xf32>
    %sub3A_550 = arith.subf %add3A_532, %sub3A_549 : vector<224x128xf32>
    %mul3A_551 = arith.mulf %sub3A_550, %sub3A_550 : vector<224x128xf32>
    %reduce_sum3A_552 = arith.constant dense<0.000000e+00> : vector<224xf32>
    %reduce_sum3A_553 = vector.multi_reduction <add>, %mul3A_551, %reduce_sum3A_552 [1] : vector<224x128xf32> to vector<224xf32>
    %broadcast_in_dim3A_554 = vector.shape_cast %reduce_sum3A_553 : vector<224xf32> to vector<224x1xf32>
    %div3A_555 = arith.constant 1.280000e+02 : f32
    %div3A_556 = vector.broadcast %div3A_555 : f32 to vector<224x1xf32>
    %div3A_557 = arith.divf %broadcast_in_dim3A_554, %div3A_556 : vector<224x1xf32>
    %add3A_558 = arith.constant 9.99999974E-6 : f32
    %add3A_559 = vector.broadcast %add3A_558 : f32 to vector<224x1xf32>
    %add3A_560 = arith.addf %div3A_557, %add3A_559 : vector<224x1xf32>
    %sqrt3A_561 = math.sqrt %add3A_560 : vector<224x1xf32>
    %div3A_562 = vector.broadcast %sqrt3A_561 : vector<224x1xf32> to vector<224x128xf32>
    %div3A_563 = arith.divf %sub3A_550, %div3A_562 : vector<224x128xf32>
    %mul3A_564 = vector.broadcast %get3A_537 : vector<1x128xf32> to vector<224x128xf32>
    %mul3A_565 = arith.mulf %div3A_563, %mul3A_564 : vector<224x128xf32>
    %add3A_566 = vector.broadcast %get3A_542 : vector<1x128xf32> to vector<224x128xf32>
    %add3A_567 = arith.addf %mul3A_565, %add3A_566 : vector<224x128xf32>
    %get3A_568 = arith.constant 1 : index
    %get3A_569 = arith.constant 0 : index
    %get3A_570 = arith.constant 0 : index
    %get3A_571 = vector.load %arg4[%get3A_568, %get3A_569, %get3A_570] : memref<2x384x128xf32, #tpu.memory_space<vmem>>, vector<1x384x128xf32>
    %get3A_572 = vector.shape_cast %get3A_571 : vector<1x384x128xf32> to vector<384x128xf32>
    %dot_general3A_573 = arith.constant dense<0.000000e+00> : vector<224x384xf32>
    %dot_general3A_574 = tpu.matmul %add3A_567, %get3A_572, %dot_general3A_573 {dimension_numbers = #tpu.dot_dimension_numbers<[1], [1], [0], [0], [0, 0, 1, 0], [], []>, transpose_lhs_hint = false} : vector<224x128xf32>, vector<384x128xf32>, vector<224x384xf32> -> vector<224x384xf32>
    %get3A_575 = arith.constant 1 : index
    %get3A_576 = arith.constant 0 : index
    %get3A_577 = arith.constant 0 : index
    %get3A_578 = vector.load %arg5[%get3A_575, %get3A_576, %get3A_577] : memref<2x1x384xf32, #tpu.memory_space<vmem>>, vector<1x1x384xf32>
    %get3A_579 = vector.shape_cast %get3A_578 : vector<1x1x384xf32> to vector<1x384xf32>
    %add3A_580 = vector.broadcast %get3A_579 : vector<1x384xf32> to vector<224x384xf32>
    %add3A_581 = arith.addf %dot_general3A_574, %add3A_580 : vector<224x384xf32>
    %slice3A_582 = vector.extract_strided_slice %add3A_581 {offsets = [0, 0], sizes = [224, 128], strides = [1, 1]} : vector<224x384xf32> to vector<224x128xf32>
    %slice3A_583 = vector.extract_strided_slice %add3A_581 {offsets = [0, 128], sizes = [224, 128], strides = [1, 1]} : vector<224x384xf32> to vector<224x128xf32>
    %slice3A_584 = vector.extract_strided_slice %add3A_581 {offsets = [0, 256], sizes = [224, 128], strides = [1, 1]} : vector<224x384xf32> to vector<224x128xf32>
    %slice3A_585 = vector.extract_strided_slice %slice3A_582 {offsets = [0, 0], sizes = [224, 32], strides = [1, 1]} : vector<224x128xf32> to vector<224x32xf32>
    %slice3A_586 = vector.extract_strided_slice %slice3A_583 {offsets = [0, 0], sizes = [224, 32], strides = [1, 1]} : vector<224x128xf32> to vector<224x32xf32>
    %slice3A_587 = vector.extract_strided_slice %slice3A_584 {offsets = [0, 0], sizes = [224, 32], strides = [1, 1]} : vector<224x128xf32> to vector<224x32xf32>
    %dot_general3A_588 = arith.constant dense<0.000000e+00> : vector<224x224xf32>
    %dot_general3A_589 = tpu.matmul %slice3A_585, %slice3A_586, %dot_general3A_588 {dimension_numbers = #tpu.dot_dimension_numbers<[1], [1], [0], [0], [0, 0, 1, 0], [], []>, transpose_lhs_hint = false} : vector<224x32xf32>, vector<224x32xf32>, vector<224x224xf32> -> vector<224x224xf32>
    %mul3A_590 = arith.constant 0.176776692 : f32
    %mul3A_591 = vector.broadcast %mul3A_590 : f32 to vector<224x224xf32>
    %mul3A_592 = arith.mulf %dot_general3A_589, %mul3A_591 : vector<224x224xf32>
    %jit3A_593 = arith.constant -1.000000e+30 : f32
    %broadcast_in_dim3A_594 = vector.broadcast %jit3A_593 : f32 to vector<224x224xf32>
    %select_n3A_595 = arith.select %and3A_92, %mul3A_592, %broadcast_in_dim3A_594 : vector<224x224xi1>, vector<224x224xf32>
    %reduce_max3A_596 = arith.constant dense<0xFF800000> : vector<224xf32>
    %reduce_max3A_597 = vector.multi_reduction <maximumf>, %select_n3A_595, %reduce_max3A_596 [1] : vector<224x224xf32> to vector<224xf32>
    %broadcast_in_dim3A_598 = vector.shape_cast %reduce_max3A_597 : vector<224xf32> to vector<224x1xf32>
    %sub3A_599 = vector.broadcast %broadcast_in_dim3A_598 : vector<224x1xf32> to vector<224x224xf32>
    %sub3A_600 = arith.subf %select_n3A_595, %sub3A_599 : vector<224x224xf32>
    %exp3A_601 = math.exp %sub3A_600 : vector<224x224xf32>
    %reduce_sum3A_602 = arith.constant dense<0.000000e+00> : vector<224xf32>
    %reduce_sum3A_603 = vector.multi_reduction <add>, %exp3A_601, %reduce_sum3A_602 [1] : vector<224x224xf32> to vector<224xf32>
    %broadcast_in_dim3A_604 = vector.shape_cast %reduce_sum3A_603 : vector<224xf32> to vector<224x1xf32>
    %div3A_605 = vector.broadcast %broadcast_in_dim3A_604 : vector<224x1xf32> to vector<224x224xf32>
    %div3A_606 = arith.divf %exp3A_601, %div3A_605 : vector<224x224xf32>
    %dot_general3A_607 = arith.constant dense<0.000000e+00> : vector<224x32xf32>
    %dot_general3A_608 = tpu.matmul %div3A_606, %slice3A_587, %dot_general3A_607 {dimension_numbers = #tpu.dot_dimension_numbers<[1], [0], [0], [1], [0, 0, 1, 1], [], []>, transpose_lhs_hint = false} : vector<224x224xf32>, vector<224x32xf32>, vector<224x32xf32> -> vector<224x32xf32>
    %slice3A_609 = vector.extract_strided_slice %slice3A_582 {offsets = [0, 32], sizes = [224, 32], strides = [1, 1]} : vector<224x128xf32> to vector<224x32xf32>
    %slice3A_610 = vector.extract_strided_slice %slice3A_583 {offsets = [0, 32], sizes = [224, 32], strides = [1, 1]} : vector<224x128xf32> to vector<224x32xf32>
    %slice3A_611 = vector.extract_strided_slice %slice3A_584 {offsets = [0, 32], sizes = [224, 32], strides = [1, 1]} : vector<224x128xf32> to vector<224x32xf32>
    %dot_general3A_612 = arith.constant dense<0.000000e+00> : vector<224x224xf32>
    %dot_general3A_613 = tpu.matmul %slice3A_609, %slice3A_610, %dot_general3A_612 {dimension_numbers = #tpu.dot_dimension_numbers<[1], [1], [0], [0], [0, 0, 1, 0], [], []>, transpose_lhs_hint = false} : vector<224x32xf32>, vector<224x32xf32>, vector<224x224xf32> -> vector<224x224xf32>
    %mul3A_614 = arith.constant 0.176776692 : f32
    %mul3A_615 = vector.broadcast %mul3A_614 : f32 to vector<224x224xf32>
    %mul3A_616 = arith.mulf %dot_general3A_613, %mul3A_615 : vector<224x224xf32>
    %jit3A_617 = arith.constant -1.000000e+30 : f32
    %broadcast_in_dim3A_618 = vector.broadcast %jit3A_617 : f32 to vector<224x224xf32>
    %select_n3A_619 = arith.select %and3A_92, %mul3A_616, %broadcast_in_dim3A_618 : vector<224x224xi1>, vector<224x224xf32>
    %reduce_max3A_620 = arith.constant dense<0xFF800000> : vector<224xf32>
    %reduce_max3A_621 = vector.multi_reduction <maximumf>, %select_n3A_619, %reduce_max3A_620 [1] : vector<224x224xf32> to vector<224xf32>
    %broadcast_in_dim3A_622 = vector.shape_cast %reduce_max3A_621 : vector<224xf32> to vector<224x1xf32>
    %sub3A_623 = vector.broadcast %broadcast_in_dim3A_622 : vector<224x1xf32> to vector<224x224xf32>
    %sub3A_624 = arith.subf %select_n3A_619, %sub3A_623 : vector<224x224xf32>
    %exp3A_625 = math.exp %sub3A_624 : vector<224x224xf32>
    %reduce_sum3A_626 = arith.constant dense<0.000000e+00> : vector<224xf32>
    %reduce_sum3A_627 = vector.multi_reduction <add>, %exp3A_625, %reduce_sum3A_626 [1] : vector<224x224xf32> to vector<224xf32>
    %broadcast_in_dim3A_628 = vector.shape_cast %reduce_sum3A_627 : vector<224xf32> to vector<224x1xf32>
    %div3A_629 = vector.broadcast %broadcast_in_dim3A_628 : vector<224x1xf32> to vector<224x224xf32>
    %div3A_630 = arith.divf %exp3A_625, %div3A_629 : vector<224x224xf32>
    %dot_general3A_631 = arith.constant dense<0.000000e+00> : vector<224x32xf32>
    %dot_general3A_632 = tpu.matmul %div3A_630, %slice3A_611, %dot_general3A_631 {dimension_numbers = #tpu.dot_dimension_numbers<[1], [0], [0], [1], [0, 0, 1, 1], [], []>, transpose_lhs_hint = false} : vector<224x224xf32>, vector<224x32xf32>, vector<224x32xf32> -> vector<224x32xf32>
    %slice3A_633 = vector.extract_strided_slice %slice3A_582 {offsets = [0, 64], sizes = [224, 32], strides = [1, 1]} : vector<224x128xf32> to vector<224x32xf32>
    %slice3A_634 = vector.extract_strided_slice %slice3A_583 {offsets = [0, 64], sizes = [224, 32], strides = [1, 1]} : vector<224x128xf32> to vector<224x32xf32>
    %slice3A_635 = vector.extract_strided_slice %slice3A_584 {offsets = [0, 64], sizes = [224, 32], strides = [1, 1]} : vector<224x128xf32> to vector<224x32xf32>
    %dot_general3A_636 = arith.constant dense<0.000000e+00> : vector<224x224xf32>
    %dot_general3A_637 = tpu.matmul %slice3A_633, %slice3A_634, %dot_general3A_636 {dimension_numbers = #tpu.dot_dimension_numbers<[1], [1], [0], [0], [0, 0, 1, 0], [], []>, transpose_lhs_hint = false} : vector<224x32xf32>, vector<224x32xf32>, vector<224x224xf32> -> vector<224x224xf32>
    %mul3A_638 = arith.constant 0.176776692 : f32
    %mul3A_639 = vector.broadcast %mul3A_638 : f32 to vector<224x224xf32>
    %mul3A_640 = arith.mulf %dot_general3A_637, %mul3A_639 : vector<224x224xf32>
    %jit3A_641 = arith.constant -1.000000e+30 : f32
    %broadcast_in_dim3A_642 = vector.broadcast %jit3A_641 : f32 to vector<224x224xf32>
    %select_n3A_643 = arith.select %and3A_92, %mul3A_640, %broadcast_in_dim3A_642 : vector<224x224xi1>, vector<224x224xf32>
    %reduce_max3A_644 = arith.constant dense<0xFF800000> : vector<224xf32>
    %reduce_max3A_645 = vector.multi_reduction <maximumf>, %select_n3A_643, %reduce_max3A_644 [1] : vector<224x224xf32> to vector<224xf32>
    %broadcast_in_dim3A_646 = vector.shape_cast %reduce_max3A_645 : vector<224xf32> to vector<224x1xf32>
    %sub3A_647 = vector.broadcast %broadcast_in_dim3A_646 : vector<224x1xf32> to vector<224x224xf32>
    %sub3A_648 = arith.subf %select_n3A_643, %sub3A_647 : vector<224x224xf32>
    %exp3A_649 = math.exp %sub3A_648 : vector<224x224xf32>
    %reduce_sum3A_650 = arith.constant dense<0.000000e+00> : vector<224xf32>
    %reduce_sum3A_651 = vector.multi_reduction <add>, %exp3A_649, %reduce_sum3A_650 [1] : vector<224x224xf32> to vector<224xf32>
    %broadcast_in_dim3A_652 = vector.shape_cast %reduce_sum3A_651 : vector<224xf32> to vector<224x1xf32>
    %div3A_653 = vector.broadcast %broadcast_in_dim3A_652 : vector<224x1xf32> to vector<224x224xf32>
    %div3A_654 = arith.divf %exp3A_649, %div3A_653 : vector<224x224xf32>
    %dot_general3A_655 = arith.constant dense<0.000000e+00> : vector<224x32xf32>
    %dot_general3A_656 = tpu.matmul %div3A_654, %slice3A_635, %dot_general3A_655 {dimension_numbers = #tpu.dot_dimension_numbers<[1], [0], [0], [1], [0, 0, 1, 1], [], []>, transpose_lhs_hint = false} : vector<224x224xf32>, vector<224x32xf32>, vector<224x32xf32> -> vector<224x32xf32>
    %slice3A_657 = vector.extract_strided_slice %slice3A_582 {offsets = [0, 96], sizes = [224, 32], strides = [1, 1]} : vector<224x128xf32> to vector<224x32xf32>
    %slice3A_658 = vector.extract_strided_slice %slice3A_583 {offsets = [0, 96], sizes = [224, 32], strides = [1, 1]} : vector<224x128xf32> to vector<224x32xf32>
    %slice3A_659 = vector.extract_strided_slice %slice3A_584 {offsets = [0, 96], sizes = [224, 32], strides = [1, 1]} : vector<224x128xf32> to vector<224x32xf32>
    %dot_general3A_660 = arith.constant dense<0.000000e+00> : vector<224x224xf32>
    %dot_general3A_661 = tpu.matmul %slice3A_657, %slice3A_658, %dot_general3A_660 {dimension_numbers = #tpu.dot_dimension_numbers<[1], [1], [0], [0], [0, 0, 1, 0], [], []>, transpose_lhs_hint = false} : vector<224x32xf32>, vector<224x32xf32>, vector<224x224xf32> -> vector<224x224xf32>
    %mul3A_662 = arith.constant 0.176776692 : f32
    %mul3A_663 = vector.broadcast %mul3A_662 : f32 to vector<224x224xf32>
    %mul3A_664 = arith.mulf %dot_general3A_661, %mul3A_663 : vector<224x224xf32>
    %jit3A_665 = arith.constant -1.000000e+30 : f32
    %broadcast_in_dim3A_666 = vector.broadcast %jit3A_665 : f32 to vector<224x224xf32>
    %select_n3A_667 = arith.select %and3A_92, %mul3A_664, %broadcast_in_dim3A_666 : vector<224x224xi1>, vector<224x224xf32>
    %reduce_max3A_668 = arith.constant dense<0xFF800000> : vector<224xf32>
    %reduce_max3A_669 = vector.multi_reduction <maximumf>, %select_n3A_667, %reduce_max3A_668 [1] : vector<224x224xf32> to vector<224xf32>
    %broadcast_in_dim3A_670 = vector.shape_cast %reduce_max3A_669 : vector<224xf32> to vector<224x1xf32>
    %sub3A_671 = vector.broadcast %broadcast_in_dim3A_670 : vector<224x1xf32> to vector<224x224xf32>
    %sub3A_672 = arith.subf %select_n3A_667, %sub3A_671 : vector<224x224xf32>
    %exp3A_673 = math.exp %sub3A_672 : vector<224x224xf32>
    %reduce_sum3A_674 = arith.constant dense<0.000000e+00> : vector<224xf32>
    %reduce_sum3A_675 = vector.multi_reduction <add>, %exp3A_673, %reduce_sum3A_674 [1] : vector<224x224xf32> to vector<224xf32>
    %broadcast_in_dim3A_676 = vector.shape_cast %reduce_sum3A_675 : vector<224xf32> to vector<224x1xf32>
    %div3A_677 = vector.broadcast %broadcast_in_dim3A_676 : vector<224x1xf32> to vector<224x224xf32>
    %div3A_678 = arith.divf %exp3A_673, %div3A_677 : vector<224x224xf32>
    %dot_general3A_679 = arith.constant dense<0.000000e+00> : vector<224x32xf32>
    %dot_general3A_680 = tpu.matmul %div3A_678, %slice3A_659, %dot_general3A_679 {dimension_numbers = #tpu.dot_dimension_numbers<[1], [0], [0], [1], [0, 0, 1, 1], [], []>, transpose_lhs_hint = false} : vector<224x224xf32>, vector<224x32xf32>, vector<224x32xf32> -> vector<224x32xf32>
    %concatenate3A_681 = tpu.concatenate %dot_general3A_608, %dot_general3A_632, %dot_general3A_656, %dot_general3A_680 in 1 : vector<224x32xf32>, vector<224x32xf32>, vector<224x32xf32>, vector<224x32xf32> -> vector<224x128xf32>
    %get3A_682 = arith.constant 1 : index
    %get3A_683 = arith.constant 0 : index
    %get3A_684 = arith.constant 0 : index
    %get3A_685 = vector.load %arg6[%get3A_682, %get3A_683, %get3A_684] : memref<2x128x128xf32, #tpu.memory_space<vmem>>, vector<1x128x128xf32>
    %get3A_686 = vector.shape_cast %get3A_685 : vector<1x128x128xf32> to vector<128x128xf32>
    %dot_general3A_687 = arith.constant dense<0.000000e+00> : vector<224x128xf32>
    %dot_general3A_688 = tpu.matmul %concatenate3A_681, %get3A_686, %dot_general3A_687 {dimension_numbers = #tpu.dot_dimension_numbers<[1], [1], [0], [0], [0, 0, 1, 0], [], []>, transpose_lhs_hint = false} : vector<224x128xf32>, vector<128x128xf32>, vector<224x128xf32> -> vector<224x128xf32>
    %get3A_689 = arith.constant 1 : index
    %get3A_690 = arith.constant 0 : index
    %get3A_691 = arith.constant 0 : index
    %get3A_692 = vector.load %arg7[%get3A_689, %get3A_690, %get3A_691] : memref<2x1x128xf32, #tpu.memory_space<vmem>>, vector<1x1x128xf32>
    %get3A_693 = vector.shape_cast %get3A_692 : vector<1x1x128xf32> to vector<1x128xf32>
    %add3A_694 = vector.broadcast %get3A_693 : vector<1x128xf32> to vector<224x128xf32>
    %add3A_695 = arith.addf %dot_general3A_688, %add3A_694 : vector<224x128xf32>
    %add3A_696 = arith.addf %add3A_567, %add3A_695 : vector<224x128xf32>
    %get3A_697 = arith.constant 1 : index
    %get3A_698 = arith.constant 0 : index
    %get3A_699 = arith.constant 0 : index
    %get3A_700 = vector.load %arg8[%get3A_697, %get3A_698, %get3A_699] : memref<2x1x128xf32, #tpu.memory_space<vmem>>, vector<1x1x128xf32>
    %get3A_701 = vector.shape_cast %get3A_700 : vector<1x1x128xf32> to vector<1x128xf32>
    %get3A_702 = arith.constant 1 : index
    %get3A_703 = arith.constant 0 : index
    %get3A_704 = arith.constant 0 : index
    %get3A_705 = vector.load %arg9[%get3A_702, %get3A_703, %get3A_704] : memref<2x1x128xf32, #tpu.memory_space<vmem>>, vector<1x1x128xf32>
    %get3A_706 = vector.shape_cast %get3A_705 : vector<1x1x128xf32> to vector<1x128xf32>
    %reduce_sum3A_707 = arith.constant dense<0.000000e+00> : vector<224xf32>
    %reduce_sum3A_708 = vector.multi_reduction <add>, %add3A_696, %reduce_sum3A_707 [1] : vector<224x128xf32> to vector<224xf32>
    %broadcast_in_dim3A_709 = vector.shape_cast %reduce_sum3A_708 : vector<224xf32> to vector<224x1xf32>
    %div3A_710 = arith.constant 1.280000e+02 : f32
    %div3A_711 = vector.broadcast %div3A_710 : f32 to vector<224x1xf32>
    %div3A_712 = arith.divf %broadcast_in_dim3A_709, %div3A_711 : vector<224x1xf32>
    %sub3A_713 = vector.broadcast %div3A_712 : vector<224x1xf32> to vector<224x128xf32>
    %sub3A_714 = arith.subf %add3A_696, %sub3A_713 : vector<224x128xf32>
    %mul3A_715 = arith.mulf %sub3A_714, %sub3A_714 : vector<224x128xf32>
    %reduce_sum3A_716 = arith.constant dense<0.000000e+00> : vector<224xf32>
    %reduce_sum3A_717 = vector.multi_reduction <add>, %mul3A_715, %reduce_sum3A_716 [1] : vector<224x128xf32> to vector<224xf32>
    %broadcast_in_dim3A_718 = vector.shape_cast %reduce_sum3A_717 : vector<224xf32> to vector<224x1xf32>
    %div3A_719 = arith.constant 1.280000e+02 : f32
    %div3A_720 = vector.broadcast %div3A_719 : f32 to vector<224x1xf32>
    %div3A_721 = arith.divf %broadcast_in_dim3A_718, %div3A_720 : vector<224x1xf32>
    %add3A_722 = arith.constant 9.99999974E-6 : f32
    %add3A_723 = vector.broadcast %add3A_722 : f32 to vector<224x1xf32>
    %add3A_724 = arith.addf %div3A_721, %add3A_723 : vector<224x1xf32>
    %sqrt3A_725 = math.sqrt %add3A_724 : vector<224x1xf32>
    %div3A_726 = vector.broadcast %sqrt3A_725 : vector<224x1xf32> to vector<224x128xf32>
    %div3A_727 = arith.divf %sub3A_714, %div3A_726 : vector<224x128xf32>
    %mul3A_728 = vector.broadcast %get3A_701 : vector<1x128xf32> to vector<224x128xf32>
    %mul3A_729 = arith.mulf %div3A_727, %mul3A_728 : vector<224x128xf32>
    %add3A_730 = vector.broadcast %get3A_706 : vector<1x128xf32> to vector<224x128xf32>
    %add3A_731 = arith.addf %mul3A_729, %add3A_730 : vector<224x128xf32>
    %get3A_732 = arith.constant 1 : index
    %get3A_733 = arith.constant 0 : index
    %get3A_734 = arith.constant 0 : index
    %get3A_735 = vector.load %arg12[%get3A_732, %get3A_733, %get3A_734] : memref<2x4x128xf32, #tpu.memory_space<vmem>>, vector<1x4x128xf32>
    %get3A_736 = vector.shape_cast %get3A_735 : vector<1x4x128xf32> to vector<4x128xf32>
    %get3A_737 = arith.constant 1 : index
    %get3A_738 = arith.constant 0 : index
    %get3A_739 = arith.constant 0 : index
    %get3A_740 = vector.load %arg13[%get3A_737, %get3A_738, %get3A_739] : memref<2x1x4xf32, #tpu.memory_space<vmem>>, vector<1x1x4xf32>
    %get3A_741 = vector.shape_cast %get3A_740 : vector<1x1x4xf32> to vector<1x4xf32>
    %get3A_742 = arith.constant 1 : index
    %get3A_743 = arith.constant 0 : index
    %get3A_744 = arith.constant 0 : index
    %get3A_745 = arith.constant 0 : index
    %get3A_746 = vector.load %arg14[%get3A_742, %get3A_743, %get3A_744, %get3A_745] : memref<2x4x256x128xf32, #tpu.memory_space<vmem>>, vector<1x4x256x128xf32>
    %get3A_747 = vector.shape_cast %get3A_746 : vector<1x4x256x128xf32> to vector<4x256x128xf32>
    %get3A_748 = arith.constant 1 : index
    %get3A_749 = arith.constant 0 : index
    %get3A_750 = arith.constant 0 : index
    %get3A_751 = arith.constant 0 : index
    %get3A_752 = vector.load %arg15[%get3A_748, %get3A_749, %get3A_750, %get3A_751] : memref<2x4x1x256xf32, #tpu.memory_space<vmem>>, vector<1x4x1x256xf32>
    %get3A_753 = vector.shape_cast %get3A_752 : vector<1x4x1x256xf32> to vector<4x1x256xf32>
    %get3A_754 = arith.constant 1 : index
    %get3A_755 = arith.constant 0 : index
    %get3A_756 = arith.constant 0 : index
    %get3A_757 = arith.constant 0 : index
    %get3A_758 = vector.load %arg16[%get3A_754, %get3A_755, %get3A_756, %get3A_757] : memref<2x4x128x256xf32, #tpu.memory_space<vmem>>, vector<1x4x128x256xf32>
    %get3A_759 = vector.shape_cast %get3A_758 : vector<1x4x128x256xf32> to vector<4x128x256xf32>
    %get3A_760 = arith.constant 1 : index
    %get3A_761 = arith.constant 0 : index
    %get3A_762 = arith.constant 0 : index
    %get3A_763 = arith.constant 0 : index
    %get3A_764 = vector.load %arg17[%get3A_760, %get3A_761, %get3A_762, %get3A_763] : memref<2x4x1x128xf32, #tpu.memory_space<vmem>>, vector<1x4x1x128xf32>
    %get3A_765 = vector.shape_cast %get3A_764 : vector<1x4x1x128xf32> to vector<4x1x128xf32>
    %dot_general3A_766 = arith.constant dense<0.000000e+00> : vector<224x4xf32>
    %dot_general3A_767 = tpu.matmul %add3A_731, %get3A_736, %dot_general3A_766 {dimension_numbers = #tpu.dot_dimension_numbers<[1], [1], [0], [0], [0, 0, 1, 0], [], []>, transpose_lhs_hint = false} : vector<224x128xf32>, vector<4x128xf32>, vector<224x4xf32> -> vector<224x4xf32>
    %add3A_768 = vector.broadcast %get3A_741 : vector<1x4xf32> to vector<224x4xf32>
    %add3A_769 = arith.addf %dot_general3A_767, %add3A_768 : vector<224x4xf32>
    %reduce_max3A_770 = arith.constant dense<0xFF800000> : vector<224xf32>
    %reduce_max3A_771 = vector.multi_reduction <maximumf>, %add3A_769, %reduce_max3A_770 [1] : vector<224x4xf32> to vector<224xf32>
    %broadcast_in_dim3A_772 = vector.shape_cast %reduce_max3A_771 : vector<224xf32> to vector<224x1xf32>
    %sub3A_773 = vector.broadcast %broadcast_in_dim3A_772 : vector<224x1xf32> to vector<224x4xf32>
    %sub3A_774 = arith.subf %add3A_769, %sub3A_773 : vector<224x4xf32>
    %exp3A_775 = math.exp %sub3A_774 : vector<224x4xf32>
    %reduce_sum3A_776 = arith.constant dense<0.000000e+00> : vector<224xf32>
    %reduce_sum3A_777 = vector.multi_reduction <add>, %exp3A_775, %reduce_sum3A_776 [1] : vector<224x4xf32> to vector<224xf32>
    %broadcast_in_dim3A_778 = vector.shape_cast %reduce_sum3A_777 : vector<224xf32> to vector<224x1xf32>
    %div3A_779 = vector.broadcast %broadcast_in_dim3A_778 : vector<224x1xf32> to vector<224x4xf32>
    %div3A_780 = arith.divf %exp3A_775, %div3A_779 : vector<224x4xf32>
    %iota3A_781 = tpu.iota {dimensions = array<i32: 1>} : vector<224x4xi32>
    %broadcast_in_dim3A_782 = arith.constant 0 : i32
    %broadcast_in_dim3A_783 = vector.broadcast %broadcast_in_dim3A_782 : i32 to vector<224x4xi32>
    %slice3A_784 = vector.extract_strided_slice %div3A_780 {offsets = [0, 0], sizes = [224, 1], strides = [1, 1]} : vector<224x4xf32> to vector<224x1xf32>
    %gt3A_785 = vector.broadcast %slice3A_784 : vector<224x1xf32> to vector<224x4xf32>
    %gt3A_786 = arith.cmpf ogt, %gt3A_785, %div3A_780 : vector<224x4xf32>
    %convert_element_type3A_787 = arith.extui %gt3A_786 : vector<224x4xi1> to vector<224x4xi32>
    %add3A_788 = arith.addi %broadcast_in_dim3A_783, %convert_element_type3A_787 : vector<224x4xi32>
    %eq3A_789 = vector.broadcast %slice3A_784 : vector<224x1xf32> to vector<224x4xf32>
    %eq3A_790 = arith.cmpf oeq, %eq3A_789, %div3A_780 : vector<224x4xf32>
    %gt3A_791 = arith.constant 0 : i32
    %gt3A_792 = vector.broadcast %gt3A_791 : i32 to vector<224x4xi32>
    %gt3A_793 = arith.cmpi sgt, %iota3A_781, %gt3A_792 : vector<224x4xi32>
    %and3A_794 = arith.andi %eq3A_790, %gt3A_793 : vector<224x4xi1>
    %convert_element_type3A_795 = arith.extui %and3A_794 : vector<224x4xi1> to vector<224x4xi32>
    %add3A_796 = arith.addi %add3A_788, %convert_element_type3A_795 : vector<224x4xi32>
    %slice3A_797 = vector.extract_strided_slice %div3A_780 {offsets = [0, 1], sizes = [224, 1], strides = [1, 1]} : vector<224x4xf32> to vector<224x1xf32>
    %gt3A_798 = vector.broadcast %slice3A_797 : vector<224x1xf32> to vector<224x4xf32>
    %gt3A_799 = arith.cmpf ogt, %gt3A_798, %div3A_780 : vector<224x4xf32>
    %convert_element_type3A_800 = arith.extui %gt3A_799 : vector<224x4xi1> to vector<224x4xi32>
    %add3A_801 = arith.addi %add3A_796, %convert_element_type3A_800 : vector<224x4xi32>
    %eq3A_802 = vector.broadcast %slice3A_797 : vector<224x1xf32> to vector<224x4xf32>
    %eq3A_803 = arith.cmpf oeq, %eq3A_802, %div3A_780 : vector<224x4xf32>
    %gt3A_804 = arith.constant 1 : i32
    %gt3A_805 = vector.broadcast %gt3A_804 : i32 to vector<224x4xi32>
    %gt3A_806 = arith.cmpi sgt, %iota3A_781, %gt3A_805 : vector<224x4xi32>
    %and3A_807 = arith.andi %eq3A_803, %gt3A_806 : vector<224x4xi1>
    %convert_element_type3A_808 = arith.extui %and3A_807 : vector<224x4xi1> to vector<224x4xi32>
    %add3A_809 = arith.addi %add3A_801, %convert_element_type3A_808 : vector<224x4xi32>
    %slice3A_810 = vector.extract_strided_slice %div3A_780 {offsets = [0, 2], sizes = [224, 1], strides = [1, 1]} : vector<224x4xf32> to vector<224x1xf32>
    %gt3A_811 = vector.broadcast %slice3A_810 : vector<224x1xf32> to vector<224x4xf32>
    %gt3A_812 = arith.cmpf ogt, %gt3A_811, %div3A_780 : vector<224x4xf32>
    %convert_element_type3A_813 = arith.extui %gt3A_812 : vector<224x4xi1> to vector<224x4xi32>
    %add3A_814 = arith.addi %add3A_809, %convert_element_type3A_813 : vector<224x4xi32>
    %eq3A_815 = vector.broadcast %slice3A_810 : vector<224x1xf32> to vector<224x4xf32>
    %eq3A_816 = arith.cmpf oeq, %eq3A_815, %div3A_780 : vector<224x4xf32>
    %gt3A_817 = arith.constant 2 : i32
    %gt3A_818 = vector.broadcast %gt3A_817 : i32 to vector<224x4xi32>
    %gt3A_819 = arith.cmpi sgt, %iota3A_781, %gt3A_818 : vector<224x4xi32>
    %and3A_820 = arith.andi %eq3A_816, %gt3A_819 : vector<224x4xi1>
    %convert_element_type3A_821 = arith.extui %and3A_820 : vector<224x4xi1> to vector<224x4xi32>
    %add3A_822 = arith.addi %add3A_814, %convert_element_type3A_821 : vector<224x4xi32>
    %slice3A_823 = vector.extract_strided_slice %div3A_780 {offsets = [0, 3], sizes = [224, 1], strides = [1, 1]} : vector<224x4xf32> to vector<224x1xf32>
    %gt3A_824 = vector.broadcast %slice3A_823 : vector<224x1xf32> to vector<224x4xf32>
    %gt3A_825 = arith.cmpf ogt, %gt3A_824, %div3A_780 : vector<224x4xf32>
    %convert_element_type3A_826 = arith.extui %gt3A_825 : vector<224x4xi1> to vector<224x4xi32>
    %add3A_827 = arith.addi %add3A_822, %convert_element_type3A_826 : vector<224x4xi32>
    %eq3A_828 = vector.broadcast %slice3A_823 : vector<224x1xf32> to vector<224x4xf32>
    %eq3A_829 = arith.cmpf oeq, %eq3A_828, %div3A_780 : vector<224x4xf32>
    %gt3A_830 = arith.constant 3 : i32
    %gt3A_831 = vector.broadcast %gt3A_830 : i32 to vector<224x4xi32>
    %gt3A_832 = arith.cmpi sgt, %iota3A_781, %gt3A_831 : vector<224x4xi32>
    %and3A_833 = arith.andi %eq3A_829, %gt3A_832 : vector<224x4xi1>
    %convert_element_type3A_834 = arith.extui %and3A_833 : vector<224x4xi1> to vector<224x4xi32>
    %add3A_835 = arith.addi %add3A_827, %convert_element_type3A_834 : vector<224x4xi32>
    %lt3A_836 = arith.constant 2 : i32
    %lt3A_837 = vector.broadcast %lt3A_836 : i32 to vector<224x4xi32>
    %lt3A_838 = arith.cmpi slt, %add3A_835, %lt3A_837 : vector<224x4xi32>
    %jit3A_839 = arith.constant 0.000000e+00 : f32
    %broadcast_in_dim3A_840 = vector.broadcast %jit3A_839 : f32 to vector<224x4xf32>
    %select_n3A_841 = arith.select %lt3A_838, %div3A_780, %broadcast_in_dim3A_840 : vector<224x4xi1>, vector<224x4xf32>
    %reduce_sum3A_842 = arith.constant dense<0.000000e+00> : vector<224xf32>
    %reduce_sum3A_843 = vector.multi_reduction <add>, %select_n3A_841, %reduce_sum3A_842 [1] : vector<224x4xf32> to vector<224xf32>
    %broadcast_in_dim3A_844 = vector.shape_cast %reduce_sum3A_843 : vector<224xf32> to vector<224x1xf32>
    %div3A_845 = vector.broadcast %broadcast_in_dim3A_844 : vector<224x1xf32> to vector<224x4xf32>
    %div3A_846 = arith.divf %select_n3A_841, %div3A_845 : vector<224x4xf32>
    %broadcast_in_dim3A_847 = arith.constant 0.000000e+00 : f32
    %broadcast_in_dim3A_848 = vector.broadcast %broadcast_in_dim3A_847 : f32 to vector<224x128xf32>
    %slice3A_849 = vector.extract_strided_slice %get3A_747 {offsets = [0, 0, 0], sizes = [1, 256, 128], strides = [1, 1, 1]} : vector<4x256x128xf32> to vector<1x256x128xf32>
    %squeeze3A_850 = vector.shape_cast %slice3A_849 : vector<1x256x128xf32> to vector<256x128xf32>
    %dot_general3A_851 = arith.constant dense<0.000000e+00> : vector<224x256xf32>
    %dot_general3A_852 = tpu.matmul %add3A_731, %squeeze3A_850, %dot_general3A_851 {dimension_numbers = #tpu.dot_dimension_numbers<[1], [1], [0], [0], [0, 0, 1, 0], [], []>, transpose_lhs_hint = false} : vector<224x128xf32>, vector<256x128xf32>, vector<224x256xf32> -> vector<224x256xf32>
    %slice3A_853 = vector.extract_strided_slice %get3A_753 {offsets = [0, 0, 0], sizes = [1, 1, 256], strides = [1, 1, 1]} : vector<4x1x256xf32> to vector<1x1x256xf32>
    %squeeze3A_854 = vector.shape_cast %slice3A_853 : vector<1x1x256xf32> to vector<1x256xf32>
    %add3A_855 = vector.broadcast %squeeze3A_854 : vector<1x256xf32> to vector<224x256xf32>
    %add3A_856 = arith.addf %dot_general3A_852, %add3A_855 : vector<224x256xf32>
    %mul3A_857 = arith.constant 5.000000e-01 : f32
    %mul3A_858 = vector.broadcast %mul3A_857 : f32 to vector<224x256xf32>
    %mul3A_859 = arith.mulf %mul3A_858, %add3A_856 : vector<224x256xf32>
    %mul3A_860 = arith.constant 0.707106769 : f32
    %mul3A_861 = vector.broadcast %mul3A_860 : f32 to vector<224x256xf32>
    %mul3A_862 = arith.mulf %add3A_856, %mul3A_861 : vector<224x256xf32>
    %erf3A_863 = math.erf %mul3A_862 : vector<224x256xf32>
    %add3A_864 = arith.constant 1.000000e+00 : f32
    %add3A_865 = vector.broadcast %add3A_864 : f32 to vector<224x256xf32>
    %add3A_866 = arith.addf %add3A_865, %erf3A_863 : vector<224x256xf32>
    %mul3A_867 = arith.mulf %mul3A_859, %add3A_866 : vector<224x256xf32>
    %slice3A_868 = vector.extract_strided_slice %get3A_759 {offsets = [0, 0, 0], sizes = [1, 128, 256], strides = [1, 1, 1]} : vector<4x128x256xf32> to vector<1x128x256xf32>
    %squeeze3A_869 = vector.shape_cast %slice3A_868 : vector<1x128x256xf32> to vector<128x256xf32>
    %dot_general3A_870 = arith.constant dense<0.000000e+00> : vector<224x128xf32>
    %dot_general3A_871 = tpu.matmul %mul3A_867, %squeeze3A_869, %dot_general3A_870 {dimension_numbers = #tpu.dot_dimension_numbers<[1], [1], [0], [0], [0, 0, 1, 0], [], []>, transpose_lhs_hint = false} : vector<224x256xf32>, vector<128x256xf32>, vector<224x128xf32> -> vector<224x128xf32>
    %slice3A_872 = vector.extract_strided_slice %get3A_765 {offsets = [0, 0, 0], sizes = [1, 1, 128], strides = [1, 1, 1]} : vector<4x1x128xf32> to vector<1x1x128xf32>
    %squeeze3A_873 = vector.shape_cast %slice3A_872 : vector<1x1x128xf32> to vector<1x128xf32>
    %add3A_874 = vector.broadcast %squeeze3A_873 : vector<1x128xf32> to vector<224x128xf32>
    %add3A_875 = arith.addf %dot_general3A_871, %add3A_874 : vector<224x128xf32>
    %slice3A_876 = vector.extract_strided_slice %div3A_846 {offsets = [0, 0], sizes = [224, 1], strides = [1, 1]} : vector<224x4xf32> to vector<224x1xf32>
    %mul3A_877 = vector.broadcast %slice3A_876 : vector<224x1xf32> to vector<224x128xf32>
    %mul3A_878 = arith.mulf %add3A_875, %mul3A_877 : vector<224x128xf32>
    %add3A_879 = arith.addf %broadcast_in_dim3A_848, %mul3A_878 : vector<224x128xf32>
    %slice3A_880 = vector.extract_strided_slice %get3A_747 {offsets = [1, 0, 0], sizes = [1, 256, 128], strides = [1, 1, 1]} : vector<4x256x128xf32> to vector<1x256x128xf32>
    %squeeze3A_881 = vector.shape_cast %slice3A_880 : vector<1x256x128xf32> to vector<256x128xf32>
    %dot_general3A_882 = arith.constant dense<0.000000e+00> : vector<224x256xf32>
    %dot_general3A_883 = tpu.matmul %add3A_731, %squeeze3A_881, %dot_general3A_882 {dimension_numbers = #tpu.dot_dimension_numbers<[1], [1], [0], [0], [0, 0, 1, 0], [], []>, transpose_lhs_hint = false} : vector<224x128xf32>, vector<256x128xf32>, vector<224x256xf32> -> vector<224x256xf32>
    %slice3A_884 = vector.extract_strided_slice %get3A_753 {offsets = [1, 0, 0], sizes = [1, 1, 256], strides = [1, 1, 1]} : vector<4x1x256xf32> to vector<1x1x256xf32>
    %squeeze3A_885 = vector.shape_cast %slice3A_884 : vector<1x1x256xf32> to vector<1x256xf32>
    %add3A_886 = vector.broadcast %squeeze3A_885 : vector<1x256xf32> to vector<224x256xf32>
    %add3A_887 = arith.addf %dot_general3A_883, %add3A_886 : vector<224x256xf32>
    %mul3A_888 = arith.constant 5.000000e-01 : f32
    %mul3A_889 = vector.broadcast %mul3A_888 : f32 to vector<224x256xf32>
    %mul3A_890 = arith.mulf %mul3A_889, %add3A_887 : vector<224x256xf32>
    %mul3A_891 = arith.constant 0.707106769 : f32
    %mul3A_892 = vector.broadcast %mul3A_891 : f32 to vector<224x256xf32>
    %mul3A_893 = arith.mulf %add3A_887, %mul3A_892 : vector<224x256xf32>
    %erf3A_894 = math.erf %mul3A_893 : vector<224x256xf32>
    %add3A_895 = arith.constant 1.000000e+00 : f32
    %add3A_896 = vector.broadcast %add3A_895 : f32 to vector<224x256xf32>
    %add3A_897 = arith.addf %add3A_896, %erf3A_894 : vector<224x256xf32>
    %mul3A_898 = arith.mulf %mul3A_890, %add3A_897 : vector<224x256xf32>
    %slice3A_899 = vector.extract_strided_slice %get3A_759 {offsets = [1, 0, 0], sizes = [1, 128, 256], strides = [1, 1, 1]} : vector<4x128x256xf32> to vector<1x128x256xf32>
    %squeeze3A_900 = vector.shape_cast %slice3A_899 : vector<1x128x256xf32> to vector<128x256xf32>
    %dot_general3A_901 = arith.constant dense<0.000000e+00> : vector<224x128xf32>
    %dot_general3A_902 = tpu.matmul %mul3A_898, %squeeze3A_900, %dot_general3A_901 {dimension_numbers = #tpu.dot_dimension_numbers<[1], [1], [0], [0], [0, 0, 1, 0], [], []>, transpose_lhs_hint = false} : vector<224x256xf32>, vector<128x256xf32>, vector<224x128xf32> -> vector<224x128xf32>
    %slice3A_903 = vector.extract_strided_slice %get3A_765 {offsets = [1, 0, 0], sizes = [1, 1, 128], strides = [1, 1, 1]} : vector<4x1x128xf32> to vector<1x1x128xf32>
    %squeeze3A_904 = vector.shape_cast %slice3A_903 : vector<1x1x128xf32> to vector<1x128xf32>
    %add3A_905 = vector.broadcast %squeeze3A_904 : vector<1x128xf32> to vector<224x128xf32>
    %add3A_906 = arith.addf %dot_general3A_902, %add3A_905 : vector<224x128xf32>
    %slice3A_907 = vector.extract_strided_slice %div3A_846 {offsets = [0, 1], sizes = [224, 1], strides = [1, 1]} : vector<224x4xf32> to vector<224x1xf32>
    %mul3A_908 = vector.broadcast %slice3A_907 : vector<224x1xf32> to vector<224x128xf32>
    %mul3A_909 = arith.mulf %add3A_906, %mul3A_908 : vector<224x128xf32>
    %add3A_910 = arith.addf %add3A_879, %mul3A_909 : vector<224x128xf32>
    %slice3A_911 = vector.extract_strided_slice %get3A_747 {offsets = [2, 0, 0], sizes = [1, 256, 128], strides = [1, 1, 1]} : vector<4x256x128xf32> to vector<1x256x128xf32>
    %squeeze3A_912 = vector.shape_cast %slice3A_911 : vector<1x256x128xf32> to vector<256x128xf32>
    %dot_general3A_913 = arith.constant dense<0.000000e+00> : vector<224x256xf32>
    %dot_general3A_914 = tpu.matmul %add3A_731, %squeeze3A_912, %dot_general3A_913 {dimension_numbers = #tpu.dot_dimension_numbers<[1], [1], [0], [0], [0, 0, 1, 0], [], []>, transpose_lhs_hint = false} : vector<224x128xf32>, vector<256x128xf32>, vector<224x256xf32> -> vector<224x256xf32>
    %slice3A_915 = vector.extract_strided_slice %get3A_753 {offsets = [2, 0, 0], sizes = [1, 1, 256], strides = [1, 1, 1]} : vector<4x1x256xf32> to vector<1x1x256xf32>
    %squeeze3A_916 = vector.shape_cast %slice3A_915 : vector<1x1x256xf32> to vector<1x256xf32>
    %add3A_917 = vector.broadcast %squeeze3A_916 : vector<1x256xf32> to vector<224x256xf32>
    %add3A_918 = arith.addf %dot_general3A_914, %add3A_917 : vector<224x256xf32>
    %mul3A_919 = arith.constant 5.000000e-01 : f32
    %mul3A_920 = vector.broadcast %mul3A_919 : f32 to vector<224x256xf32>
    %mul3A_921 = arith.mulf %mul3A_920, %add3A_918 : vector<224x256xf32>
    %mul3A_922 = arith.constant 0.707106769 : f32
    %mul3A_923 = vector.broadcast %mul3A_922 : f32 to vector<224x256xf32>
    %mul3A_924 = arith.mulf %add3A_918, %mul3A_923 : vector<224x256xf32>
    %erf3A_925 = math.erf %mul3A_924 : vector<224x256xf32>
    %add3A_926 = arith.constant 1.000000e+00 : f32
    %add3A_927 = vector.broadcast %add3A_926 : f32 to vector<224x256xf32>
    %add3A_928 = arith.addf %add3A_927, %erf3A_925 : vector<224x256xf32>
    %mul3A_929 = arith.mulf %mul3A_921, %add3A_928 : vector<224x256xf32>
    %slice3A_930 = vector.extract_strided_slice %get3A_759 {offsets = [2, 0, 0], sizes = [1, 128, 256], strides = [1, 1, 1]} : vector<4x128x256xf32> to vector<1x128x256xf32>
    %squeeze3A_931 = vector.shape_cast %slice3A_930 : vector<1x128x256xf32> to vector<128x256xf32>
    %dot_general3A_932 = arith.constant dense<0.000000e+00> : vector<224x128xf32>
    %dot_general3A_933 = tpu.matmul %mul3A_929, %squeeze3A_931, %dot_general3A_932 {dimension_numbers = #tpu.dot_dimension_numbers<[1], [1], [0], [0], [0, 0, 1, 0], [], []>, transpose_lhs_hint = false} : vector<224x256xf32>, vector<128x256xf32>, vector<224x128xf32> -> vector<224x128xf32>
    %slice3A_934 = vector.extract_strided_slice %get3A_765 {offsets = [2, 0, 0], sizes = [1, 1, 128], strides = [1, 1, 1]} : vector<4x1x128xf32> to vector<1x1x128xf32>
    %squeeze3A_935 = vector.shape_cast %slice3A_934 : vector<1x1x128xf32> to vector<1x128xf32>
    %add3A_936 = vector.broadcast %squeeze3A_935 : vector<1x128xf32> to vector<224x128xf32>
    %add3A_937 = arith.addf %dot_general3A_933, %add3A_936 : vector<224x128xf32>
    %slice3A_938 = vector.extract_strided_slice %div3A_846 {offsets = [0, 2], sizes = [224, 1], strides = [1, 1]} : vector<224x4xf32> to vector<224x1xf32>
    %mul3A_939 = vector.broadcast %slice3A_938 : vector<224x1xf32> to vector<224x128xf32>
    %mul3A_940 = arith.mulf %add3A_937, %mul3A_939 : vector<224x128xf32>
    %add3A_941 = arith.addf %add3A_910, %mul3A_940 : vector<224x128xf32>
    %slice3A_942 = vector.extract_strided_slice %get3A_747 {offsets = [3, 0, 0], sizes = [1, 256, 128], strides = [1, 1, 1]} : vector<4x256x128xf32> to vector<1x256x128xf32>
    %squeeze3A_943 = vector.shape_cast %slice3A_942 : vector<1x256x128xf32> to vector<256x128xf32>
    %dot_general3A_944 = arith.constant dense<0.000000e+00> : vector<224x256xf32>
    %dot_general3A_945 = tpu.matmul %add3A_731, %squeeze3A_943, %dot_general3A_944 {dimension_numbers = #tpu.dot_dimension_numbers<[1], [1], [0], [0], [0, 0, 1, 0], [], []>, transpose_lhs_hint = false} : vector<224x128xf32>, vector<256x128xf32>, vector<224x256xf32> -> vector<224x256xf32>
    %slice3A_946 = vector.extract_strided_slice %get3A_753 {offsets = [3, 0, 0], sizes = [1, 1, 256], strides = [1, 1, 1]} : vector<4x1x256xf32> to vector<1x1x256xf32>
    %squeeze3A_947 = vector.shape_cast %slice3A_946 : vector<1x1x256xf32> to vector<1x256xf32>
    %add3A_948 = vector.broadcast %squeeze3A_947 : vector<1x256xf32> to vector<224x256xf32>
    %add3A_949 = arith.addf %dot_general3A_945, %add3A_948 : vector<224x256xf32>
    %mul3A_950 = arith.constant 5.000000e-01 : f32
    %mul3A_951 = vector.broadcast %mul3A_950 : f32 to vector<224x256xf32>
    %mul3A_952 = arith.mulf %mul3A_951, %add3A_949 : vector<224x256xf32>
    %mul3A_953 = arith.constant 0.707106769 : f32
    %mul3A_954 = vector.broadcast %mul3A_953 : f32 to vector<224x256xf32>
    %mul3A_955 = arith.mulf %add3A_949, %mul3A_954 : vector<224x256xf32>
    %erf3A_956 = math.erf %mul3A_955 : vector<224x256xf32>
    %add3A_957 = arith.constant 1.000000e+00 : f32
    %add3A_958 = vector.broadcast %add3A_957 : f32 to vector<224x256xf32>
    %add3A_959 = arith.addf %add3A_958, %erf3A_956 : vector<224x256xf32>
    %mul3A_960 = arith.mulf %mul3A_952, %add3A_959 : vector<224x256xf32>
    %slice3A_961 = vector.extract_strided_slice %get3A_759 {offsets = [3, 0, 0], sizes = [1, 128, 256], strides = [1, 1, 1]} : vector<4x128x256xf32> to vector<1x128x256xf32>
    %squeeze3A_962 = vector.shape_cast %slice3A_961 : vector<1x128x256xf32> to vector<128x256xf32>
    %dot_general3A_963 = arith.constant dense<0.000000e+00> : vector<224x128xf32>
    %dot_general3A_964 = tpu.matmul %mul3A_960, %squeeze3A_962, %dot_general3A_963 {dimension_numbers = #tpu.dot_dimension_numbers<[1], [1], [0], [0], [0, 0, 1, 0], [], []>, transpose_lhs_hint = false} : vector<224x256xf32>, vector<128x256xf32>, vector<224x128xf32> -> vector<224x128xf32>
    %slice3A_965 = vector.extract_strided_slice %get3A_765 {offsets = [3, 0, 0], sizes = [1, 1, 128], strides = [1, 1, 1]} : vector<4x1x128xf32> to vector<1x1x128xf32>
    %squeeze3A_966 = vector.shape_cast %slice3A_965 : vector<1x1x128xf32> to vector<1x128xf32>
    %add3A_967 = vector.broadcast %squeeze3A_966 : vector<1x128xf32> to vector<224x128xf32>
    %add3A_968 = arith.addf %dot_general3A_964, %add3A_967 : vector<224x128xf32>
    %slice3A_969 = vector.extract_strided_slice %div3A_846 {offsets = [0, 3], sizes = [224, 1], strides = [1, 1]} : vector<224x4xf32> to vector<224x1xf32>
    %mul3A_970 = vector.broadcast %slice3A_969 : vector<224x1xf32> to vector<224x128xf32>
    %mul3A_971 = arith.mulf %add3A_968, %mul3A_970 : vector<224x128xf32>
    %add3A_972 = arith.addf %add3A_941, %mul3A_971 : vector<224x128xf32>
    %jit3A_973 = arith.constant 0.000000e+00 : f32
    %broadcast_in_dim3A_974 = vector.shape_cast %lt3A_118 : vector<224x1xi1> to vector<224x1xi1>
    %broadcast_in_dim3A_975 = vector.broadcast %broadcast_in_dim3A_974 : vector<224x1xi1> to vector<224x4xi1>
    %broadcast_in_dim3A_976 = vector.broadcast %jit3A_973 : f32 to vector<224x4xf32>
    %select_n3A_977 = arith.select %broadcast_in_dim3A_975, %div3A_780, %broadcast_in_dim3A_976 : vector<224x4xi1>, vector<224x4xf32>
    %reduce_sum3A_978 = arith.constant dense<0.000000e+00> : vector<4xf32>
    %reduce_sum3A_979 = vector.multi_reduction <add>, %select_n3A_977, %reduce_sum3A_978 [0] : vector<224x4xf32> to vector<4xf32>
    %broadcast_in_dim3A_980 = vector.shape_cast %reduce_sum3A_979 : vector<4xf32> to vector<1x4xf32>
    %get3A_981 = arith.constant 1 : index
    %get3A_982 = arith.constant 0 : index
    %get3A_983 = vector.load %arg21[%get3A_981, %get3A_982] : memref<8x4xf32, #tpu.memory_space<vmem>>, vector<1x4xf32>
    %add3A_984 = arith.addf %get3A_983, %broadcast_in_dim3A_980 : vector<1x4xf32>
    %swap3A_985 = arith.constant 1 : index
    %swap3A_986 = arith.constant 0 : index
    %swap3A_987 = vector.load %arg21[%swap3A_985, %swap3A_986] : memref<8x4xf32, #tpu.memory_space<vmem>>, vector<1x4xf32>
    tpu.vector_store %arg21[%swap3A_985, %swap3A_986], %add3A_984 {strides = array<i32>} : memref<8x4xf32, #tpu.memory_space<vmem>>, vector<1x4xf32>,
    %add3A_988 = arith.addf %add3A_731, %add3A_972 : vector<224x128xf32>
    %get3A_989 = arith.constant 1 : index
    %get3A_990 = arith.constant 0 : index
    %get3A_991 = arith.constant 0 : index
    %get3A_992 = vector.load %arg10[%get3A_989, %get3A_990, %get3A_991] : memref<2x1x128xf32, #tpu.memory_space<vmem>>, vector<1x1x128xf32>
    %get3A_993 = vector.shape_cast %get3A_992 : vector<1x1x128xf32> to vector<1x128xf32>
    %get3A_994 = arith.constant 1 : index
    %get3A_995 = arith.constant 0 : index
    %get3A_996 = arith.constant 0 : index
    %get3A_997 = vector.load %arg11[%get3A_994, %get3A_995, %get3A_996] : memref<2x1x128xf32, #tpu.memory_space<vmem>>, vector<1x1x128xf32>
    %get3A_998 = vector.shape_cast %get3A_997 : vector<1x1x128xf32> to vector<1x128xf32>
    %reduce_sum3A_999 = arith.constant dense<0.000000e+00> : vector<224xf32>
    %reduce_sum3A_1000 = vector.multi_reduction <add>, %add3A_988, %reduce_sum3A_999 [1] : vector<224x128xf32> to vector<224xf32>
    %broadcast_in_dim3A_1001 = vector.shape_cast %reduce_sum3A_1000 : vector<224xf32> to vector<224x1xf32>
    %div3A_1002 = arith.constant 1.280000e+02 : f32
    %div3A_1003 = vector.broadcast %div3A_1002 : f32 to vector<224x1xf32>
    %div3A_1004 = arith.divf %broadcast_in_dim3A_1001, %div3A_1003 : vector<224x1xf32>
    %sub3A_1005 = vector.broadcast %div3A_1004 : vector<224x1xf32> to vector<224x128xf32>
    %sub3A_1006 = arith.subf %add3A_988, %sub3A_1005 : vector<224x128xf32>
    %mul3A_1007 = arith.mulf %sub3A_1006, %sub3A_1006 : vector<224x128xf32>
    %reduce_sum3A_1008 = arith.constant dense<0.000000e+00> : vector<224xf32>
    %reduce_sum3A_1009 = vector.multi_reduction <add>, %mul3A_1007, %reduce_sum3A_1008 [1] : vector<224x128xf32> to vector<224xf32>
    %broadcast_in_dim3A_1010 = vector.shape_cast %reduce_sum3A_1009 : vector<224xf32> to vector<224x1xf32>
    %div3A_1011 = arith.constant 1.280000e+02 : f32
    %div3A_1012 = vector.broadcast %div3A_1011 : f32 to vector<224x1xf32>
    %div3A_1013 = arith.divf %broadcast_in_dim3A_1010, %div3A_1012 : vector<224x1xf32>
    %add3A_1014 = arith.constant 9.99999974E-6 : f32
    %add3A_1015 = vector.broadcast %add3A_1014 : f32 to vector<224x1xf32>
    %add3A_1016 = arith.addf %div3A_1013, %add3A_1015 : vector<224x1xf32>
    %sqrt3A_1017 = math.sqrt %add3A_1016 : vector<224x1xf32>
    %div3A_1018 = vector.broadcast %sqrt3A_1017 : vector<224x1xf32> to vector<224x128xf32>
    %div3A_1019 = arith.divf %sub3A_1006, %div3A_1018 : vector<224x128xf32>
    %mul3A_1020 = vector.broadcast %get3A_993 : vector<1x128xf32> to vector<224x128xf32>
    %mul3A_1021 = arith.mulf %div3A_1019, %mul3A_1020 : vector<224x128xf32>
    %add3A_1022 = vector.broadcast %get3A_998 : vector<1x128xf32> to vector<224x128xf32>
    %add3A_1023 = arith.addf %mul3A_1021, %add3A_1022 : vector<224x128xf32>
    %get3A_1024 = arith.constant 0 : index
    %get3A_1025 = arith.constant 0 : index
    %get3A_1026 = vector.load %arg18[%get3A_1024, %get3A_1025] : memref<1x128xf32, #tpu.memory_space<vmem>>, vector<1x128xf32>
    %get3A_1027 = arith.constant 0 : index
    %get3A_1028 = arith.constant 0 : index
    %get3A_1029 = vector.load %arg19[%get3A_1027, %get3A_1028] : memref<1x128xf32, #tpu.memory_space<vmem>>, vector<1x128xf32>
    %reduce_sum3A_1030 = arith.constant dense<0.000000e+00> : vector<224xf32>
    %reduce_sum3A_1031 = vector.multi_reduction <add>, %add3A_1023, %reduce_sum3A_1030 [1] : vector<224x128xf32> to vector<224xf32>
    %broadcast_in_dim3A_1032 = vector.shape_cast %reduce_sum3A_1031 : vector<224xf32> to vector<224x1xf32>
    %div3A_1033 = arith.constant 1.280000e+02 : f32
    %div3A_1034 = vector.broadcast %div3A_1033 : f32 to vector<224x1xf32>
    %div3A_1035 = arith.divf %broadcast_in_dim3A_1032, %div3A_1034 : vector<224x1xf32>
    %sub3A_1036 = vector.broadcast %div3A_1035 : vector<224x1xf32> to vector<224x128xf32>
    %sub3A_1037 = arith.subf %add3A_1023, %sub3A_1036 : vector<224x128xf32>
    %mul3A_1038 = arith.mulf %sub3A_1037, %sub3A_1037 : vector<224x128xf32>
    %reduce_sum3A_1039 = arith.constant dense<0.000000e+00> : vector<224xf32>
    %reduce_sum3A_1040 = vector.multi_reduction <add>, %mul3A_1038, %reduce_sum3A_1039 [1] : vector<224x128xf32> to vector<224xf32>
    %broadcast_in_dim3A_1041 = vector.shape_cast %reduce_sum3A_1040 : vector<224xf32> to vector<224x1xf32>
    %div3A_1042 = arith.constant 1.280000e+02 : f32
    %div3A_1043 = vector.broadcast %div3A_1042 : f32 to vector<224x1xf32>
    %div3A_1044 = arith.divf %broadcast_in_dim3A_1041, %div3A_1043 : vector<224x1xf32>
    %add3A_1045 = arith.constant 9.99999974E-6 : f32
    %add3A_1046 = vector.broadcast %add3A_1045 : f32 to vector<224x1xf32>
    %add3A_1047 = arith.addf %div3A_1044, %add3A_1046 : vector<224x1xf32>
    %sqrt3A_1048 = math.sqrt %add3A_1047 : vector<224x1xf32>
    %div3A_1049 = vector.broadcast %sqrt3A_1048 : vector<224x1xf32> to vector<224x128xf32>
    %div3A_1050 = arith.divf %sub3A_1037, %div3A_1049 : vector<224x128xf32>
    %mul3A_1051 = vector.broadcast %get3A_1026 : vector<1x128xf32> to vector<224x128xf32>
    %mul3A_1052 = arith.mulf %div3A_1050, %mul3A_1051 : vector<224x128xf32>
    %add3A_1053 = vector.broadcast %get3A_1029 : vector<1x128xf32> to vector<224x128xf32>
    %add3A_1054 = arith.addf %mul3A_1052, %add3A_1053 : vector<224x128xf32>
    %reshape3A_1055 = vector.shape_cast %add3A_1054 : vector<224x128xf32> to vector<4x56x128xf32>
    %swap3A_1056 = arith.constant 0 : index
    %swap3A_1057 = arith.constant 0 : index
    %swap3A_1058 = arith.constant 0 : index
    %swap3A_1059 = vector.load %arg20[%swap3A_1056, %swap3A_1057, %swap3A_1058] : memref<4x56x128xf32, #tpu.memory_space<vmem>>, vector<4x56x128xf32>
    tpu.vector_store %arg20[%swap3A_1056, %swap3A_1057, %swap3A_1058], %reshape3A_1055 {strides = array<i32>} : memref<4x56x128xf32, #tpu.memory_space<vmem>>, vector<4x56x128xf32>,
    return
  }
  func.func @transform_0(%arg0: i32) -> (i32, i32, i32) {
    %c0_i32 = arith.constant 0 : i32
    %c0_i32_0 = arith.constant 0 : i32
    %c0_i32_1 = arith.constant 0 : i32
    return %arg0, %c0_i32, %c0_i32_0 : i32, i32, i32
  }
  func.func @transform_1(%arg0: i32) -> (i32, i32) {
    %c0_i32 = arith.constant 0 : i32
    %c0_i32_0 = arith.constant 0 : i32
    %c0_i32_1 = arith.constant 0 : i32
    return %c0_i32, %c0_i32_0 : i32, i32
  }
  func.func @transform_2(%arg0: i32) -> (i32, i32) {
    %c0_i32 = arith.constant 0 : i32
    %c0_i32_0 = arith.constant 0 : i32
    %c0_i32_1 = arith.constant 0 : i32
    return %c0_i32, %c0_i32_0 : i32, i32
  }
  func.func @transform_3(%arg0: i32) -> (i32, i32, i32) {
    %c0_i32 = arith.constant 0 : i32
    %c0_i32_0 = arith.constant 0 : i32
    %c0_i32_1 = arith.constant 0 : i32
    %c0_i32_2 = arith.constant 0 : i32
    return %c0_i32, %c0_i32_0, %c0_i32_1 : i32, i32, i32
  }
  func.func @transform_4(%arg0: i32) -> (i32, i32, i32) {
    %c0_i32 = arith.constant 0 : i32
    %c0_i32_0 = arith.constant 0 : i32
    %c0_i32_1 = arith.constant 0 : i32
    %c0_i32_2 = arith.constant 0 : i32
    return %c0_i32, %c0_i32_0, %c0_i32_1 : i32, i32, i32
  }
  func.func @transform_5(%arg0: i32) -> (i32, i32, i32) {
    %c0_i32 = arith.constant 0 : i32
    %c0_i32_0 = arith.constant 0 : i32
    %c0_i32_1 = arith.constant 0 : i32
    %c0_i32_2 = arith.constant 0 : i32
    return %c0_i32, %c0_i32_0, %c0_i32_1 : i32, i32, i32
  }
  func.func @transform_6(%arg0: i32) -> (i32, i32, i32) {
    %c0_i32 = arith.constant 0 : i32
    %c0_i32_0 = arith.constant 0 : i32
    %c0_i32_1 = arith.constant 0 : i32
    %c0_i32_2 = arith.constant 0 : i32
    return %c0_i32, %c0_i32_0, %c0_i32_1 : i32, i32, i32
  }
  func.func @transform_7(%arg0: i32) -> (i32, i32, i32) {
    %c0_i32 = arith.constant 0 : i32
    %c0_i32_0 = arith.constant 0 : i32
    %c0_i32_1 = arith.constant 0 : i32
    %c0_i32_2 = arith.constant 0 : i32
    return %c0_i32, %c0_i32_0, %c0_i32_1 : i32, i32, i32
  }
  func.func @transform_8(%arg0: i32) -> (i32, i32, i32) {
    %c0_i32 = arith.constant 0 : i32
    %c0_i32_0 = arith.constant 0 : i32
    %c0_i32_1 = arith.constant 0 : i32
    %c0_i32_2 = arith.constant 0 : i32
    return %c0_i32, %c0_i32_0, %c0_i32_1 : i32, i32, i32
  }
  func.func @transform_9(%arg0: i32) -> (i32, i32, i32) {
    %c0_i32 = arith.constant 0 : i32
    %c0_i32_0 = arith.constant 0 : i32
    %c0_i32_1 = arith.constant 0 : i32
    %c0_i32_2 = arith.constant 0 : i32
    return %c0_i32, %c0_i32_0, %c0_i32_1 : i32, i32, i32
  }
  func.func @transform_10(%arg0: i32) -> (i32, i32, i32) {
    %c0_i32 = arith.constant 0 : i32
    %c0_i32_0 = arith.constant 0 : i32
    %c0_i32_1 = arith.constant 0 : i32
    %c0_i32_2 = arith.constant 0 : i32
    return %c0_i32, %c0_i32_0, %c0_i32_1 : i32, i32, i32
  }
  func.func @transform_11(%arg0: i32) -> (i32, i32, i32) {
    %c0_i32 = arith.constant 0 : i32
    %c0_i32_0 = arith.constant 0 : i32
    %c0_i32_1 = arith.constant 0 : i32
    %c0_i32_2 = arith.constant 0 : i32
    return %c0_i32, %c0_i32_0, %c0_i32_1 : i32, i32, i32
  }
  func.func @transform_12(%arg0: i32) -> (i32, i32, i32) {
    %c0_i32 = arith.constant 0 : i32
    %c0_i32_0 = arith.constant 0 : i32
    %c0_i32_1 = arith.constant 0 : i32
    %c0_i32_2 = arith.constant 0 : i32
    return %c0_i32, %c0_i32_0, %c0_i32_1 : i32, i32, i32
  }
  func.func @transform_13(%arg0: i32) -> (i32, i32, i32, i32) {
    %c0_i32 = arith.constant 0 : i32
    %c0_i32_0 = arith.constant 0 : i32
    %c0_i32_1 = arith.constant 0 : i32
    %c0_i32_2 = arith.constant 0 : i32
    %c0_i32_3 = arith.constant 0 : i32
    return %c0_i32, %c0_i32_0, %c0_i32_1, %c0_i32_2 : i32, i32, i32, i32
  }
  func.func @transform_14(%arg0: i32) -> (i32, i32, i32, i32) {
    %c0_i32 = arith.constant 0 : i32
    %c0_i32_0 = arith.constant 0 : i32
    %c0_i32_1 = arith.constant 0 : i32
    %c0_i32_2 = arith.constant 0 : i32
    %c0_i32_3 = arith.constant 0 : i32
    return %c0_i32, %c0_i32_0, %c0_i32_1, %c0_i32_2 : i32, i32, i32, i32
  }
  func.func @transform_15(%arg0: i32) -> (i32, i32, i32, i32) {
    %c0_i32 = arith.constant 0 : i32
    %c0_i32_0 = arith.constant 0 : i32
    %c0_i32_1 = arith.constant 0 : i32
    %c0_i32_2 = arith.constant 0 : i32
    %c0_i32_3 = arith.constant 0 : i32
    return %c0_i32, %c0_i32_0, %c0_i32_1, %c0_i32_2 : i32, i32, i32, i32
  }
  func.func @transform_16(%arg0: i32) -> (i32, i32, i32, i32) {
    %c0_i32 = arith.constant 0 : i32
    %c0_i32_0 = arith.constant 0 : i32
    %c0_i32_1 = arith.constant 0 : i32
    %c0_i32_2 = arith.constant 0 : i32
    %c0_i32_3 = arith.constant 0 : i32
    return %c0_i32, %c0_i32_0, %c0_i32_1, %c0_i32_2 : i32, i32, i32, i32
  }
  func.func @transform_17(%arg0: i32) -> (i32, i32) {
    %c0_i32 = arith.constant 0 : i32
    %c0_i32_0 = arith.constant 0 : i32
    %c0_i32_1 = arith.constant 0 : i32
    return %c0_i32, %c0_i32_0 : i32, i32
  }
  func.func @transform_18(%arg0: i32) -> (i32, i32) {
    %c0_i32 = arith.constant 0 : i32
    %c0_i32_0 = arith.constant 0 : i32
    %c0_i32_1 = arith.constant 0 : i32
    return %c0_i32, %c0_i32_0 : i32, i32
  }
  func.func @transform_19(%arg0: i32) -> (i32, i32, i32) {
    %c0_i32 = arith.constant 0 : i32
    %c0_i32_0 = arith.constant 0 : i32
    %c0_i32_1 = arith.constant 0 : i32
    return %arg0, %c0_i32, %c0_i32_0 : i32, i32, i32
  }
  func.func @transform_20(%arg0: i32) -> (i32, i32) {
    %c0_i32 = arith.constant 0 : i32
    %c0_i32_0 = arith.constant 0 : i32
    %c0_i32_1 = arith.constant 0 : i32
    return %c0_i32, %c0_i32_0 : i32, i32
  }
}

module attributes {stable_mosaic.version = 14 : i64} {
  func.func @_item_kernel(%arg0: i32, %arg1: memref<8x56x128xf32, #tpu.memory_space<vmem>>, %arg2: memref<8x32x128xf32, #tpu.memory_space<vmem>>, %arg3: memref<256x1xi32, #tpu.memory_space<vmem>>, %arg4: memref<128x128xf32, #tpu.memory_space<vmem>>, %arg5: memref<4x128xf32, #tpu.memory_space<vmem>>, %arg6: memref<1x4xf32, #tpu.memory_space<vmem>>, %arg7: memref<4x256x128xf32, #tpu.memory_space<vmem>>, %arg8: memref<4x1x256xf32, #tpu.memory_space<vmem>>, %arg9: memref<4x128x256xf32, #tpu.memory_space<vmem>>, %arg10: memref<4x1x128xf32, #tpu.memory_space<vmem>>, %arg11: memref<1x128xf32, #tpu.memory_space<vmem>>, %arg12: memref<1x128xf32, #tpu.memory_space<vmem>>, %arg13: memref<384x128xf32, #tpu.memory_space<vmem>>, %arg14: memref<1x384xf32, #tpu.memory_space<vmem>>, %arg15: memref<128x128xf32, #tpu.memory_space<vmem>>, %arg16: memref<1x128xf32, #tpu.memory_space<vmem>>, %arg17: memref<128x256xf32, #tpu.memory_space<vmem>>, %arg18: memref<1x128xf32, #tpu.memory_space<vmem>>, %arg19: memref<1x128xf32, #tpu.memory_space<vmem>>, %arg20: memref<1x1xf32, #tpu.memory_space<vmem>>, %arg21: memref<8x4xf32, #tpu.memory_space<vmem>>, %arg22: memref<256x1xf32, #tpu.memory_space<vmem>>, %arg23: memref<1x1xf32, #tpu.memory_space<vmem>>, %arg24: memref<8x128xf32, #tpu.memory_space<vmem>>) attributes {dimension_semantics = [#tpu.dimension_semantics<arbitrary>], iteration_bounds = array<i64: 128>, scalar_prefetch = 0 : i64, scratch_operands = 1 : i64, tpu.core_type = #tpu.core_type<tc>, window_params = [{transform_indices = @transform_0, window_bounds = array<i64: 8, 56, 128>}, {transform_indices = @transform_1, window_bounds = array<i64: 8, 32, 128>}, {transform_indices = @transform_2, window_bounds = array<i64: 256, 1>}, {pipeline_mode = #tpu.pipeline_mode<synchronous>, transform_indices = @transform_3, window_bounds = array<i64: 128, 128>}, {pipeline_mode = #tpu.pipeline_mode<synchronous>, transform_indices = @transform_4, window_bounds = array<i64: 4, 128>}, {pipeline_mode = #tpu.pipeline_mode<synchronous>, transform_indices = @transform_5, window_bounds = array<i64: 1, 4>}, {pipeline_mode = #tpu.pipeline_mode<synchronous>, transform_indices = @transform_6, window_bounds = array<i64: 4, 256, 128>}, {pipeline_mode = #tpu.pipeline_mode<synchronous>, transform_indices = @transform_7, window_bounds = array<i64: 4, 1, 256>}, {pipeline_mode = #tpu.pipeline_mode<synchronous>, transform_indices = @transform_8, window_bounds = array<i64: 4, 128, 256>}, {pipeline_mode = #tpu.pipeline_mode<synchronous>, transform_indices = @transform_9, window_bounds = array<i64: 4, 1, 128>}, {pipeline_mode = #tpu.pipeline_mode<synchronous>, transform_indices = @transform_10, window_bounds = array<i64: 1, 128>}, {pipeline_mode = #tpu.pipeline_mode<synchronous>, transform_indices = @transform_11, window_bounds = array<i64: 1, 128>}, {pipeline_mode = #tpu.pipeline_mode<synchronous>, transform_indices = @transform_12, window_bounds = array<i64: 384, 128>}, {pipeline_mode = #tpu.pipeline_mode<synchronous>, transform_indices = @transform_13, window_bounds = array<i64: 1, 384>}, {pipeline_mode = #tpu.pipeline_mode<synchronous>, transform_indices = @transform_14, window_bounds = array<i64: 128, 128>}, {pipeline_mode = #tpu.pipeline_mode<synchronous>, transform_indices = @transform_15, window_bounds = array<i64: 1, 128>}, {pipeline_mode = #tpu.pipeline_mode<synchronous>, transform_indices = @transform_16, window_bounds = array<i64: 128, 256>}, {pipeline_mode = #tpu.pipeline_mode<synchronous>, transform_indices = @transform_17, window_bounds = array<i64: 1, 128>}, {pipeline_mode = #tpu.pipeline_mode<synchronous>, transform_indices = @transform_18, window_bounds = array<i64: 1, 128>}, {pipeline_mode = #tpu.pipeline_mode<synchronous>, transform_indices = @transform_19, window_bounds = array<i64: 1, 1>}, {pipeline_mode = #tpu.pipeline_mode<synchronous>, transform_indices = @transform_20, window_bounds = array<i64: 8, 4>}, {transform_indices = @transform_21, window_bounds = array<i64: 256, 1>}, {pipeline_mode = #tpu.pipeline_mode<synchronous>, transform_indices = @transform_22, window_bounds = array<i64: 1, 1>}]} {
    %eq3A = arith.constant 0 : i32
    %eq3A_0 = arith.cmpi eq, %arg0, %eq3A : i32
    %convert_element_type3A = arith.extui %eq3A_0 : i1 to i32
    %cond3A = arith.constant 0 : i32
    %cond3A_1 = arith.cmpi ne, %convert_element_type3A, %cond3A : i32
    scf.if %cond3A_1 {
      %broadcast_in_dim3A_541 = arith.constant 0.000000e+00 : f32
      %broadcast_in_dim3A_542 = vector.broadcast %broadcast_in_dim3A_541 : f32 to vector<8x128xf32>
      %swap3A_543 = arith.constant 0 : index
      %swap3A_544 = arith.constant 0 : index
      %swap3A_545 = vector.load %arg24[%swap3A_543, %swap3A_544] : memref<8x128xf32, #tpu.memory_space<vmem>>, vector<8x128xf32>
      tpu.vector_store %arg24[%swap3A_543, %swap3A_544], %broadcast_in_dim3A_542 {strides = array<i32>} : memref<8x128xf32, #tpu.memory_space<vmem>>, vector<8x128xf32>,
    } else {
    }
    %get3A = arith.constant 0 : index
    %get3A_2 = arith.constant 0 : index
    %get3A_3 = vector.load %arg3[%get3A, %get3A_2] : memref<256x1xi32, #tpu.memory_space<vmem>>, vector<256x1xi32>
    %iota3A = tpu.iota {dimensions = array<i32: 1>} : vector<256x128xi32>
    %eq3A_4 = vector.broadcast %get3A_3 : vector<256x1xi32> to vector<256x128xi32>
    %eq3A_5 = arith.cmpi eq, %iota3A, %eq3A_4 : vector<256x128xi32>
    %convert_element_type3A_6 = arith.extui %eq3A_5 : vector<256x128xi1> to vector<256x128xi32>
    %convert_element_type3A_7 = arith.sitofp %convert_element_type3A_6 : vector<256x128xi32> to vector<256x128xf32>
    %get3A_8 = arith.constant 0 : index
    %get3A_9 = arith.constant 0 : index
    %get3A_10 = vector.load %arg4[%get3A_8, %get3A_9] : memref<128x128xf32, #tpu.memory_space<vmem>>, vector<128x128xf32>
    %dot_general3A = arith.constant dense<0.000000e+00> : vector<256x128xf32>
    %dot_general3A_11 = tpu.matmul %convert_element_type3A_7, %get3A_10, %dot_general3A {dimension_numbers = #tpu.dot_dimension_numbers<[1], [0], [0], [1], [0, 0, 1, 1], [], []>, precision = #tpu.contract_precision<fp32>, transpose_lhs_hint = false} : vector<256x128xf32>, vector<128x128xf32>, vector<256x128xf32> -> vector<256x128xf32>
    %get3A_12 = arith.constant 0 : index
    %get3A_13 = arith.constant 0 : index
    %get3A_14 = arith.constant 0 : index
    %get3A_15 = vector.load %arg2[%get3A_12, %get3A_13, %get3A_14] : memref<8x32x128xf32, #tpu.memory_space<vmem>>, vector<8x32x128xf32>
    %reshape3A = vector.shape_cast %get3A_15 : vector<8x32x128xf32> to vector<256x128xf32>
    %add3A = arith.addf %reshape3A, %dot_general3A_11 : vector<256x128xf32>
    %get3A_16 = arith.constant 0 : index
    %get3A_17 = arith.constant 0 : index
    %get3A_18 = vector.load %arg5[%get3A_16, %get3A_17] : memref<4x128xf32, #tpu.memory_space<vmem>>, vector<4x128xf32>
    %get3A_19 = arith.constant 0 : index
    %get3A_20 = arith.constant 0 : index
    %get3A_21 = vector.load %arg6[%get3A_19, %get3A_20] : memref<1x4xf32, #tpu.memory_space<vmem>>, vector<1x4xf32>
    %get3A_22 = arith.constant 0 : index
    %get3A_23 = arith.constant 0 : index
    %get3A_24 = arith.constant 0 : index
    %get3A_25 = vector.load %arg7[%get3A_22, %get3A_23, %get3A_24] : memref<4x256x128xf32, #tpu.memory_space<vmem>>, vector<4x256x128xf32>
    %get3A_26 = arith.constant 0 : index
    %get3A_27 = arith.constant 0 : index
    %get3A_28 = arith.constant 0 : index
    %get3A_29 = vector.load %arg8[%get3A_26, %get3A_27, %get3A_28] : memref<4x1x256xf32, #tpu.memory_space<vmem>>, vector<4x1x256xf32>
    %get3A_30 = arith.constant 0 : index
    %get3A_31 = arith.constant 0 : index
    %get3A_32 = arith.constant 0 : index
    %get3A_33 = vector.load %arg9[%get3A_30, %get3A_31, %get3A_32] : memref<4x128x256xf32, #tpu.memory_space<vmem>>, vector<4x128x256xf32>
    %get3A_34 = arith.constant 0 : index
    %get3A_35 = arith.constant 0 : index
    %get3A_36 = arith.constant 0 : index
    %get3A_37 = vector.load %arg10[%get3A_34, %get3A_35, %get3A_36] : memref<4x1x128xf32, #tpu.memory_space<vmem>>, vector<4x1x128xf32>
    %dot_general3A_38 = arith.constant dense<0.000000e+00> : vector<256x4xf32>
    %dot_general3A_39 = tpu.matmul %add3A, %get3A_18, %dot_general3A_38 {dimension_numbers = #tpu.dot_dimension_numbers<[1], [1], [0], [0], [0, 0, 1, 0], [], []>, transpose_lhs_hint = false} : vector<256x128xf32>, vector<4x128xf32>, vector<256x4xf32> -> vector<256x4xf32>
    %add3A_40 = vector.broadcast %get3A_21 : vector<1x4xf32> to vector<256x4xf32>
    %add3A_41 = arith.addf %dot_general3A_39, %add3A_40 : vector<256x4xf32>
    %reduce_max3A = arith.constant dense<0xFF800000> : vector<256xf32>
    %reduce_max3A_42 = vector.multi_reduction <maximumf>, %add3A_41, %reduce_max3A [1] : vector<256x4xf32> to vector<256xf32>
    %broadcast_in_dim3A = vector.shape_cast %reduce_max3A_42 : vector<256xf32> to vector<256x1xf32>
    %sub3A = vector.broadcast %broadcast_in_dim3A : vector<256x1xf32> to vector<256x4xf32>
    %sub3A_43 = arith.subf %add3A_41, %sub3A : vector<256x4xf32>
    %exp3A = math.exp %sub3A_43 : vector<256x4xf32>
    %reduce_sum3A = arith.constant dense<0.000000e+00> : vector<256xf32>
    %reduce_sum3A_44 = vector.multi_reduction <add>, %exp3A, %reduce_sum3A [1] : vector<256x4xf32> to vector<256xf32>
    %broadcast_in_dim3A_45 = vector.shape_cast %reduce_sum3A_44 : vector<256xf32> to vector<256x1xf32>
    %div3A = vector.broadcast %broadcast_in_dim3A_45 : vector<256x1xf32> to vector<256x4xf32>
    %div3A_46 = arith.divf %exp3A, %div3A : vector<256x4xf32>
    %iota3A_47 = tpu.iota {dimensions = array<i32: 1>} : vector<256x4xi32>
    %broadcast_in_dim3A_48 = arith.constant 0 : i32
    %broadcast_in_dim3A_49 = vector.broadcast %broadcast_in_dim3A_48 : i32 to vector<256x4xi32>
    %slice3A = vector.extract_strided_slice %div3A_46 {offsets = [0, 0], sizes = [256, 1], strides = [1, 1]} : vector<256x4xf32> to vector<256x1xf32>
    %gt3A = vector.broadcast %slice3A : vector<256x1xf32> to vector<256x4xf32>
    %gt3A_50 = arith.cmpf ogt, %gt3A, %div3A_46 : vector<256x4xf32>
    %convert_element_type3A_51 = arith.extui %gt3A_50 : vector<256x4xi1> to vector<256x4xi32>
    %add3A_52 = arith.addi %broadcast_in_dim3A_49, %convert_element_type3A_51 : vector<256x4xi32>
    %eq3A_53 = vector.broadcast %slice3A : vector<256x1xf32> to vector<256x4xf32>
    %eq3A_54 = arith.cmpf oeq, %eq3A_53, %div3A_46 : vector<256x4xf32>
    %gt3A_55 = arith.constant 0 : i32
    %gt3A_56 = vector.broadcast %gt3A_55 : i32 to vector<256x4xi32>
    %gt3A_57 = arith.cmpi sgt, %iota3A_47, %gt3A_56 : vector<256x4xi32>
    %and3A = arith.andi %eq3A_54, %gt3A_57 : vector<256x4xi1>
    %convert_element_type3A_58 = arith.extui %and3A : vector<256x4xi1> to vector<256x4xi32>
    %add3A_59 = arith.addi %add3A_52, %convert_element_type3A_58 : vector<256x4xi32>
    %slice3A_60 = vector.extract_strided_slice %div3A_46 {offsets = [0, 1], sizes = [256, 1], strides = [1, 1]} : vector<256x4xf32> to vector<256x1xf32>
    %gt3A_61 = vector.broadcast %slice3A_60 : vector<256x1xf32> to vector<256x4xf32>
    %gt3A_62 = arith.cmpf ogt, %gt3A_61, %div3A_46 : vector<256x4xf32>
    %convert_element_type3A_63 = arith.extui %gt3A_62 : vector<256x4xi1> to vector<256x4xi32>
    %add3A_64 = arith.addi %add3A_59, %convert_element_type3A_63 : vector<256x4xi32>
    %eq3A_65 = vector.broadcast %slice3A_60 : vector<256x1xf32> to vector<256x4xf32>
    %eq3A_66 = arith.cmpf oeq, %eq3A_65, %div3A_46 : vector<256x4xf32>
    %gt3A_67 = arith.constant 1 : i32
    %gt3A_68 = vector.broadcast %gt3A_67 : i32 to vector<256x4xi32>
    %gt3A_69 = arith.cmpi sgt, %iota3A_47, %gt3A_68 : vector<256x4xi32>
    %and3A_70 = arith.andi %eq3A_66, %gt3A_69 : vector<256x4xi1>
    %convert_element_type3A_71 = arith.extui %and3A_70 : vector<256x4xi1> to vector<256x4xi32>
    %add3A_72 = arith.addi %add3A_64, %convert_element_type3A_71 : vector<256x4xi32>
    %slice3A_73 = vector.extract_strided_slice %div3A_46 {offsets = [0, 2], sizes = [256, 1], strides = [1, 1]} : vector<256x4xf32> to vector<256x1xf32>
    %gt3A_74 = vector.broadcast %slice3A_73 : vector<256x1xf32> to vector<256x4xf32>
    %gt3A_75 = arith.cmpf ogt, %gt3A_74, %div3A_46 : vector<256x4xf32>
    %convert_element_type3A_76 = arith.extui %gt3A_75 : vector<256x4xi1> to vector<256x4xi32>
    %add3A_77 = arith.addi %add3A_72, %convert_element_type3A_76 : vector<256x4xi32>
    %eq3A_78 = vector.broadcast %slice3A_73 : vector<256x1xf32> to vector<256x4xf32>
    %eq3A_79 = arith.cmpf oeq, %eq3A_78, %div3A_46 : vector<256x4xf32>
    %gt3A_80 = arith.constant 2 : i32
    %gt3A_81 = vector.broadcast %gt3A_80 : i32 to vector<256x4xi32>
    %gt3A_82 = arith.cmpi sgt, %iota3A_47, %gt3A_81 : vector<256x4xi32>
    %and3A_83 = arith.andi %eq3A_79, %gt3A_82 : vector<256x4xi1>
    %convert_element_type3A_84 = arith.extui %and3A_83 : vector<256x4xi1> to vector<256x4xi32>
    %add3A_85 = arith.addi %add3A_77, %convert_element_type3A_84 : vector<256x4xi32>
    %slice3A_86 = vector.extract_strided_slice %div3A_46 {offsets = [0, 3], sizes = [256, 1], strides = [1, 1]} : vector<256x4xf32> to vector<256x1xf32>
    %gt3A_87 = vector.broadcast %slice3A_86 : vector<256x1xf32> to vector<256x4xf32>
    %gt3A_88 = arith.cmpf ogt, %gt3A_87, %div3A_46 : vector<256x4xf32>
    %convert_element_type3A_89 = arith.extui %gt3A_88 : vector<256x4xi1> to vector<256x4xi32>
    %add3A_90 = arith.addi %add3A_85, %convert_element_type3A_89 : vector<256x4xi32>
    %eq3A_91 = vector.broadcast %slice3A_86 : vector<256x1xf32> to vector<256x4xf32>
    %eq3A_92 = arith.cmpf oeq, %eq3A_91, %div3A_46 : vector<256x4xf32>
    %gt3A_93 = arith.constant 3 : i32
    %gt3A_94 = vector.broadcast %gt3A_93 : i32 to vector<256x4xi32>
    %gt3A_95 = arith.cmpi sgt, %iota3A_47, %gt3A_94 : vector<256x4xi32>
    %and3A_96 = arith.andi %eq3A_92, %gt3A_95 : vector<256x4xi1>
    %convert_element_type3A_97 = arith.extui %and3A_96 : vector<256x4xi1> to vector<256x4xi32>
    %add3A_98 = arith.addi %add3A_90, %convert_element_type3A_97 : vector<256x4xi32>
    %lt3A = arith.constant 2 : i32
    %lt3A_99 = vector.broadcast %lt3A : i32 to vector<256x4xi32>
    %lt3A_100 = arith.cmpi slt, %add3A_98, %lt3A_99 : vector<256x4xi32>
    %jit3A = arith.constant 0.000000e+00 : f32
    %broadcast_in_dim3A_101 = vector.broadcast %jit3A : f32 to vector<256x4xf32>
    %select_n3A = arith.select %lt3A_100, %div3A_46, %broadcast_in_dim3A_101 : vector<256x4xi1>, vector<256x4xf32>
    %reduce_sum3A_102 = arith.constant dense<0.000000e+00> : vector<256xf32>
    %reduce_sum3A_103 = vector.multi_reduction <add>, %select_n3A, %reduce_sum3A_102 [1] : vector<256x4xf32> to vector<256xf32>
    %broadcast_in_dim3A_104 = vector.shape_cast %reduce_sum3A_103 : vector<256xf32> to vector<256x1xf32>
    %div3A_105 = vector.broadcast %broadcast_in_dim3A_104 : vector<256x1xf32> to vector<256x4xf32>
    %div3A_106 = arith.divf %select_n3A, %div3A_105 : vector<256x4xf32>
    %broadcast_in_dim3A_107 = arith.constant 0.000000e+00 : f32
    %broadcast_in_dim3A_108 = vector.broadcast %broadcast_in_dim3A_107 : f32 to vector<256x128xf32>
    %slice3A_109 = vector.extract_strided_slice %get3A_25 {offsets = [0, 0, 0], sizes = [1, 256, 128], strides = [1, 1, 1]} : vector<4x256x128xf32> to vector<1x256x128xf32>
    %squeeze3A = vector.shape_cast %slice3A_109 : vector<1x256x128xf32> to vector<256x128xf32>
    %dot_general3A_110 = arith.constant dense<0.000000e+00> : vector<256x256xf32>
    %dot_general3A_111 = tpu.matmul %add3A, %squeeze3A, %dot_general3A_110 {dimension_numbers = #tpu.dot_dimension_numbers<[1], [1], [0], [0], [0, 0, 1, 0], [], []>, transpose_lhs_hint = false} : vector<256x128xf32>, vector<256x128xf32>, vector<256x256xf32> -> vector<256x256xf32>
    %slice3A_112 = vector.extract_strided_slice %get3A_29 {offsets = [0, 0, 0], sizes = [1, 1, 256], strides = [1, 1, 1]} : vector<4x1x256xf32> to vector<1x1x256xf32>
    %squeeze3A_113 = vector.shape_cast %slice3A_112 : vector<1x1x256xf32> to vector<1x256xf32>
    %add3A_114 = vector.broadcast %squeeze3A_113 : vector<1x256xf32> to vector<256x256xf32>
    %add3A_115 = arith.addf %dot_general3A_111, %add3A_114 : vector<256x256xf32>
    %mul3A = arith.constant 5.000000e-01 : f32
    %mul3A_116 = vector.broadcast %mul3A : f32 to vector<256x256xf32>
    %mul3A_117 = arith.mulf %mul3A_116, %add3A_115 : vector<256x256xf32>
    %mul3A_118 = arith.constant 0.707106769 : f32
    %mul3A_119 = vector.broadcast %mul3A_118 : f32 to vector<256x256xf32>
    %mul3A_120 = arith.mulf %add3A_115, %mul3A_119 : vector<256x256xf32>
    %erf3A = math.erf %mul3A_120 : vector<256x256xf32>
    %add3A_121 = arith.constant 1.000000e+00 : f32
    %add3A_122 = vector.broadcast %add3A_121 : f32 to vector<256x256xf32>
    %add3A_123 = arith.addf %add3A_122, %erf3A : vector<256x256xf32>
    %mul3A_124 = arith.mulf %mul3A_117, %add3A_123 : vector<256x256xf32>
    %slice3A_125 = vector.extract_strided_slice %get3A_33 {offsets = [0, 0, 0], sizes = [1, 128, 256], strides = [1, 1, 1]} : vector<4x128x256xf32> to vector<1x128x256xf32>
    %squeeze3A_126 = vector.shape_cast %slice3A_125 : vector<1x128x256xf32> to vector<128x256xf32>
    %dot_general3A_127 = arith.constant dense<0.000000e+00> : vector<256x128xf32>
    %dot_general3A_128 = tpu.matmul %mul3A_124, %squeeze3A_126, %dot_general3A_127 {dimension_numbers = #tpu.dot_dimension_numbers<[1], [1], [0], [0], [0, 0, 1, 0], [], []>, transpose_lhs_hint = false} : vector<256x256xf32>, vector<128x256xf32>, vector<256x128xf32> -> vector<256x128xf32>
    %slice3A_129 = vector.extract_strided_slice %get3A_37 {offsets = [0, 0, 0], sizes = [1, 1, 128], strides = [1, 1, 1]} : vector<4x1x128xf32> to vector<1x1x128xf32>
    %squeeze3A_130 = vector.shape_cast %slice3A_129 : vector<1x1x128xf32> to vector<1x128xf32>
    %add3A_131 = vector.broadcast %squeeze3A_130 : vector<1x128xf32> to vector<256x128xf32>
    %add3A_132 = arith.addf %dot_general3A_128, %add3A_131 : vector<256x128xf32>
    %slice3A_133 = vector.extract_strided_slice %div3A_106 {offsets = [0, 0], sizes = [256, 1], strides = [1, 1]} : vector<256x4xf32> to vector<256x1xf32>
    %mul3A_134 = vector.broadcast %slice3A_133 : vector<256x1xf32> to vector<256x128xf32>
    %mul3A_135 = arith.mulf %add3A_132, %mul3A_134 : vector<256x128xf32>
    %add3A_136 = arith.addf %broadcast_in_dim3A_108, %mul3A_135 : vector<256x128xf32>
    %slice3A_137 = vector.extract_strided_slice %get3A_25 {offsets = [1, 0, 0], sizes = [1, 256, 128], strides = [1, 1, 1]} : vector<4x256x128xf32> to vector<1x256x128xf32>
    %squeeze3A_138 = vector.shape_cast %slice3A_137 : vector<1x256x128xf32> to vector<256x128xf32>
    %dot_general3A_139 = arith.constant dense<0.000000e+00> : vector<256x256xf32>
    %dot_general3A_140 = tpu.matmul %add3A, %squeeze3A_138, %dot_general3A_139 {dimension_numbers = #tpu.dot_dimension_numbers<[1], [1], [0], [0], [0, 0, 1, 0], [], []>, transpose_lhs_hint = false} : vector<256x128xf32>, vector<256x128xf32>, vector<256x256xf32> -> vector<256x256xf32>
    %slice3A_141 = vector.extract_strided_slice %get3A_29 {offsets = [1, 0, 0], sizes = [1, 1, 256], strides = [1, 1, 1]} : vector<4x1x256xf32> to vector<1x1x256xf32>
    %squeeze3A_142 = vector.shape_cast %slice3A_141 : vector<1x1x256xf32> to vector<1x256xf32>
    %add3A_143 = vector.broadcast %squeeze3A_142 : vector<1x256xf32> to vector<256x256xf32>
    %add3A_144 = arith.addf %dot_general3A_140, %add3A_143 : vector<256x256xf32>
    %mul3A_145 = arith.constant 5.000000e-01 : f32
    %mul3A_146 = vector.broadcast %mul3A_145 : f32 to vector<256x256xf32>
    %mul3A_147 = arith.mulf %mul3A_146, %add3A_144 : vector<256x256xf32>
    %mul3A_148 = arith.constant 0.707106769 : f32
    %mul3A_149 = vector.broadcast %mul3A_148 : f32 to vector<256x256xf32>
    %mul3A_150 = arith.mulf %add3A_144, %mul3A_149 : vector<256x256xf32>
    %erf3A_151 = math.erf %mul3A_150 : vector<256x256xf32>
    %add3A_152 = arith.constant 1.000000e+00 : f32
    %add3A_153 = vector.broadcast %add3A_152 : f32 to vector<256x256xf32>
    %add3A_154 = arith.addf %add3A_153, %erf3A_151 : vector<256x256xf32>
    %mul3A_155 = arith.mulf %mul3A_147, %add3A_154 : vector<256x256xf32>
    %slice3A_156 = vector.extract_strided_slice %get3A_33 {offsets = [1, 0, 0], sizes = [1, 128, 256], strides = [1, 1, 1]} : vector<4x128x256xf32> to vector<1x128x256xf32>
    %squeeze3A_157 = vector.shape_cast %slice3A_156 : vector<1x128x256xf32> to vector<128x256xf32>
    %dot_general3A_158 = arith.constant dense<0.000000e+00> : vector<256x128xf32>
    %dot_general3A_159 = tpu.matmul %mul3A_155, %squeeze3A_157, %dot_general3A_158 {dimension_numbers = #tpu.dot_dimension_numbers<[1], [1], [0], [0], [0, 0, 1, 0], [], []>, transpose_lhs_hint = false} : vector<256x256xf32>, vector<128x256xf32>, vector<256x128xf32> -> vector<256x128xf32>
    %slice3A_160 = vector.extract_strided_slice %get3A_37 {offsets = [1, 0, 0], sizes = [1, 1, 128], strides = [1, 1, 1]} : vector<4x1x128xf32> to vector<1x1x128xf32>
    %squeeze3A_161 = vector.shape_cast %slice3A_160 : vector<1x1x128xf32> to vector<1x128xf32>
    %add3A_162 = vector.broadcast %squeeze3A_161 : vector<1x128xf32> to vector<256x128xf32>
    %add3A_163 = arith.addf %dot_general3A_159, %add3A_162 : vector<256x128xf32>
    %slice3A_164 = vector.extract_strided_slice %div3A_106 {offsets = [0, 1], sizes = [256, 1], strides = [1, 1]} : vector<256x4xf32> to vector<256x1xf32>
    %mul3A_165 = vector.broadcast %slice3A_164 : vector<256x1xf32> to vector<256x128xf32>
    %mul3A_166 = arith.mulf %add3A_163, %mul3A_165 : vector<256x128xf32>
    %add3A_167 = arith.addf %add3A_136, %mul3A_166 : vector<256x128xf32>
    %slice3A_168 = vector.extract_strided_slice %get3A_25 {offsets = [2, 0, 0], sizes = [1, 256, 128], strides = [1, 1, 1]} : vector<4x256x128xf32> to vector<1x256x128xf32>
    %squeeze3A_169 = vector.shape_cast %slice3A_168 : vector<1x256x128xf32> to vector<256x128xf32>
    %dot_general3A_170 = arith.constant dense<0.000000e+00> : vector<256x256xf32>
    %dot_general3A_171 = tpu.matmul %add3A, %squeeze3A_169, %dot_general3A_170 {dimension_numbers = #tpu.dot_dimension_numbers<[1], [1], [0], [0], [0, 0, 1, 0], [], []>, transpose_lhs_hint = false} : vector<256x128xf32>, vector<256x128xf32>, vector<256x256xf32> -> vector<256x256xf32>
    %slice3A_172 = vector.extract_strided_slice %get3A_29 {offsets = [2, 0, 0], sizes = [1, 1, 256], strides = [1, 1, 1]} : vector<4x1x256xf32> to vector<1x1x256xf32>
    %squeeze3A_173 = vector.shape_cast %slice3A_172 : vector<1x1x256xf32> to vector<1x256xf32>
    %add3A_174 = vector.broadcast %squeeze3A_173 : vector<1x256xf32> to vector<256x256xf32>
    %add3A_175 = arith.addf %dot_general3A_171, %add3A_174 : vector<256x256xf32>
    %mul3A_176 = arith.constant 5.000000e-01 : f32
    %mul3A_177 = vector.broadcast %mul3A_176 : f32 to vector<256x256xf32>
    %mul3A_178 = arith.mulf %mul3A_177, %add3A_175 : vector<256x256xf32>
    %mul3A_179 = arith.constant 0.707106769 : f32
    %mul3A_180 = vector.broadcast %mul3A_179 : f32 to vector<256x256xf32>
    %mul3A_181 = arith.mulf %add3A_175, %mul3A_180 : vector<256x256xf32>
    %erf3A_182 = math.erf %mul3A_181 : vector<256x256xf32>
    %add3A_183 = arith.constant 1.000000e+00 : f32
    %add3A_184 = vector.broadcast %add3A_183 : f32 to vector<256x256xf32>
    %add3A_185 = arith.addf %add3A_184, %erf3A_182 : vector<256x256xf32>
    %mul3A_186 = arith.mulf %mul3A_178, %add3A_185 : vector<256x256xf32>
    %slice3A_187 = vector.extract_strided_slice %get3A_33 {offsets = [2, 0, 0], sizes = [1, 128, 256], strides = [1, 1, 1]} : vector<4x128x256xf32> to vector<1x128x256xf32>
    %squeeze3A_188 = vector.shape_cast %slice3A_187 : vector<1x128x256xf32> to vector<128x256xf32>
    %dot_general3A_189 = arith.constant dense<0.000000e+00> : vector<256x128xf32>
    %dot_general3A_190 = tpu.matmul %mul3A_186, %squeeze3A_188, %dot_general3A_189 {dimension_numbers = #tpu.dot_dimension_numbers<[1], [1], [0], [0], [0, 0, 1, 0], [], []>, transpose_lhs_hint = false} : vector<256x256xf32>, vector<128x256xf32>, vector<256x128xf32> -> vector<256x128xf32>
    %slice3A_191 = vector.extract_strided_slice %get3A_37 {offsets = [2, 0, 0], sizes = [1, 1, 128], strides = [1, 1, 1]} : vector<4x1x128xf32> to vector<1x1x128xf32>
    %squeeze3A_192 = vector.shape_cast %slice3A_191 : vector<1x1x128xf32> to vector<1x128xf32>
    %add3A_193 = vector.broadcast %squeeze3A_192 : vector<1x128xf32> to vector<256x128xf32>
    %add3A_194 = arith.addf %dot_general3A_190, %add3A_193 : vector<256x128xf32>
    %slice3A_195 = vector.extract_strided_slice %div3A_106 {offsets = [0, 2], sizes = [256, 1], strides = [1, 1]} : vector<256x4xf32> to vector<256x1xf32>
    %mul3A_196 = vector.broadcast %slice3A_195 : vector<256x1xf32> to vector<256x128xf32>
    %mul3A_197 = arith.mulf %add3A_194, %mul3A_196 : vector<256x128xf32>
    %add3A_198 = arith.addf %add3A_167, %mul3A_197 : vector<256x128xf32>
    %slice3A_199 = vector.extract_strided_slice %get3A_25 {offsets = [3, 0, 0], sizes = [1, 256, 128], strides = [1, 1, 1]} : vector<4x256x128xf32> to vector<1x256x128xf32>
    %squeeze3A_200 = vector.shape_cast %slice3A_199 : vector<1x256x128xf32> to vector<256x128xf32>
    %dot_general3A_201 = arith.constant dense<0.000000e+00> : vector<256x256xf32>
    %dot_general3A_202 = tpu.matmul %add3A, %squeeze3A_200, %dot_general3A_201 {dimension_numbers = #tpu.dot_dimension_numbers<[1], [1], [0], [0], [0, 0, 1, 0], [], []>, transpose_lhs_hint = false} : vector<256x128xf32>, vector<256x128xf32>, vector<256x256xf32> -> vector<256x256xf32>
    %slice3A_203 = vector.extract_strided_slice %get3A_29 {offsets = [3, 0, 0], sizes = [1, 1, 256], strides = [1, 1, 1]} : vector<4x1x256xf32> to vector<1x1x256xf32>
    %squeeze3A_204 = vector.shape_cast %slice3A_203 : vector<1x1x256xf32> to vector<1x256xf32>
    %add3A_205 = vector.broadcast %squeeze3A_204 : vector<1x256xf32> to vector<256x256xf32>
    %add3A_206 = arith.addf %dot_general3A_202, %add3A_205 : vector<256x256xf32>
    %mul3A_207 = arith.constant 5.000000e-01 : f32
    %mul3A_208 = vector.broadcast %mul3A_207 : f32 to vector<256x256xf32>
    %mul3A_209 = arith.mulf %mul3A_208, %add3A_206 : vector<256x256xf32>
    %mul3A_210 = arith.constant 0.707106769 : f32
    %mul3A_211 = vector.broadcast %mul3A_210 : f32 to vector<256x256xf32>
    %mul3A_212 = arith.mulf %add3A_206, %mul3A_211 : vector<256x256xf32>
    %erf3A_213 = math.erf %mul3A_212 : vector<256x256xf32>
    %add3A_214 = arith.constant 1.000000e+00 : f32
    %add3A_215 = vector.broadcast %add3A_214 : f32 to vector<256x256xf32>
    %add3A_216 = arith.addf %add3A_215, %erf3A_213 : vector<256x256xf32>
    %mul3A_217 = arith.mulf %mul3A_209, %add3A_216 : vector<256x256xf32>
    %slice3A_218 = vector.extract_strided_slice %get3A_33 {offsets = [3, 0, 0], sizes = [1, 128, 256], strides = [1, 1, 1]} : vector<4x128x256xf32> to vector<1x128x256xf32>
    %squeeze3A_219 = vector.shape_cast %slice3A_218 : vector<1x128x256xf32> to vector<128x256xf32>
    %dot_general3A_220 = arith.constant dense<0.000000e+00> : vector<256x128xf32>
    %dot_general3A_221 = tpu.matmul %mul3A_217, %squeeze3A_219, %dot_general3A_220 {dimension_numbers = #tpu.dot_dimension_numbers<[1], [1], [0], [0], [0, 0, 1, 0], [], []>, transpose_lhs_hint = false} : vector<256x256xf32>, vector<128x256xf32>, vector<256x128xf32> -> vector<256x128xf32>
    %slice3A_222 = vector.extract_strided_slice %get3A_37 {offsets = [3, 0, 0], sizes = [1, 1, 128], strides = [1, 1, 1]} : vector<4x1x128xf32> to vector<1x1x128xf32>
    %squeeze3A_223 = vector.shape_cast %slice3A_222 : vector<1x1x128xf32> to vector<1x128xf32>
    %add3A_224 = vector.broadcast %squeeze3A_223 : vector<1x128xf32> to vector<256x128xf32>
    %add3A_225 = arith.addf %dot_general3A_221, %add3A_224 : vector<256x128xf32>
    %slice3A_226 = vector.extract_strided_slice %div3A_106 {offsets = [0, 3], sizes = [256, 1], strides = [1, 1]} : vector<256x4xf32> to vector<256x1xf32>
    %mul3A_227 = vector.broadcast %slice3A_226 : vector<256x1xf32> to vector<256x128xf32>
    %mul3A_228 = arith.mulf %add3A_225, %mul3A_227 : vector<256x128xf32>
    %add3A_229 = arith.addf %add3A_198, %mul3A_228 : vector<256x128xf32>
    %get3A_230 = arith.constant 0 : index
    %get3A_231 = arith.constant 0 : index
    %get3A_232 = vector.load %arg24[%get3A_230, %get3A_231] : memref<8x128xf32, #tpu.memory_space<vmem>>, vector<1x4xf32>
    %reduce_sum3A_233 = arith.constant dense<0.000000e+00> : vector<4xf32>
    %reduce_sum3A_234 = vector.multi_reduction <add>, %div3A_46, %reduce_sum3A_233 [0] : vector<256x4xf32> to vector<4xf32>
    %broadcast_in_dim3A_235 = vector.shape_cast %reduce_sum3A_234 : vector<4xf32> to vector<1x4xf32>
    %add3A_236 = arith.addf %get3A_232, %broadcast_in_dim3A_235 : vector<1x4xf32>
    %swap3A = arith.constant 0 : index
    %swap3A_237 = arith.constant 0 : index
    %swap3A_238 = vector.load %arg24[%swap3A, %swap3A_237] : memref<8x128xf32, #tpu.memory_space<vmem>>, vector<1x4xf32>
    tpu.vector_store %arg24[%swap3A, %swap3A_237], %add3A_236 {strides = array<i32>} : memref<8x128xf32, #tpu.memory_space<vmem>>, vector<1x4xf32>,
    %get3A_239 = arith.constant 0 : index
    %get3A_240 = arith.constant 0 : index
    %get3A_241 = vector.load %arg11[%get3A_239, %get3A_240] : memref<1x128xf32, #tpu.memory_space<vmem>>, vector<1x128xf32>
    %get3A_242 = arith.constant 0 : index
    %get3A_243 = arith.constant 0 : index
    %get3A_244 = vector.load %arg12[%get3A_242, %get3A_243] : memref<1x128xf32, #tpu.memory_space<vmem>>, vector<1x128xf32>
    %reduce_sum3A_245 = arith.constant dense<0.000000e+00> : vector<256xf32>
    %reduce_sum3A_246 = vector.multi_reduction <add>, %add3A_229, %reduce_sum3A_245 [1] : vector<256x128xf32> to vector<256xf32>
    %broadcast_in_dim3A_247 = vector.shape_cast %reduce_sum3A_246 : vector<256xf32> to vector<256x1xf32>
    %div3A_248 = arith.constant 1.280000e+02 : f32
    %div3A_249 = vector.broadcast %div3A_248 : f32 to vector<256x1xf32>
    %div3A_250 = arith.divf %broadcast_in_dim3A_247, %div3A_249 : vector<256x1xf32>
    %sub3A_251 = vector.broadcast %div3A_250 : vector<256x1xf32> to vector<256x128xf32>
    %sub3A_252 = arith.subf %add3A_229, %sub3A_251 : vector<256x128xf32>
    %mul3A_253 = arith.mulf %sub3A_252, %sub3A_252 : vector<256x128xf32>
    %reduce_sum3A_254 = arith.constant dense<0.000000e+00> : vector<256xf32>
    %reduce_sum3A_255 = vector.multi_reduction <add>, %mul3A_253, %reduce_sum3A_254 [1] : vector<256x128xf32> to vector<256xf32>
    %broadcast_in_dim3A_256 = vector.shape_cast %reduce_sum3A_255 : vector<256xf32> to vector<256x1xf32>
    %div3A_257 = arith.constant 1.280000e+02 : f32
    %div3A_258 = vector.broadcast %div3A_257 : f32 to vector<256x1xf32>
    %div3A_259 = arith.divf %broadcast_in_dim3A_256, %div3A_258 : vector<256x1xf32>
    %add3A_260 = arith.constant 9.99999974E-6 : f32
    %add3A_261 = vector.broadcast %add3A_260 : f32 to vector<256x1xf32>
    %add3A_262 = arith.addf %div3A_259, %add3A_261 : vector<256x1xf32>
    %sqrt3A = math.sqrt %add3A_262 : vector<256x1xf32>
    %div3A_263 = vector.broadcast %sqrt3A : vector<256x1xf32> to vector<256x128xf32>
    %div3A_264 = arith.divf %sub3A_252, %div3A_263 : vector<256x128xf32>
    %mul3A_265 = vector.broadcast %get3A_241 : vector<1x128xf32> to vector<256x128xf32>
    %mul3A_266 = arith.mulf %div3A_264, %mul3A_265 : vector<256x128xf32>
    %add3A_267 = vector.broadcast %get3A_244 : vector<1x128xf32> to vector<256x128xf32>
    %add3A_268 = arith.addf %mul3A_266, %add3A_267 : vector<256x128xf32>
    %get3A_269 = arith.constant 0 : index
    %get3A_270 = arith.constant 0 : index
    %get3A_271 = arith.constant 0 : index
    %get3A_272 = vector.load %arg1[%get3A_269, %get3A_270, %get3A_271] : memref<8x56x128xf32, #tpu.memory_space<vmem>>, vector<8x56x128xf32>
    %reshape3A_273 = vector.shape_cast %get3A_272 : vector<8x56x128xf32> to vector<448x128xf32>
    %get3A_274 = arith.constant 0 : index
    %get3A_275 = arith.constant 0 : index
    %get3A_276 = vector.load %arg13[%get3A_274, %get3A_275] : memref<384x128xf32, #tpu.memory_space<vmem>>, vector<128x128xf32>
    %dot_general3A_277 = arith.constant dense<0.000000e+00> : vector<256x128xf32>
    %dot_general3A_278 = tpu.matmul %add3A_268, %get3A_276, %dot_general3A_277 {dimension_numbers = #tpu.dot_dimension_numbers<[1], [1], [0], [0], [0, 0, 1, 0], [], []>, transpose_lhs_hint = false} : vector<256x128xf32>, vector<128x128xf32>, vector<256x128xf32> -> vector<256x128xf32>
    %get3A_279 = arith.constant 0 : index
    %get3A_280 = arith.constant 0 : index
    %get3A_281 = vector.load %arg14[%get3A_279, %get3A_280] : memref<1x384xf32, #tpu.memory_space<vmem>>, vector<1x128xf32>
    %add3A_282 = vector.broadcast %get3A_281 : vector<1x128xf32> to vector<256x128xf32>
    %add3A_283 = arith.addf %dot_general3A_278, %add3A_282 : vector<256x128xf32>
    %get3A_284 = arith.constant 128 : index
    %get3A_285 = arith.constant 0 : index
    %get3A_286 = vector.load %arg13[%get3A_284, %get3A_285] : memref<384x128xf32, #tpu.memory_space<vmem>>, vector<128x128xf32>
    %dot_general3A_287 = arith.constant dense<0.000000e+00> : vector<448x128xf32>
    %dot_general3A_288 = tpu.matmul %reshape3A_273, %get3A_286, %dot_general3A_287 {dimension_numbers = #tpu.dot_dimension_numbers<[1], [1], [0], [0], [0, 0, 1, 0], [], []>, transpose_lhs_hint = false} : vector<448x128xf32>, vector<128x128xf32>, vector<448x128xf32> -> vector<448x128xf32>
    %get3A_289 = arith.constant 0 : index
    %get3A_290 = arith.constant 128 : index
    %get3A_291 = vector.load %arg14[%get3A_289, %get3A_290] : memref<1x384xf32, #tpu.memory_space<vmem>>, vector<1x128xf32>
    %add3A_292 = vector.broadcast %get3A_291 : vector<1x128xf32> to vector<448x128xf32>
    %add3A_293 = arith.addf %dot_general3A_288, %add3A_292 : vector<448x128xf32>
    %get3A_294 = arith.constant 256 : index
    %get3A_295 = arith.constant 0 : index
    %get3A_296 = vector.load %arg13[%get3A_294, %get3A_295] : memref<384x128xf32, #tpu.memory_space<vmem>>, vector<128x128xf32>
    %dot_general3A_297 = arith.constant dense<0.000000e+00> : vector<448x128xf32>
    %dot_general3A_298 = tpu.matmul %reshape3A_273, %get3A_296, %dot_general3A_297 {dimension_numbers = #tpu.dot_dimension_numbers<[1], [1], [0], [0], [0, 0, 1, 0], [], []>, transpose_lhs_hint = false} : vector<448x128xf32>, vector<128x128xf32>, vector<448x128xf32> -> vector<448x128xf32>
    %get3A_299 = arith.constant 0 : index
    %get3A_300 = arith.constant 256 : index
    %get3A_301 = vector.load %arg14[%get3A_299, %get3A_300] : memref<1x384xf32, #tpu.memory_space<vmem>>, vector<1x128xf32>
    %add3A_302 = vector.broadcast %get3A_301 : vector<1x128xf32> to vector<448x128xf32>
    %add3A_303 = arith.addf %dot_general3A_298, %add3A_302 : vector<448x128xf32>
    %iota3A_304 = tpu.iota {dimensions = array<i32: 0>} : vector<256x448xi32>
    %iota3A_305 = tpu.iota {dimensions = array<i32: 1>} : vector<256x448xi32>
    %jit3A_306 = arith.constant 32 : i32
    %div3A_307 = vector.broadcast %jit3A_306 : i32 to vector<256x448xi32>
    %div3A_308 = arith.divsi %iota3A_304, %div3A_307 : vector<256x448xi32>
    %sign3A = arith.constant 0 : i32
    %sign3A_309 = vector.broadcast %sign3A : i32 to vector<256x448xi32>
    %sign3A_310 = arith.cmpi sgt, %iota3A_304, %sign3A_309 : vector<256x448xi32>
    %sign3A_311 = arith.extui %sign3A_310 : vector<256x448xi1> to vector<256x448xi32>
    %sign3A_312 = arith.constant 0 : i32
    %sign3A_313 = vector.broadcast %sign3A_312 : i32 to vector<256x448xi32>
    %sign3A_314 = arith.cmpi slt, %iota3A_304, %sign3A_313 : vector<256x448xi32>
    %sign3A_315 = arith.extui %sign3A_314 : vector<256x448xi1> to vector<256x448xi32>
    %sign3A_316 = arith.subi %sign3A_311, %sign3A_315 : vector<256x448xi32>
    %sign3A_317 = arith.constant 0 : i32
    %sign3A_318 = arith.cmpi sgt, %jit3A_306, %sign3A_317 : i32
    %sign3A_319 = arith.extui %sign3A_318 : i1 to i32
    %sign3A_320 = arith.constant 0 : i32
    %sign3A_321 = arith.cmpi slt, %jit3A_306, %sign3A_320 : i32
    %sign3A_322 = arith.extui %sign3A_321 : i1 to i32
    %sign3A_323 = arith.subi %sign3A_319, %sign3A_322 : i32
    %ne3A = vector.broadcast %sign3A_323 : i32 to vector<256x448xi32>
    %ne3A_324 = arith.cmpi ne, %sign3A_316, %ne3A : vector<256x448xi32>
    %rem3A = vector.broadcast %jit3A_306 : i32 to vector<256x448xi32>
    %rem3A_325 = arith.remsi %iota3A_304, %rem3A : vector<256x448xi32>
    %ne3A_326 = arith.constant 0 : i32
    %ne3A_327 = vector.broadcast %ne3A_326 : i32 to vector<256x448xi32>
    %ne3A_328 = arith.cmpi ne, %rem3A_325, %ne3A_327 : vector<256x448xi32>
    %and3A_329 = arith.andi %ne3A_324, %ne3A_328 : vector<256x448xi1>
    %sub3A_330 = arith.constant 1 : i32
    %sub3A_331 = vector.broadcast %sub3A_330 : i32 to vector<256x448xi32>
    %sub3A_332 = arith.subi %div3A_308, %sub3A_331 : vector<256x448xi32>
    %select_n3A_333 = arith.select %and3A_329, %sub3A_332, %div3A_308 : vector<256x448xi1>, vector<256x448xi32>
    %jit3A_334 = arith.constant 56 : i32
    %div3A_335 = vector.broadcast %jit3A_334 : i32 to vector<256x448xi32>
    %div3A_336 = arith.divsi %iota3A_305, %div3A_335 : vector<256x448xi32>
    %sign3A_337 = arith.constant 0 : i32
    %sign3A_338 = vector.broadcast %sign3A_337 : i32 to vector<256x448xi32>
    %sign3A_339 = arith.cmpi sgt, %iota3A_305, %sign3A_338 : vector<256x448xi32>
    %sign3A_340 = arith.extui %sign3A_339 : vector<256x448xi1> to vector<256x448xi32>
    %sign3A_341 = arith.constant 0 : i32
    %sign3A_342 = vector.broadcast %sign3A_341 : i32 to vector<256x448xi32>
    %sign3A_343 = arith.cmpi slt, %iota3A_305, %sign3A_342 : vector<256x448xi32>
    %sign3A_344 = arith.extui %sign3A_343 : vector<256x448xi1> to vector<256x448xi32>
    %sign3A_345 = arith.subi %sign3A_340, %sign3A_344 : vector<256x448xi32>
    %sign3A_346 = arith.constant 0 : i32
    %sign3A_347 = arith.cmpi sgt, %jit3A_334, %sign3A_346 : i32
    %sign3A_348 = arith.extui %sign3A_347 : i1 to i32
    %sign3A_349 = arith.constant 0 : i32
    %sign3A_350 = arith.cmpi slt, %jit3A_334, %sign3A_349 : i32
    %sign3A_351 = arith.extui %sign3A_350 : i1 to i32
    %sign3A_352 = arith.subi %sign3A_348, %sign3A_351 : i32
    %ne3A_353 = vector.broadcast %sign3A_352 : i32 to vector<256x448xi32>
    %ne3A_354 = arith.cmpi ne, %sign3A_345, %ne3A_353 : vector<256x448xi32>
    %rem3A_355 = vector.broadcast %jit3A_334 : i32 to vector<256x448xi32>
    %rem3A_356 = arith.remsi %iota3A_305, %rem3A_355 : vector<256x448xi32>
    %ne3A_357 = arith.constant 0 : i32
    %ne3A_358 = vector.broadcast %ne3A_357 : i32 to vector<256x448xi32>
    %ne3A_359 = arith.cmpi ne, %rem3A_356, %ne3A_358 : vector<256x448xi32>
    %and3A_360 = arith.andi %ne3A_354, %ne3A_359 : vector<256x448xi1>
    %sub3A_361 = arith.constant 1 : i32
    %sub3A_362 = vector.broadcast %sub3A_361 : i32 to vector<256x448xi32>
    %sub3A_363 = arith.subi %div3A_336, %sub3A_362 : vector<256x448xi32>
    %select_n3A_364 = arith.select %and3A_360, %sub3A_363, %div3A_336 : vector<256x448xi1>, vector<256x448xi32>
    %eq3A_365 = arith.cmpi eq, %select_n3A_333, %select_n3A_364 : vector<256x448xi32>
    %jit3A_366 = arith.constant 56 : i32
    %eq3A_367 = arith.constant 0 : i32
    %eq3A_368 = arith.cmpi eq, %jit3A_366, %eq3A_367 : i32
    %jit3A_369 = arith.constant 1 : i32
    %select_n3A_370 = arith.select %eq3A_368, %jit3A_369, %jit3A_366 : i32
    %rem3A_371 = vector.broadcast %select_n3A_370 : i32 to vector<256x448xi32>
    %rem3A_372 = arith.remsi %iota3A_305, %rem3A_371 : vector<256x448xi32>
    %ne3A_373 = arith.constant 0 : i32
    %ne3A_374 = vector.broadcast %ne3A_373 : i32 to vector<256x448xi32>
    %ne3A_375 = arith.cmpi ne, %rem3A_372, %ne3A_374 : vector<256x448xi32>
    %lt3A_376 = arith.constant 0 : i32
    %lt3A_377 = vector.broadcast %lt3A_376 : i32 to vector<256x448xi32>
    %lt3A_378 = arith.cmpi slt, %rem3A_372, %lt3A_377 : vector<256x448xi32>
    %lt3A_379 = arith.constant 0 : i32
    %lt3A_380 = arith.cmpi slt, %select_n3A_370, %lt3A_379 : i32
    %ne3A_381 = vector.broadcast %lt3A_380 : i1 to vector<256x448xi1>
    %ne3A_382 = vector.broadcast %ne3A_381 : vector<256x448xi1> to vector<256x448xi1>
    %ne3A_383 = arith.xori %lt3A_378, %ne3A_382 : vector<256x448xi1>
    %and3A_384 = arith.andi %ne3A_383, %ne3A_375 : vector<256x448xi1>
    %add3A_385 = vector.broadcast %select_n3A_370 : i32 to vector<256x448xi32>
    %add3A_386 = arith.addi %rem3A_372, %add3A_385 : vector<256x448xi32>
    %select_n3A_387 = arith.select %and3A_384, %add3A_386, %rem3A_372 : vector<256x448xi1>, vector<256x448xi32>
    %lt3A_388 = arith.constant 50 : i32
    %lt3A_389 = vector.broadcast %lt3A_388 : i32 to vector<256x448xi32>
    %lt3A_390 = arith.cmpi slt, %select_n3A_387, %lt3A_389 : vector<256x448xi32>
    %and3A_391 = arith.andi %eq3A_365, %lt3A_390 : vector<256x448xi1>
    %slice3A_392 = vector.extract_strided_slice %add3A_283 {offsets = [0, 0], sizes = [256, 32], strides = [1, 1]} : vector<256x128xf32> to vector<256x32xf32>
    %slice3A_393 = vector.extract_strided_slice %add3A_293 {offsets = [0, 0], sizes = [448, 32], strides = [1, 1]} : vector<448x128xf32> to vector<448x32xf32>
    %slice3A_394 = vector.extract_strided_slice %add3A_303 {offsets = [0, 0], sizes = [448, 32], strides = [1, 1]} : vector<448x128xf32> to vector<448x32xf32>
    %dot_general3A_395 = arith.constant dense<0.000000e+00> : vector<256x448xf32>
    %dot_general3A_396 = tpu.matmul %slice3A_392, %slice3A_393, %dot_general3A_395 {dimension_numbers = #tpu.dot_dimension_numbers<[1], [1], [0], [0], [0, 0, 1, 0], [], []>, transpose_lhs_hint = false} : vector<256x32xf32>, vector<448x32xf32>, vector<256x448xf32> -> vector<256x448xf32>
    %mul3A_397 = arith.constant 0.176776692 : f32
    %mul3A_398 = vector.broadcast %mul3A_397 : f32 to vector<256x448xf32>
    %mul3A_399 = arith.mulf %dot_general3A_396, %mul3A_398 : vector<256x448xf32>
    %jit3A_400 = arith.constant -1.000000e+30 : f32
    %broadcast_in_dim3A_401 = vector.broadcast %jit3A_400 : f32 to vector<256x448xf32>
    %select_n3A_402 = arith.select %and3A_391, %mul3A_399, %broadcast_in_dim3A_401 : vector<256x448xi1>, vector<256x448xf32>
    %reduce_max3A_403 = arith.constant dense<0xFF800000> : vector<256xf32>
    %reduce_max3A_404 = vector.multi_reduction <maximumf>, %select_n3A_402, %reduce_max3A_403 [1] : vector<256x448xf32> to vector<256xf32>
    %broadcast_in_dim3A_405 = vector.shape_cast %reduce_max3A_404 : vector<256xf32> to vector<256x1xf32>
    %sub3A_406 = vector.broadcast %broadcast_in_dim3A_405 : vector<256x1xf32> to vector<256x448xf32>
    %sub3A_407 = arith.subf %select_n3A_402, %sub3A_406 : vector<256x448xf32>
    %exp3A_408 = math.exp %sub3A_407 : vector<256x448xf32>
    %reduce_sum3A_409 = arith.constant dense<0.000000e+00> : vector<256xf32>
    %reduce_sum3A_410 = vector.multi_reduction <add>, %exp3A_408, %reduce_sum3A_409 [1] : vector<256x448xf32> to vector<256xf32>
    %broadcast_in_dim3A_411 = vector.shape_cast %reduce_sum3A_410 : vector<256xf32> to vector<256x1xf32>
    %div3A_412 = vector.broadcast %broadcast_in_dim3A_411 : vector<256x1xf32> to vector<256x448xf32>
    %div3A_413 = arith.divf %exp3A_408, %div3A_412 : vector<256x448xf32>
    %dot_general3A_414 = arith.constant dense<0.000000e+00> : vector<256x32xf32>
    %dot_general3A_415 = tpu.matmul %div3A_413, %slice3A_394, %dot_general3A_414 {dimension_numbers = #tpu.dot_dimension_numbers<[1], [0], [0], [1], [0, 0, 1, 1], [], []>, transpose_lhs_hint = false} : vector<256x448xf32>, vector<448x32xf32>, vector<256x32xf32> -> vector<256x32xf32>
    %slice3A_416 = vector.extract_strided_slice %add3A_283 {offsets = [0, 32], sizes = [256, 32], strides = [1, 1]} : vector<256x128xf32> to vector<256x32xf32>
    %slice3A_417 = vector.extract_strided_slice %add3A_293 {offsets = [0, 32], sizes = [448, 32], strides = [1, 1]} : vector<448x128xf32> to vector<448x32xf32>
    %slice3A_418 = vector.extract_strided_slice %add3A_303 {offsets = [0, 32], sizes = [448, 32], strides = [1, 1]} : vector<448x128xf32> to vector<448x32xf32>
    %dot_general3A_419 = arith.constant dense<0.000000e+00> : vector<256x448xf32>
    %dot_general3A_420 = tpu.matmul %slice3A_416, %slice3A_417, %dot_general3A_419 {dimension_numbers = #tpu.dot_dimension_numbers<[1], [1], [0], [0], [0, 0, 1, 0], [], []>, transpose_lhs_hint = false} : vector<256x32xf32>, vector<448x32xf32>, vector<256x448xf32> -> vector<256x448xf32>
    %mul3A_421 = arith.constant 0.176776692 : f32
    %mul3A_422 = vector.broadcast %mul3A_421 : f32 to vector<256x448xf32>
    %mul3A_423 = arith.mulf %dot_general3A_420, %mul3A_422 : vector<256x448xf32>
    %jit3A_424 = arith.constant -1.000000e+30 : f32
    %broadcast_in_dim3A_425 = vector.broadcast %jit3A_424 : f32 to vector<256x448xf32>
    %select_n3A_426 = arith.select %and3A_391, %mul3A_423, %broadcast_in_dim3A_425 : vector<256x448xi1>, vector<256x448xf32>
    %reduce_max3A_427 = arith.constant dense<0xFF800000> : vector<256xf32>
    %reduce_max3A_428 = vector.multi_reduction <maximumf>, %select_n3A_426, %reduce_max3A_427 [1] : vector<256x448xf32> to vector<256xf32>
    %broadcast_in_dim3A_429 = vector.shape_cast %reduce_max3A_428 : vector<256xf32> to vector<256x1xf32>
    %sub3A_430 = vector.broadcast %broadcast_in_dim3A_429 : vector<256x1xf32> to vector<256x448xf32>
    %sub3A_431 = arith.subf %select_n3A_426, %sub3A_430 : vector<256x448xf32>
    %exp3A_432 = math.exp %sub3A_431 : vector<256x448xf32>
    %reduce_sum3A_433 = arith.constant dense<0.000000e+00> : vector<256xf32>
    %reduce_sum3A_434 = vector.multi_reduction <add>, %exp3A_432, %reduce_sum3A_433 [1] : vector<256x448xf32> to vector<256xf32>
    %broadcast_in_dim3A_435 = vector.shape_cast %reduce_sum3A_434 : vector<256xf32> to vector<256x1xf32>
    %div3A_436 = vector.broadcast %broadcast_in_dim3A_435 : vector<256x1xf32> to vector<256x448xf32>
    %div3A_437 = arith.divf %exp3A_432, %div3A_436 : vector<256x448xf32>
    %dot_general3A_438 = arith.constant dense<0.000000e+00> : vector<256x32xf32>
    %dot_general3A_439 = tpu.matmul %div3A_437, %slice3A_418, %dot_general3A_438 {dimension_numbers = #tpu.dot_dimension_numbers<[1], [0], [0], [1], [0, 0, 1, 1], [], []>, transpose_lhs_hint = false} : vector<256x448xf32>, vector<448x32xf32>, vector<256x32xf32> -> vector<256x32xf32>
    %slice3A_440 = vector.extract_strided_slice %add3A_283 {offsets = [0, 64], sizes = [256, 32], strides = [1, 1]} : vector<256x128xf32> to vector<256x32xf32>
    %slice3A_441 = vector.extract_strided_slice %add3A_293 {offsets = [0, 64], sizes = [448, 32], strides = [1, 1]} : vector<448x128xf32> to vector<448x32xf32>
    %slice3A_442 = vector.extract_strided_slice %add3A_303 {offsets = [0, 64], sizes = [448, 32], strides = [1, 1]} : vector<448x128xf32> to vector<448x32xf32>
    %dot_general3A_443 = arith.constant dense<0.000000e+00> : vector<256x448xf32>
    %dot_general3A_444 = tpu.matmul %slice3A_440, %slice3A_441, %dot_general3A_443 {dimension_numbers = #tpu.dot_dimension_numbers<[1], [1], [0], [0], [0, 0, 1, 0], [], []>, transpose_lhs_hint = false} : vector<256x32xf32>, vector<448x32xf32>, vector<256x448xf32> -> vector<256x448xf32>
    %mul3A_445 = arith.constant 0.176776692 : f32
    %mul3A_446 = vector.broadcast %mul3A_445 : f32 to vector<256x448xf32>
    %mul3A_447 = arith.mulf %dot_general3A_444, %mul3A_446 : vector<256x448xf32>
    %jit3A_448 = arith.constant -1.000000e+30 : f32
    %broadcast_in_dim3A_449 = vector.broadcast %jit3A_448 : f32 to vector<256x448xf32>
    %select_n3A_450 = arith.select %and3A_391, %mul3A_447, %broadcast_in_dim3A_449 : vector<256x448xi1>, vector<256x448xf32>
    %reduce_max3A_451 = arith.constant dense<0xFF800000> : vector<256xf32>
    %reduce_max3A_452 = vector.multi_reduction <maximumf>, %select_n3A_450, %reduce_max3A_451 [1] : vector<256x448xf32> to vector<256xf32>
    %broadcast_in_dim3A_453 = vector.shape_cast %reduce_max3A_452 : vector<256xf32> to vector<256x1xf32>
    %sub3A_454 = vector.broadcast %broadcast_in_dim3A_453 : vector<256x1xf32> to vector<256x448xf32>
    %sub3A_455 = arith.subf %select_n3A_450, %sub3A_454 : vector<256x448xf32>
    %exp3A_456 = math.exp %sub3A_455 : vector<256x448xf32>
    %reduce_sum3A_457 = arith.constant dense<0.000000e+00> : vector<256xf32>
    %reduce_sum3A_458 = vector.multi_reduction <add>, %exp3A_456, %reduce_sum3A_457 [1] : vector<256x448xf32> to vector<256xf32>
    %broadcast_in_dim3A_459 = vector.shape_cast %reduce_sum3A_458 : vector<256xf32> to vector<256x1xf32>
    %div3A_460 = vector.broadcast %broadcast_in_dim3A_459 : vector<256x1xf32> to vector<256x448xf32>
    %div3A_461 = arith.divf %exp3A_456, %div3A_460 : vector<256x448xf32>
    %dot_general3A_462 = arith.constant dense<0.000000e+00> : vector<256x32xf32>
    %dot_general3A_463 = tpu.matmul %div3A_461, %slice3A_442, %dot_general3A_462 {dimension_numbers = #tpu.dot_dimension_numbers<[1], [0], [0], [1], [0, 0, 1, 1], [], []>, transpose_lhs_hint = false} : vector<256x448xf32>, vector<448x32xf32>, vector<256x32xf32> -> vector<256x32xf32>
    %slice3A_464 = vector.extract_strided_slice %add3A_283 {offsets = [0, 96], sizes = [256, 32], strides = [1, 1]} : vector<256x128xf32> to vector<256x32xf32>
    %slice3A_465 = vector.extract_strided_slice %add3A_293 {offsets = [0, 96], sizes = [448, 32], strides = [1, 1]} : vector<448x128xf32> to vector<448x32xf32>
    %slice3A_466 = vector.extract_strided_slice %add3A_303 {offsets = [0, 96], sizes = [448, 32], strides = [1, 1]} : vector<448x128xf32> to vector<448x32xf32>
    %dot_general3A_467 = arith.constant dense<0.000000e+00> : vector<256x448xf32>
    %dot_general3A_468 = tpu.matmul %slice3A_464, %slice3A_465, %dot_general3A_467 {dimension_numbers = #tpu.dot_dimension_numbers<[1], [1], [0], [0], [0, 0, 1, 0], [], []>, transpose_lhs_hint = false} : vector<256x32xf32>, vector<448x32xf32>, vector<256x448xf32> -> vector<256x448xf32>
    %mul3A_469 = arith.constant 0.176776692 : f32
    %mul3A_470 = vector.broadcast %mul3A_469 : f32 to vector<256x448xf32>
    %mul3A_471 = arith.mulf %dot_general3A_468, %mul3A_470 : vector<256x448xf32>
    %jit3A_472 = arith.constant -1.000000e+30 : f32
    %broadcast_in_dim3A_473 = vector.broadcast %jit3A_472 : f32 to vector<256x448xf32>
    %select_n3A_474 = arith.select %and3A_391, %mul3A_471, %broadcast_in_dim3A_473 : vector<256x448xi1>, vector<256x448xf32>
    %reduce_max3A_475 = arith.constant dense<0xFF800000> : vector<256xf32>
    %reduce_max3A_476 = vector.multi_reduction <maximumf>, %select_n3A_474, %reduce_max3A_475 [1] : vector<256x448xf32> to vector<256xf32>
    %broadcast_in_dim3A_477 = vector.shape_cast %reduce_max3A_476 : vector<256xf32> to vector<256x1xf32>
    %sub3A_478 = vector.broadcast %broadcast_in_dim3A_477 : vector<256x1xf32> to vector<256x448xf32>
    %sub3A_479 = arith.subf %select_n3A_474, %sub3A_478 : vector<256x448xf32>
    %exp3A_480 = math.exp %sub3A_479 : vector<256x448xf32>
    %reduce_sum3A_481 = arith.constant dense<0.000000e+00> : vector<256xf32>
    %reduce_sum3A_482 = vector.multi_reduction <add>, %exp3A_480, %reduce_sum3A_481 [1] : vector<256x448xf32> to vector<256xf32>
    %broadcast_in_dim3A_483 = vector.shape_cast %reduce_sum3A_482 : vector<256xf32> to vector<256x1xf32>
    %div3A_484 = vector.broadcast %broadcast_in_dim3A_483 : vector<256x1xf32> to vector<256x448xf32>
    %div3A_485 = arith.divf %exp3A_480, %div3A_484 : vector<256x448xf32>
    %dot_general3A_486 = arith.constant dense<0.000000e+00> : vector<256x32xf32>
    %dot_general3A_487 = tpu.matmul %div3A_485, %slice3A_466, %dot_general3A_486 {dimension_numbers = #tpu.dot_dimension_numbers<[1], [0], [0], [1], [0, 0, 1, 1], [], []>, transpose_lhs_hint = false} : vector<256x448xf32>, vector<448x32xf32>, vector<256x32xf32> -> vector<256x32xf32>
    %concatenate3A = tpu.concatenate %dot_general3A_415, %dot_general3A_439, %dot_general3A_463, %dot_general3A_487 in 1 : vector<256x32xf32>, vector<256x32xf32>, vector<256x32xf32>, vector<256x32xf32> -> vector<256x128xf32>
    %get3A_488 = arith.constant 0 : index
    %get3A_489 = arith.constant 0 : index
    %get3A_490 = vector.load %arg15[%get3A_488, %get3A_489] : memref<128x128xf32, #tpu.memory_space<vmem>>, vector<128x128xf32>
    %dot_general3A_491 = arith.constant dense<0.000000e+00> : vector<256x128xf32>
    %dot_general3A_492 = tpu.matmul %concatenate3A, %get3A_490, %dot_general3A_491 {dimension_numbers = #tpu.dot_dimension_numbers<[1], [1], [0], [0], [0, 0, 1, 0], [], []>, transpose_lhs_hint = false} : vector<256x128xf32>, vector<128x128xf32>, vector<256x128xf32> -> vector<256x128xf32>
    %get3A_493 = arith.constant 0 : index
    %get3A_494 = arith.constant 0 : index
    %get3A_495 = vector.load %arg16[%get3A_493, %get3A_494] : memref<1x128xf32, #tpu.memory_space<vmem>>, vector<1x128xf32>
    %add3A_496 = vector.broadcast %get3A_495 : vector<1x128xf32> to vector<256x128xf32>
    %add3A_497 = arith.addf %dot_general3A_492, %add3A_496 : vector<256x128xf32>
    %concatenate3A_498 = tpu.concatenate %add3A_497, %add3A_268 in 1 : vector<256x128xf32>, vector<256x128xf32> -> vector<256x256xf32>
    %get3A_499 = arith.constant 0 : index
    %get3A_500 = arith.constant 0 : index
    %get3A_501 = vector.load %arg17[%get3A_499, %get3A_500] : memref<128x256xf32, #tpu.memory_space<vmem>>, vector<128x256xf32>
    %dot_general3A_502 = arith.constant dense<0.000000e+00> : vector<256x128xf32>
    %dot_general3A_503 = tpu.matmul %concatenate3A_498, %get3A_501, %dot_general3A_502 {dimension_numbers = #tpu.dot_dimension_numbers<[1], [1], [0], [0], [0, 0, 1, 0], [], []>, transpose_lhs_hint = false} : vector<256x256xf32>, vector<128x256xf32>, vector<256x128xf32> -> vector<256x128xf32>
    %get3A_504 = arith.constant 0 : index
    %get3A_505 = arith.constant 0 : index
    %get3A_506 = vector.load %arg18[%get3A_504, %get3A_505] : memref<1x128xf32, #tpu.memory_space<vmem>>, vector<1x128xf32>
    %add3A_507 = vector.broadcast %get3A_506 : vector<1x128xf32> to vector<256x128xf32>
    %add3A_508 = arith.addf %dot_general3A_503, %add3A_507 : vector<256x128xf32>
    %mul3A_509 = arith.constant 5.000000e-01 : f32
    %mul3A_510 = vector.broadcast %mul3A_509 : f32 to vector<256x128xf32>
    %mul3A_511 = arith.mulf %mul3A_510, %add3A_508 : vector<256x128xf32>
    %mul3A_512 = arith.constant 0.707106769 : f32
    %mul3A_513 = vector.broadcast %mul3A_512 : f32 to vector<256x128xf32>
    %mul3A_514 = arith.mulf %add3A_508, %mul3A_513 : vector<256x128xf32>
    %erf3A_515 = math.erf %mul3A_514 : vector<256x128xf32>
    %add3A_516 = arith.constant 1.000000e+00 : f32
    %add3A_517 = vector.broadcast %add3A_516 : f32 to vector<256x128xf32>
    %add3A_518 = arith.addf %add3A_517, %erf3A_515 : vector<256x128xf32>
    %mul3A_519 = arith.mulf %mul3A_511, %add3A_518 : vector<256x128xf32>
    %get3A_520 = arith.constant 0 : index
    %get3A_521 = arith.constant 0 : index
    %get3A_522 = vector.load %arg19[%get3A_520, %get3A_521] : memref<1x128xf32, #tpu.memory_space<vmem>>, vector<1x128xf32>
    %mul3A_523 = vector.broadcast %get3A_522 : vector<1x128xf32> to vector<256x128xf32>
    %mul3A_524 = arith.mulf %mul3A_519, %mul3A_523 : vector<256x128xf32>
    %reduce_sum3A_525 = arith.constant dense<0.000000e+00> : vector<256xf32>
    %reduce_sum3A_526 = vector.multi_reduction <add>, %mul3A_524, %reduce_sum3A_525 [1] : vector<256x128xf32> to vector<256xf32>
    %broadcast_in_dim3A_527 = vector.shape_cast %reduce_sum3A_526 : vector<256xf32> to vector<256x1xf32>
    %get3A_528 = arith.constant 0 : index
    %get3A_529 = arith.constant 0 : index
    %get3A_530 = vector.load %arg20[%get3A_528, %get3A_529] : memref<1x1xf32, #tpu.memory_space<vmem>>, vector<1x1xf32>
    %add3A_531 = vector.broadcast %get3A_530 : vector<1x1xf32> to vector<256x1xf32>
    %add3A_532 = arith.addf %broadcast_in_dim3A_527, %add3A_531 : vector<256x1xf32>
    %swap3A_533 = arith.constant 0 : index
    %swap3A_534 = arith.constant 0 : index
    %swap3A_535 = vector.load %arg22[%swap3A_533, %swap3A_534] : memref<256x1xf32, #tpu.memory_space<vmem>>, vector<256x1xf32>
    tpu.vector_store %arg22[%swap3A_533, %swap3A_534], %add3A_532 {strides = array<i32>} : memref<256x1xf32, #tpu.memory_space<vmem>>, vector<256x1xf32>,
    %eq3A_536 = arith.constant 127 : i32
    %eq3A_537 = arith.cmpi eq, %arg0, %eq3A_536 : i32
    %convert_element_type3A_538 = arith.extui %eq3A_537 : i1 to i32
    %cond3A_539 = arith.constant 0 : i32
    %cond3A_540 = arith.cmpi ne, %convert_element_type3A_538, %cond3A_539 : i32
    scf.if %cond3A_540 {
      %broadcast_in_dim3A_541 = arith.constant 0.000000e+00 : f32
      %broadcast_in_dim3A_542 = vector.broadcast %broadcast_in_dim3A_541 : f32 to vector<1x1xf32>
      %get3A_543 = arith.constant 0 : index
      %get3A_544 = arith.constant 0 : index
      %get3A_545 = vector.load %arg21[%get3A_543, %get3A_544] : memref<8x4xf32, #tpu.memory_space<vmem>>, vector<1x4xf32>
      %mul3A_546 = arith.constant 1.95312496E-5 : f32
      %mul3A_547 = vector.broadcast %mul3A_546 : f32 to vector<1x4xf32>
      %mul3A_548 = arith.mulf %get3A_545, %mul3A_547 : vector<1x4xf32>
      %sub3A_549 = arith.constant 2.500000e-01 : f32
      %sub3A_550 = vector.broadcast %sub3A_549 : f32 to vector<1x4xf32>
      %sub3A_551 = arith.subf %mul3A_548, %sub3A_550 : vector<1x4xf32>
      %integer_pow3A = arith.mulf %sub3A_551, %sub3A_551 : vector<1x4xf32>
      %reduce_sum3A_552 = arith.constant dense<0.000000e+00> : vector<1xf32>
      %reduce_sum3A_553 = vector.multi_reduction <add>, %integer_pow3A, %reduce_sum3A_552 [1] : vector<1x4xf32> to vector<1xf32>
      %broadcast_in_dim3A_554 = vector.shape_cast %reduce_sum3A_553 : vector<1xf32> to vector<1x1xf32>
      %div3A_555 = arith.constant 4.000000e+00 : f32
      %div3A_556 = vector.broadcast %div3A_555 : f32 to vector<1x1xf32>
      %div3A_557 = arith.divf %broadcast_in_dim3A_554, %div3A_556 : vector<1x1xf32>
      %add3A_558 = arith.addf %broadcast_in_dim3A_542, %div3A_557 : vector<1x1xf32>
      %get3A_559 = arith.constant 1 : index
      %get3A_560 = arith.constant 0 : index
      %get3A_561 = vector.load %arg21[%get3A_559, %get3A_560] : memref<8x4xf32, #tpu.memory_space<vmem>>, vector<1x4xf32>
      %mul3A_562 = arith.constant 1.95312496E-5 : f32
      %mul3A_563 = vector.broadcast %mul3A_562 : f32 to vector<1x4xf32>
      %mul3A_564 = arith.mulf %get3A_561, %mul3A_563 : vector<1x4xf32>
      %sub3A_565 = arith.constant 2.500000e-01 : f32
      %sub3A_566 = vector.broadcast %sub3A_565 : f32 to vector<1x4xf32>
      %sub3A_567 = arith.subf %mul3A_564, %sub3A_566 : vector<1x4xf32>
      %integer_pow3A_568 = arith.mulf %sub3A_567, %sub3A_567 : vector<1x4xf32>
      %reduce_sum3A_569 = arith.constant dense<0.000000e+00> : vector<1xf32>
      %reduce_sum3A_570 = vector.multi_reduction <add>, %integer_pow3A_568, %reduce_sum3A_569 [1] : vector<1x4xf32> to vector<1xf32>
      %broadcast_in_dim3A_571 = vector.shape_cast %reduce_sum3A_570 : vector<1xf32> to vector<1x1xf32>
      %div3A_572 = arith.constant 4.000000e+00 : f32
      %div3A_573 = vector.broadcast %div3A_572 : f32 to vector<1x1xf32>
      %div3A_574 = arith.divf %broadcast_in_dim3A_571, %div3A_573 : vector<1x1xf32>
      %add3A_575 = arith.addf %add3A_558, %div3A_574 : vector<1x1xf32>
      %get3A_576 = arith.constant 0 : index
      %get3A_577 = arith.constant 0 : index
      %get3A_578 = vector.load %arg24[%get3A_576, %get3A_577] : memref<8x128xf32, #tpu.memory_space<vmem>>, vector<1x4xf32>
      %mul3A_579 = arith.constant 3.05175781E-5 : f32
      %mul3A_580 = vector.broadcast %mul3A_579 : f32 to vector<1x4xf32>
      %mul3A_581 = arith.mulf %get3A_578, %mul3A_580 : vector<1x4xf32>
      %sub3A_582 = arith.constant 2.500000e-01 : f32
      %sub3A_583 = vector.broadcast %sub3A_582 : f32 to vector<1x4xf32>
      %sub3A_584 = arith.subf %mul3A_581, %sub3A_583 : vector<1x4xf32>
      %integer_pow3A_585 = arith.mulf %sub3A_584, %sub3A_584 : vector<1x4xf32>
      %reduce_sum3A_586 = arith.constant dense<0.000000e+00> : vector<1xf32>
      %reduce_sum3A_587 = vector.multi_reduction <add>, %integer_pow3A_585, %reduce_sum3A_586 [1] : vector<1x4xf32> to vector<1xf32>
      %broadcast_in_dim3A_588 = vector.shape_cast %reduce_sum3A_587 : vector<1xf32> to vector<1x1xf32>
      %div3A_589 = arith.constant 4.000000e+00 : f32
      %div3A_590 = vector.broadcast %div3A_589 : f32 to vector<1x1xf32>
      %div3A_591 = arith.divf %broadcast_in_dim3A_588, %div3A_590 : vector<1x1xf32>
      %add3A_592 = arith.addf %add3A_575, %div3A_591 : vector<1x1xf32>
      %swap3A_593 = arith.constant 0 : index
      %swap3A_594 = arith.constant 0 : index
      %swap3A_595 = vector.load %arg23[%swap3A_593, %swap3A_594] : memref<1x1xf32, #tpu.memory_space<vmem>>, vector<1x1xf32>
      tpu.vector_store %arg23[%swap3A_593, %swap3A_594], %add3A_592 {strides = array<i32>} : memref<1x1xf32, #tpu.memory_space<vmem>>, vector<1x1xf32>,
    } else {
    }
    return
  }
  func.func @transform_0(%arg0: i32) -> (i32, i32, i32) {
    %c0_i32 = arith.constant 0 : i32
    %c0_i32_0 = arith.constant 0 : i32
    %c0_i32_1 = arith.constant 0 : i32
    return %arg0, %c0_i32, %c0_i32_0 : i32, i32, i32
  }
  func.func @transform_1(%arg0: i32) -> (i32, i32, i32) {
    %c0_i32 = arith.constant 0 : i32
    %c0_i32_0 = arith.constant 0 : i32
    %c0_i32_1 = arith.constant 0 : i32
    return %arg0, %c0_i32, %c0_i32_0 : i32, i32, i32
  }
  func.func @transform_2(%arg0: i32) -> (i32, i32) {
    %c0_i32 = arith.constant 0 : i32
    %c0_i32_0 = arith.constant 0 : i32
    return %arg0, %c0_i32 : i32, i32
  }
  func.func @transform_3(%arg0: i32) -> (i32, i32) {
    %c0_i32 = arith.constant 0 : i32
    %c0_i32_0 = arith.constant 0 : i32
    %c0_i32_1 = arith.constant 0 : i32
    return %c0_i32, %c0_i32_0 : i32, i32
  }
  func.func @transform_4(%arg0: i32) -> (i32, i32) {
    %c0_i32 = arith.constant 0 : i32
    %c0_i32_0 = arith.constant 0 : i32
    %c0_i32_1 = arith.constant 0 : i32
    return %c0_i32, %c0_i32_0 : i32, i32
  }
  func.func @transform_5(%arg0: i32) -> (i32, i32) {
    %c0_i32 = arith.constant 0 : i32
    %c0_i32_0 = arith.constant 0 : i32
    %c0_i32_1 = arith.constant 0 : i32
    return %c0_i32, %c0_i32_0 : i32, i32
  }
  func.func @transform_6(%arg0: i32) -> (i32, i32, i32) {
    %c0_i32 = arith.constant 0 : i32
    %c0_i32_0 = arith.constant 0 : i32
    %c0_i32_1 = arith.constant 0 : i32
    %c0_i32_2 = arith.constant 0 : i32
    return %c0_i32, %c0_i32_0, %c0_i32_1 : i32, i32, i32
  }
  func.func @transform_7(%arg0: i32) -> (i32, i32, i32) {
    %c0_i32 = arith.constant 0 : i32
    %c0_i32_0 = arith.constant 0 : i32
    %c0_i32_1 = arith.constant 0 : i32
    %c0_i32_2 = arith.constant 0 : i32
    return %c0_i32, %c0_i32_0, %c0_i32_1 : i32, i32, i32
  }
  func.func @transform_8(%arg0: i32) -> (i32, i32, i32) {
    %c0_i32 = arith.constant 0 : i32
    %c0_i32_0 = arith.constant 0 : i32
    %c0_i32_1 = arith.constant 0 : i32
    %c0_i32_2 = arith.constant 0 : i32
    return %c0_i32, %c0_i32_0, %c0_i32_1 : i32, i32, i32
  }
  func.func @transform_9(%arg0: i32) -> (i32, i32, i32) {
    %c0_i32 = arith.constant 0 : i32
    %c0_i32_0 = arith.constant 0 : i32
    %c0_i32_1 = arith.constant 0 : i32
    %c0_i32_2 = arith.constant 0 : i32
    return %c0_i32, %c0_i32_0, %c0_i32_1 : i32, i32, i32
  }
  func.func @transform_10(%arg0: i32) -> (i32, i32) {
    %c0_i32 = arith.constant 0 : i32
    %c0_i32_0 = arith.constant 0 : i32
    %c0_i32_1 = arith.constant 0 : i32
    return %c0_i32, %c0_i32_0 : i32, i32
  }
  func.func @transform_11(%arg0: i32) -> (i32, i32) {
    %c0_i32 = arith.constant 0 : i32
    %c0_i32_0 = arith.constant 0 : i32
    %c0_i32_1 = arith.constant 0 : i32
    return %c0_i32, %c0_i32_0 : i32, i32
  }
  func.func @transform_12(%arg0: i32) -> (i32, i32) {
    %c0_i32 = arith.constant 0 : i32
    %c0_i32_0 = arith.constant 0 : i32
    %c0_i32_1 = arith.constant 0 : i32
    return %c0_i32, %c0_i32_0 : i32, i32
  }
  func.func @transform_13(%arg0: i32) -> (i32, i32) {
    %c0_i32 = arith.constant 0 : i32
    %c0_i32_0 = arith.constant 0 : i32
    %c0_i32_1 = arith.constant 0 : i32
    return %c0_i32, %c0_i32_0 : i32, i32
  }
  func.func @transform_14(%arg0: i32) -> (i32, i32) {
    %c0_i32 = arith.constant 0 : i32
    %c0_i32_0 = arith.constant 0 : i32
    %c0_i32_1 = arith.constant 0 : i32
    return %c0_i32, %c0_i32_0 : i32, i32
  }
  func.func @transform_15(%arg0: i32) -> (i32, i32) {
    %c0_i32 = arith.constant 0 : i32
    %c0_i32_0 = arith.constant 0 : i32
    %c0_i32_1 = arith.constant 0 : i32
    return %c0_i32, %c0_i32_0 : i32, i32
  }
  func.func @transform_16(%arg0: i32) -> (i32, i32) {
    %c0_i32 = arith.constant 0 : i32
    %c0_i32_0 = arith.constant 0 : i32
    %c0_i32_1 = arith.constant 0 : i32
    return %c0_i32, %c0_i32_0 : i32, i32
  }
  func.func @transform_17(%arg0: i32) -> (i32, i32) {
    %c0_i32 = arith.constant 0 : i32
    %c0_i32_0 = arith.constant 0 : i32
    %c0_i32_1 = arith.constant 0 : i32
    return %c0_i32, %c0_i32_0 : i32, i32
  }
  func.func @transform_18(%arg0: i32) -> (i32, i32) {
    %c0_i32 = arith.constant 0 : i32
    %c0_i32_0 = arith.constant 0 : i32
    %c0_i32_1 = arith.constant 0 : i32
    return %c0_i32, %c0_i32_0 : i32, i32
  }
  func.func @transform_19(%arg0: i32) -> (i32, i32) {
    %c0_i32 = arith.constant 0 : i32
    %c0_i32_0 = arith.constant 0 : i32
    %c0_i32_1 = arith.constant 0 : i32
    return %c0_i32, %c0_i32_0 : i32, i32
  }
  func.func @transform_20(%arg0: i32) -> (i32, i32) {
    %c0_i32 = arith.constant 0 : i32
    %c0_i32_0 = arith.constant 0 : i32
    %c0_i32_1 = arith.constant 0 : i32
    return %c0_i32, %c0_i32_0 : i32, i32
  }
  func.func @transform_21(%arg0: i32) -> (i32, i32) {
    %c0_i32 = arith.constant 0 : i32
    %c0_i32_0 = arith.constant 0 : i32
    return %arg0, %c0_i32 : i32, i32
  }
  func.func @transform_22(%arg0: i32) -> (i32, i32) {
    %c0_i32 = arith.constant 0 : i32
    %c0_i32_0 = arith.constant 0 : i32
    %c0_i32_1 = arith.constant 0 : i32
    return %c0_i32, %c0_i32_0 : i32, i32
  }
}

</mosaic_0001>

<sc_bundles>
// kernel: kernel.6.cloned.1.call-start
scs
__scs_entry_jumppad:
0x0: {  	(pc) =	sbr.rel $0x88, $3  }
0x1: {  	(tag) =	ssettag $0x0;
	lr =	simm.s32 $0x1  }
0x2: {  	[smem:$0x3F6E] =	sst lr;
	_ =	strace $0xD0000000  }
0x3: {  	_ = 	snop  }
0x4: {  	_ = 	snop  }
0x5: {  	_ = 	snop  }
0x6: {  	_ = 	snop  }
0x7: {  	_ = 	snop  }
__scs_overlays_trampoline_lowered:
0x8: {  	[smem:$0x3F7D] =	sst s0  }
0x9: {  	[smem:$0x3F7E] =	sst s1  }
0xa: {  	[smem:$0x3F7F] =	sst s2  }
0xb: {  	[smem:$0x3F80] =	sst s3  }
0xc: {  	[smem:$0x3F81] =	sst s4  }
0xd: {  	[smem:$0x3F82] =	sst s5  }
0xe: {  	[smem:$0x3F83] =	sst s6  }
0xf: {  	[smem:$0x3F84] =	sst s7  }
0x10: {  	[smem:$0x3F85] =	sst s8  }
0x11: {  	[smem:$0x3F86] =	sst s9;
	s0 =	simm.s32 @!p0 $0x0  }
0x12: {  	s1 =	sld [smem:$0x3F6C];
	s0 =	simm.s32 @p0 $0x1  }
0x13: {  	[smem:$0x3F87] =	sst s0;
	s0 =	simm.s32 @!p1 $0x0  }
0x14: {  	s2 =	sld [smem:$0x3F6B];
	s0 =	simm.s32 @p1 $0x1  }
0x15: {  	[smem:$0x3F88] =	sst s0;
	s0 =	simm.s32 @!p2 $0x0  }
0x16: {  	s3 =	sld [smem:$0x3FDB];
	s0 =	simm.s32 @p2 $0x1  }
0x17: {  	s4 =	simm.s32 $0x1BF5;
	[smem:$0x3F8A] =	sst s0  }
0x18: {  	s0 =	sld [smem:$0x3F6D];
	_ =	swait.ge [sflag:s4], $0x0  }
0x19: {  	s7 =	sld [smem:$0x3F6E]  }
0x1a: {  	s8 =	sadd.s32 $0xFFFFE003, lr  }
0x1b: {  	s9 =	sadd.s32 $0xFFFFFEF7, lr;
	s5 =	simm.s32 $0xFFFFFFFF;
	p2 =	slt.u32 s8, $0xFFFFF086  }
0x1c: {  	p1 =	slt.u32 s9, $0xF7A;
	s5 =	simm.s32 @!p2 $0x0  }
0x1d: {  	s5 =	simm.s32 @p1 $0x1;
	p0 =	seq.s32 s7, s2  }
0x1e: {  	s7 =	smul.u32 @!p0 $0xF7A, s2;
	p2 =	seq.s32 @!p0 s5, $0x0  }
0x1f: {  	s9 =	smul.u32 $0xF7A, s1;
	s8 =	simm.s32 @!p0 $0x1BF5;
	p2 =	por !p2, p0  }
0x20: {  	[sflag:s8] =	ssyncset.s32 @!p0 $0xFFFFF086;
	s6 =	sadd.s32 @!p0 s3, s7;
	s7 =	simm.s32 @!p0 $0x108  }
0x21: {  	s3 =	sadd.s32 s3, s9;
	s6 =	sadd.s32 @!p0 $0x88, s6;
	s7 =	simm.s32 @p2 $0x1082  }
0x22: {  	[simem:s7], [sflag:s8] =	dma.local @!p0 [hbm:s6], $0xF7A  }
0x23: {  	s9 =	sor.u32 $0xD0000000, s2;
	s6 =	simm.s32 $0x108;
	_ =	swait.ge @!p0 [sflag:s8], $0x0  }
0x24: {  	s3 =	sadd.s32 $0x88, s3;
	s6 =	simm.s32 @!p1 $0x1082;
	[sflag:s4] =	ssyncset.s32 $0xFFFFF086  }
0x25: {  	[simem:s6], [sflag:s4] =	dma.local [hbm:s3], $0xF7A  }
0x26: {  	[smem:$0x3F6E] =	sst s1;
	(tag) =	ssettag s2;
	_ =	strace s9  }
0x27: {  	s1 =	sld [smem:$0x3F7E]  }
0x28: {  	s2 =	sld [smem:$0x3F7F]  }
0x29: {  	s4 =	sld [smem:$0x3F81]  }
0x2a: {  	p0 =	seq.s32 s5, $0x0;
	s5 =	sld [smem:$0x3F82]  }
0x2b: {  	s6 =	sld [smem:$0x3F83]  }
0x2c: {  	s7 =	sld [smem:$0x3F84]  }
0x2d: {  	s3 =	simm.s32 $0x108;
	s8 =	sld [smem:$0x3F85]  }
0x2e: {  	s3 =	simm.s32 @!p0 $0x1082;
	s9 =	sld [smem:$0x3F86]  }
0x2f: {  	lr =	sadd.s32 s0, s3;
	s0 =	sld [smem:$0x3F7D]  }
0x30: {  	s3 =	sld [smem:$0x3F80]  }
0x31: {  	[smem:$0x3F89] =	sst s10  }
0x32: {  	s10 =	sld [smem:$0x3F87];
	_ =	sdelay $0x3  }
0x33: {  	p0 =	seq.s32 s10, $0x1;
	s10 =	sld [smem:$0x3F89];
	_ =	sdelay $0x3  }
0x34: {  	[smem:$0x3F89] =	sst s10  }
0x35: {  	s10 =	sld [smem:$0x3F88];
	_ =	sdelay $0x3  }
0x36: {  	p1 =	seq.s32 s10, $0x1;
	s10 =	sld [smem:$0x3F89];
	_ =	sdelay $0x3  }
0x37: {  	[smem:$0x3F89] =	sst s10  }
0x38: {  	s10 =	sld [smem:$0x3F8A]  }
0x39: {  	_ = 	snop;
	(pc) =	sbr.ind lr, $3  }
0x3a: {  	_ = 	snop  }
0x3b: {  	_ = 	snop  }
0x3c: {  	p2 =	seq.s32 s10, $0x1;
	s10 =	sld [smem:$0x3F89]  }
0x3d: {  	_ =	shalt  }
0x3e: {  	_ =	shalt  }
0x3f: {  	_ =	shalt  }
0x40: {  	_ =	shalt  }
0x41: {  	_ =	shalt  }
0x42: {  	_ =	shalt  }
0x43: {  	_ =	shalt  }
0x44: {  	_ =	shalt  }
0x45: {  	_ =	shalt  }
0x46: {  	_ =	shalt  }
0x47: {  	_ =	shalt  }
0x48: {  	_ =	shalt  }
0x49: {  	_ =	shalt  }
0x4a: {  	_ =	shalt  }
0x4b: {  	_ =	shalt  }
0x4c: {  	_ =	shalt  }
0x4d: {  	_ =	shalt  }
0x4e: {  	_ =	shalt  }
0x4f: {  	_ =	shalt  }
0x50: {  	_ =	shalt  }
0x51: {  	_ =	shalt  }
0x52: {  	_ =	shalt  }
0x53: {  	_ =	shalt  }
0x54: {  	_ =	shalt  }
0x55: {  	_ =	shalt  }
0x56: {  	_ =	shalt  }
0x57: {  	_ =	shalt  }
0x58: {  	_ =	shalt  }
0x59: {  	_ =	shalt  }
0x5a: {  	_ =	shalt  }
0x5b: {  	_ =	shalt  }
0x5c: {  	_ =	shalt  }
0x5d: {  	_ =	shalt  }
0x5e: {  	_ =	shalt  }
0x5f: {  	_ =	shalt  }
0x60: {  	_ =	shalt  }
0x61: {  	_ =	shalt  }
0x62: {  	_ =	shalt  }
0x63: {  	_ =	shalt  }
0x64: {  	_ =	shalt  }
0x65: {  	_ =	shalt  }
0x66: {  	_ =	shalt  }
0x67: {  	_ =	shalt  }
0x68: {  	_ =	shalt  }
0x69: {  	_ =	shalt  }
0x6a: {  	_ =	shalt  }
0x6b: {  	_ =	shalt  }
0x6c: {  	_ =	shalt  }
0x6d: {  	_ =	shalt  }
0x6e: {  	_ =	shalt  }
0x6f: {  	_ =	shalt  }
0x70: {  	_ =	shalt  }
0x71: {  	_ =	shalt  }
0x72: {  	_ =	shalt  }
0x73: {  	_ =	shalt  }
0x74: {  	_ =	shalt  }
0x75: {  	_ =	shalt  }
0x76: {  	_ =	shalt  }
0x77: {  	_ =	shalt  }
0x78: {  	_ =	shalt  }
0x79: {  	_ =	shalt  }
0x7a: {  	_ =	shalt  }
0x7b: {  	_ =	shalt  }
0x7c: {  	_ =	shalt  }
0x7d: {  	_ =	shalt  }
0x7e: {  	_ =	shalt  }
0x7f: {  	_ =	shalt  }
0x80: {  	_ =	shalt  }
0x81: {  	_ =	shalt  }
0x82: {  	_ =	shalt  }
0x83: {  	_ =	shalt  }
0x84: {  	_ =	shalt  }
0x85: {  	_ =	shalt  }
0x86: {  	_ =	shalt  }
0x87: {  	_ =	shalt  }
.Lfunc_end0:
.L_simem_size_0:
called_computation_lowered:
.L_overlay_start_0:
0x88: {  	s2 =	sld [smem:$0x3FD9]  }
0x89: {  	s3 =	sld [smem:$0x3FFE];
	_ =	sdelay $0x1  }
0x8a: {  	s1 =	srdreg.scid  }
0x8b: {  	s0 =	sand.u32 $0x1, s1  }
0x8c: {  	s17 =	sshll.u32 s0, $0xA;
	s2 =	sadd.s32 s3, s2  }
0x8d: {  	s2 =	sadd.s32 s2, s17  }
0x8e: {  	[smem:$0x3F95] =	sst s2  }
0x8f: {  	_ = 	snop  }
0x90: {  	s2 =	sld [smem:$0x3FAD];
	(tm) =	ssettm $0x1  }
0x91: {  	s18 =	sld [smem:$0x3FFB];
	_ =	sdelay $0x3  }
0x92: {  	_ =	strace s18  }
0x93: {  	s3 =	sld [smem:$0x3FFC];
	_ =	sdelay $0x3  }
0x94: {  	_ =	strace s3  }
0x95: {  	s3 =	sld [smem:$0x3FFD];
	_ =	sdelay $0x3  }
0x96: {  	_ =	strace s3  }
0x97: {  	_ =	strace $0x8FFFFFFF  }
0x98: {  	s19 =	sld [smem:$0x3FDB];
	_ =	sdelay $0x1  }
0x99: {  	s4 =	simm.s32 $_scs_section_size  }
0x9a: {  	s5 =	simm.s32 $_size__tile_overlayer_lowered;
	s6 =	simm.s32 $_tile_overlayer_lowered  }
0x9b: {  	s22 =	simm.s32 $0x1BFF;
	s21 =	sshll.u32 s6, $0x1;
	s3 =	sadd.s32 s4, s19  }
0x9c: {  	s7 =	simm.s32 $0x0;
	s20 =	sshll.u32 s5, $0x1;
	s5 =	sadd.s32 s21, s3  }
0x9d: {  	[timem:s7], [sflag:s22] =	dma.local [hbm:s5], s20  }
0x9e: {  	_ =	swait.ge [sflag:s22], s20  }
0x9f: {  	s4 =	ssub.s32 $0x0, s20;
	[sflag:s22] =	ssyncset.done $0x0  }
0xa0: {  	[sflag:s22] =	ssyncadd.s32 s4;
	_ =	sdelay $0x1  }
0xa1: {  	s23 =	simm.s32 $0x1B8B  }
0xa2: {  	_ =	swait.ge [sflag:s23], $0x1  }
0xa3: {  	[sflag:s23] =	ssyncset.done $0x0  }
0xa4: {  	s25 =	simm.s32 $0x1B8E;
	s24 =	sld [smem:$0x3FFE];
	[sflag:s23] =	ssyncadd.s32 $0xFFFFFFFF  }
0xa5: {  	s26 =	simm.s32 $execute0_lowered;
	[smem:$0x3FD2] =	sst s25  }
0xa6: {  	s5 =	sshll.u32 s26, $0x1;
	_ =	strace $0x80000046;
	[dreg:$0x1] =	wrdreg $0xFFFFFFFF  }
0xa7: {  	s28 =	simm.s32 $_size_execute0_lowered;
	s3 =	sadd.s32 s3, s5;
	[dreg:$0x0] =	wrdreg $0x0  }
0xa8: {  	s5 =	sshll.u32 s28, $0x1;
	[dreg:$0x2] =	wrdreg s3  }
0xa9: {  	[dreg:$0x3] =	wrdreg s5  }
0xaa: {  	[dreg:$0x4] =	wrdreg $0xC0  }
0xab: {  	_ =	task [dreg:s7], $0x5FFFF  }
0xac: {  	[dreg:$0x1] =	wrdreg $0xFFFFFFFF  }
0xad: {  	[dreg:$0x0] =	wrdreg $0x60  }
0xae: {  	[dreg:$0x2] =	wrdreg s2  }
0xaf: {  	[dreg:$0x3] =	wrdreg s24  }
0xb0: {  	[dreg:$0x4] =	wrdreg $0x9  }
0xb1: {  	_ =	task.clear_ibuf [dreg:s7], $0x5FFFF;
	_ =	strace $0x90000046  }
0xb2: {  	s29 =	simm.s32 $0x9;
	_ =	strace $0x80000048  }
0xb3: {  	_ =	swait.ge [sflag:s29], $0x1  }
0xb4: {  	[sflag:s29] =	ssyncadd.s32 $0xFFFFFFFF  }
0xb5: {  	_ =	strace $0x90000048  }
0xb6: {  	_ =	sfence  }
0xb7: {  	s30 =	sld [smem:$0x0];
	_ =	sdelay $0x2  }
0xb8: {  	s31 =	sshll.u32 s1, $0xD;
	s1 =	sshrl.u32 s1, $0x2  }
0xb9: {  	s3 =	sand.u32 $0x4000, s31;
	s1 =	sadd.s32 s1, s30  }
0xba: {  	s0 =	sor.u32 s3, s0;
	s1 =	sshll.u32 s1, $0x11  }
0xbb: {  	s0 =	sor.u32 s1, s0  }
0xbc: {  	s0 =	sadd.s32 $0x8F2B, s0  }
0xbd: {  	[sflag:s0] =	ssyncadd.remote.s32 $0x1  }
0xbe: {  	_ =	sfence.sel $0xFFFF  }
0xbf: {  	[dreg:$0x0] =	wrdreg $0xFFFFFFFF;
	(pc) =	sbr.abs _section_cstart, $3  }
0xc0: {  	[dreg:$0x1] =	wrdreg $0xFFFFFFFF  }
0xc1: {  	_ =	task.clear_ibuf [dreg:s7], $0x2FFFF;
	_ =	strace $0x9FFFFFFF  }
0xc2: {  	(tm) =	ssettm $0x7FFFFFFF  }
0xc3: {  	_ =	shalt  }
tec
execute0_lowered:
.L_overlay_start_1:
0x0: {  	(tag) =	ssettag $0x1  }
0x1: {  	s2 =	rddreg [dreg:$0x0]  }
0x2: {  	s4 =	rddreg [dreg:$0x1]  }
0x3: {  	s0 =	rddreg [dreg:$0x2];
	s1 =	stileid.u32  }
0x4: {  	s5 =	srdreg.scid;
	s3 =	simm.s32 $0x0;
	s6 =	smul.u32 $0xE00, s1  }
0x5: {  	s10 =	simm.s32 $0x0;
	s5 =	sand.u32 $0x1, s5;
	s8 =	smul.u32 $0xE000, s1  }
0x6: {  	[smem:$0x7FF] =	sst s3;
	s7 =	smul.u32 $0x700, s5;
	s9 =	ssub.s32 $0x2, s5  }
0x7: {  	_ =	strace $0x80000047;
	s5 =	smul.u32 $0x7000, s5;
	s31 =	sshrl.u32 s9, $0x1  }
0x8: {  	s8 =	sadd.s32 s8, s4;
	s6 =	sadd.s32 s7, s6;
	s7 =	ssub.s32 s9, s31  }
0x9: {  	s5 =	sadd.s32 s5, s8;
	s8 =	simm.s32 $0x80;
	s6 =	sshrl.u32 s6, $0x3  }
0xa: {  	s9 =	simm.s32 $0x1;
	s5 =	sadd.s32 $0x7C00, s5;
	s6 =	sadd.s32 s6, s4  }
0xb: {  	s4 =	smax.u32 s7, $0x1;
	s7 =	simm.s32 $0x2;
	s6 =	sadd.s32 $0x6000, s6  }
.LBB2_1:
0xc: {  	s11 =	sadd.s32 $0x0, s6  }
0xd: {  	[tilespmem:s3], [sflag:$0x2] =	stream.linear.gather [hbm4b:s11+s3], $0x80, $0x38;
	[tilespmem:$0x4080] =	vst v63  }
0xe: {  	_ =	swait.ge [sflag:s7], $0x80  }
0xf: {  	[sflag:s7] =	ssyncset.done $0x0  }
0x10: {  	[sflag:s7] =	ssyncadd.s32 $0xFFFFFF80  }
0x11: {  	[tilespmem:s8], [sflag:$0x1] =	stream.indirect.gather [hbm4b:s2+s8], $0x80, s3, s8, $0xb8;
	[tilespmem:$0x4080] =	vst v63  }
0x12: {  	_ =	swait.ge [sflag:s9], $0x4000  }
0x13: {  	[sflag:s9] =	ssyncset.done $0x0  }
0x14: {  	[sflag:s9] =	ssyncadd.s32 $0xFFFFC000  }
0x15: {  	[hbm4b:s5+s3] =	stream.linear.scatter [tilespmem:s8], [sflag:$0x2], $0x4000, $0x38;
	[tilespmem:$0x4080] =	vst v63  }
0x16: {  	s12 =	simm.s32 $0x10;
	_ =	swait.ge [sflag:s7], $0x4000  }
0x17: {  	s13 =	simm.s32 $0x20;
	s11 =	sadd.s32 $0x800, s5;
	[sflag:s7] =	ssyncset.done $0x0  }
.LBB2_2:
0x18: {  	s14 =	sadd.s32 s12, s6  }
0x19: {  	[sflag:s7] =	ssyncadd.s32 $0xFFFFC000;
	s12 =	smov.u32 s13;
	s15 =	sadd.s32 $0x10, s13  }
0x1a: {  	[tilespmem:s3], [sflag:$0x2] =	stream.linear.gather [hbm4b:s14+s3], $0x80, $0x38;
	[tilespmem:$0x4080] =	vst v63  }
0x1b: {  	p0 =	sne.s32 s13, $0xD0;
	_ =	swait.ge [sflag:s7], $0x80  }
0x1c: {  	[sflag:s7] =	ssyncset.done $0x0  }
0x1d: {  	[sflag:s7] =	ssyncadd.s32 $0xFFFFFF80  }
0x1e: {  	[tilespmem:s8], [sflag:$0x1] =	stream.indirect.gather [hbm4b:s2+s8], $0x80, s3, s8, $0xb8;
	[tilespmem:$0x4080] =	vst v63  }
0x1f: {  	_ =	swait.ge [sflag:s9], $0x4000  }
.Ltmp0:
0x20: {  	[sflag:s9] =	ssyncset.done $0x0;
	(pc) =	sbr.rel @p0 .LBB2_2-.Ltmp0, $4  }
0x21: {  	[sflag:s9] =	ssyncadd.s32 $0xFFFFC000  }
0x22: {  	[hbm4b:s11+s3] =	stream.linear.scatter [tilespmem:s8], [sflag:$0x2], $0x4000, $0x38;
	[tilespmem:$0x4080] =	vst v63  }
0x23: {  	_ =	swait.ge [sflag:s7], $0x4000  }
0x24: {  	s13 =	smov.u32 s15;
	s11 =	sadd.s32 $0x800, s11;
	[sflag:s7] =	ssyncset.done $0x0  }
0x25: {  	s12 =	sadd.s32 s12, s6;
	[sflag:s7] =	ssyncadd.s32 $0xFFFFC000  }
0x26: {  	[tilespmem:s3], [sflag:$0x2] =	stream.linear.gather [hbm4b:s12+s3], $0x80, $0x38;
	[tilespmem:$0x4080] =	vst v63  }
0x27: {  	_ =	swait.ge [sflag:s7], $0x80  }
0x28: {  	[sflag:s7] =	ssyncset.done $0x0  }
0x29: {  	[sflag:s7] =	ssyncadd.s32 $0xFFFFFF80  }
0x2a: {  	[tilespmem:s8], [sflag:$0x1] =	stream.indirect.gather [hbm4b:s2+s8], $0x80, s3, s8, $0xb8;
	[tilespmem:$0x4080] =	vst v63  }
0x2b: {  	s10 =	sadd.s32 $0x1, s10;
	_ =	swait.ge [sflag:s9], $0x4000  }
0x2c: {  	p0 =	sne.s32 s10, s4;
	[sflag:s9] =	ssyncset.done $0x0  }
.Ltmp1:
0x2d: {  	[sflag:s9] =	ssyncadd.s32 $0xFFFFC000;
	(pc) =	sbr.rel @p0 .LBB2_1-.Ltmp1, $4  }
0x2e: {  	[hbm4b:s11+s3] =	stream.linear.scatter [tilespmem:s8], [sflag:$0x2], $0x4000, $0x38;
	[tilespmem:$0x4080] =	vst v63  }
0x2f: {  	_ =	swait.ge [sflag:s7], $0x4000  }
0x30: {  	[sflag:s7] =	ssyncset.done $0x0  }
0x31: {  	[sflag:s7] =	ssyncadd.s32 $0xFFFFC000  }
0x32: {  	_ =	sfence.sel $0x180000  }
0x33: {  	[bflag:$0x0] =	sbarrier.arrive $0xFFFF  }
0x34: {  	p0 =	sne.s32 s1, $0x0;
	_ =	strace $0x90000047  }
0x35: {  	s0 =	sadd.s32 @!p0 $0x100000, s0;
	[bflag:$0x2] =	sbarrier.arrive $0xFFFF  }
0x36: {  	[sflag:s0] =	ssyncadd.tile.s32 @!p0 $0x1;
	_ =	shalt  }
.Lfunc_end2:
_tile_overlayer_lowered:
.L_overlay_start_2:
0x37: {  	(tag) =	ssettag $0x2  }
0x38: {  	s0 =	rddreg [dreg:$0x0];
	s2 =	stileid.u32  }
0x39: {  	s1 =	rddreg [dreg:$0x1];
	p0 =	sne.s32 s2, $0x0  }
0x3a: {  	s3 =	rddreg [dreg:$0x2];
	[bflag:$0x3] =	sbarrier.arrive $0xFFFF;
	s2 =	simm.s32 @!p0 $0x1C02  }
0x3b: {  	[timem:s3], [sflag:s2] =	dma.local @!p0 [hbm:s0], s1  }
0x3c: {  	s0 =	simm.s32 @!p0 $0x2  }
0x3d: {  	_ =	swait.ge @!p0 [sflag:s0], s1  }
0x3e: {  	s1 =	ssub.s32 @!p0 $0x0, s1;
	[sflag:s0] =	ssyncset.done @!p0 $0x0  }
0x3f: {  	[sflag:s0] =	ssyncadd.s32 @!p0 s1  }
0x40: {  	[bflag:$0x3] =	sbarrier.arrive $0xFFFF  }
0x41: {  	_ =	shalt  }

// kernel: kernel.9.cloned.1.call-start
scs
__scs_entry_jumppad:
0x0: {  	(pc) =	sbr.rel $0x88, $3  }
0x1: {  	(tag) =	ssettag $0x0;
	lr =	simm.s32 $0x1  }
0x2: {  	[smem:$0x3F6E] =	sst lr;
	_ =	strace $0xD0000000  }
0x3: {  	_ = 	snop  }
0x4: {  	_ = 	snop  }
0x5: {  	_ = 	snop  }
0x6: {  	_ = 	snop  }
0x7: {  	_ = 	snop  }
__scs_overlays_trampoline_lowered:
0x8: {  	[smem:$0x3F7D] =	sst s0  }
0x9: {  	[smem:$0x3F7E] =	sst s1  }
0xa: {  	[smem:$0x3F7F] =	sst s2  }
0xb: {  	[smem:$0x3F80] =	sst s3  }
0xc: {  	[smem:$0x3F81] =	sst s4  }
0xd: {  	[smem:$0x3F82] =	sst s5  }
0xe: {  	[smem:$0x3F83] =	sst s6  }
0xf: {  	[smem:$0x3F84] =	sst s7  }
0x10: {  	[smem:$0x3F85] =	sst s8  }
0x11: {  	[smem:$0x3F86] =	sst s9;
	s0 =	simm.s32 @!p0 $0x0  }
0x12: {  	s1 =	sld [smem:$0x3F6C];
	s0 =	simm.s32 @p0 $0x1  }
0x13: {  	[smem:$0x3F87] =	sst s0;
	s0 =	simm.s32 @!p1 $0x0  }
0x14: {  	s2 =	sld [smem:$0x3F6B];
	s0 =	simm.s32 @p1 $0x1  }
0x15: {  	[smem:$0x3F88] =	sst s0;
	s0 =	simm.s32 @!p2 $0x0  }
0x16: {  	s3 =	sld [smem:$0x3FDB];
	s0 =	simm.s32 @p2 $0x1  }
0x17: {  	s4 =	simm.s32 $0x1BF5;
	[smem:$0x3F8A] =	sst s0  }
0x18: {  	s0 =	sld [smem:$0x3F6D];
	_ =	swait.ge [sflag:s4], $0x0  }
0x19: {  	s7 =	sld [smem:$0x3F6E]  }
0x1a: {  	s8 =	sadd.s32 $0xFFFFE003, lr  }
0x1b: {  	s9 =	sadd.s32 $0xFFFFFEF7, lr;
	s5 =	simm.s32 $0xFFFFFFFF;
	p2 =	slt.u32 s8, $0xFFFFF086  }
0x1c: {  	p1 =	slt.u32 s9, $0xF7A;
	s5 =	simm.s32 @!p2 $0x0  }
0x1d: {  	s5 =	simm.s32 @p1 $0x1;
	p0 =	seq.s32 s7, s2  }
0x1e: {  	s7 =	smul.u32 @!p0 $0xF7A, s2;
	p2 =	seq.s32 @!p0 s5, $0x0  }
0x1f: {  	s9 =	smul.u32 $0xF7A, s1;
	s8 =	simm.s32 @!p0 $0x1BF5;
	p2 =	por !p2, p0  }
0x20: {  	[sflag:s8] =	ssyncset.s32 @!p0 $0xFFFFF086;
	s6 =	sadd.s32 @!p0 s3, s7;
	s7 =	simm.s32 @!p0 $0x108  }
0x21: {  	s3 =	sadd.s32 s3, s9;
	s6 =	sadd.s32 @!p0 $0x88, s6;
	s7 =	simm.s32 @p2 $0x1082  }
0x22: {  	[simem:s7], [sflag:s8] =	dma.local @!p0 [hbm:s6], $0xF7A  }
0x23: {  	s9 =	sor.u32 $0xD0000000, s2;
	s6 =	simm.s32 $0x108;
	_ =	swait.ge @!p0 [sflag:s8], $0x0  }
0x24: {  	s3 =	sadd.s32 $0x88, s3;
	s6 =	simm.s32 @!p1 $0x1082;
	[sflag:s4] =	ssyncset.s32 $0xFFFFF086  }
0x25: {  	[simem:s6], [sflag:s4] =	dma.local [hbm:s3], $0xF7A  }
0x26: {  	[smem:$0x3F6E] =	sst s1;
	(tag) =	ssettag s2;
	_ =	strace s9  }
0x27: {  	s1 =	sld [smem:$0x3F7E]  }
0x28: {  	s2 =	sld [smem:$0x3F7F]  }
0x29: {  	s4 =	sld [smem:$0x3F81]  }
0x2a: {  	p0 =	seq.s32 s5, $0x0;
	s5 =	sld [smem:$0x3F82]  }
0x2b: {  	s6 =	sld [smem:$0x3F83]  }
0x2c: {  	s7 =	sld [smem:$0x3F84]  }
0x2d: {  	s3 =	simm.s32 $0x108;
	s8 =	sld [smem:$0x3F85]  }
0x2e: {  	s3 =	simm.s32 @!p0 $0x1082;
	s9 =	sld [smem:$0x3F86]  }
0x2f: {  	lr =	sadd.s32 s0, s3;
	s0 =	sld [smem:$0x3F7D]  }
0x30: {  	s3 =	sld [smem:$0x3F80]  }
0x31: {  	[smem:$0x3F89] =	sst s10  }
0x32: {  	s10 =	sld [smem:$0x3F87];
	_ =	sdelay $0x3  }
0x33: {  	p0 =	seq.s32 s10, $0x1;
	s10 =	sld [smem:$0x3F89];
	_ =	sdelay $0x3  }
0x34: {  	[smem:$0x3F89] =	sst s10  }
0x35: {  	s10 =	sld [smem:$0x3F88];
	_ =	sdelay $0x3  }
0x36: {  	p1 =	seq.s32 s10, $0x1;
	s10 =	sld [smem:$0x3F89];
	_ =	sdelay $0x3  }
0x37: {  	[smem:$0x3F89] =	sst s10  }
0x38: {  	s10 =	sld [smem:$0x3F8A]  }
0x39: {  	_ = 	snop;
	(pc) =	sbr.ind lr, $3  }
0x3a: {  	_ = 	snop  }
0x3b: {  	_ = 	snop  }
0x3c: {  	p2 =	seq.s32 s10, $0x1;
	s10 =	sld [smem:$0x3F89]  }
0x3d: {  	_ =	shalt  }
0x3e: {  	_ =	shalt  }
0x3f: {  	_ =	shalt  }
0x40: {  	_ =	shalt  }
0x41: {  	_ =	shalt  }
0x42: {  	_ =	shalt  }
0x43: {  	_ =	shalt  }
0x44: {  	_ =	shalt  }
0x45: {  	_ =	shalt  }
0x46: {  	_ =	shalt  }
0x47: {  	_ =	shalt  }
0x48: {  	_ =	shalt  }
0x49: {  	_ =	shalt  }
0x4a: {  	_ =	shalt  }
0x4b: {  	_ =	shalt  }
0x4c: {  	_ =	shalt  }
0x4d: {  	_ =	shalt  }
0x4e: {  	_ =	shalt  }
0x4f: {  	_ =	shalt  }
0x50: {  	_ =	shalt  }
0x51: {  	_ =	shalt  }
0x52: {  	_ =	shalt  }
0x53: {  	_ =	shalt  }
0x54: {  	_ =	shalt  }
0x55: {  	_ =	shalt  }
0x56: {  	_ =	shalt  }
0x57: {  	_ =	shalt  }
0x58: {  	_ =	shalt  }
0x59: {  	_ =	shalt  }
0x5a: {  	_ =	shalt  }
0x5b: {  	_ =	shalt  }
0x5c: {  	_ =	shalt  }
0x5d: {  	_ =	shalt  }
0x5e: {  	_ =	shalt  }
0x5f: {  	_ =	shalt  }
0x60: {  	_ =	shalt  }
0x61: {  	_ =	shalt  }
0x62: {  	_ =	shalt  }
0x63: {  	_ =	shalt  }
0x64: {  	_ =	shalt  }
0x65: {  	_ =	shalt  }
0x66: {  	_ =	shalt  }
0x67: {  	_ =	shalt  }
0x68: {  	_ =	shalt  }
0x69: {  	_ =	shalt  }
0x6a: {  	_ =	shalt  }
0x6b: {  	_ =	shalt  }
0x6c: {  	_ =	shalt  }
0x6d: {  	_ =	shalt  }
0x6e: {  	_ =	shalt  }
0x6f: {  	_ =	shalt  }
0x70: {  	_ =	shalt  }
0x71: {  	_ =	shalt  }
0x72: {  	_ =	shalt  }
0x73: {  	_ =	shalt  }
0x74: {  	_ =	shalt  }
0x75: {  	_ =	shalt  }
0x76: {  	_ =	shalt  }
0x77: {  	_ =	shalt  }
0x78: {  	_ =	shalt  }
0x79: {  	_ =	shalt  }
0x7a: {  	_ =	shalt  }
0x7b: {  	_ =	shalt  }
0x7c: {  	_ =	shalt  }
0x7d: {  	_ =	shalt  }
0x7e: {  	_ =	shalt  }
0x7f: {  	_ =	shalt  }
0x80: {  	_ =	shalt  }
0x81: {  	_ =	shalt  }
0x82: {  	_ =	shalt  }
0x83: {  	_ =	shalt  }
0x84: {  	_ =	shalt  }
0x85: {  	_ =	shalt  }
0x86: {  	_ =	shalt  }
0x87: {  	_ =	shalt  }
.Lfunc_end0:
.L_simem_size_0:
called_computation.1_lowered:
.L_overlay_start_0:
0x88: {  	s2 =	sld [smem:$0x3FD9]  }
0x89: {  	s3 =	sld [smem:$0x3FFE];
	_ =	sdelay $0x1  }
0x8a: {  	s1 =	srdreg.scid  }
0x8b: {  	s0 =	sand.u32 $0x1, s1  }
0x8c: {  	s15 =	sshll.u32 s0, $0xA;
	s2 =	sadd.s32 s3, s2  }
0x8d: {  	s2 =	sadd.s32 s2, s15  }
0x8e: {  	[smem:$0x3F95] =	sst s2  }
0x8f: {  	_ = 	snop  }
0x90: {  	s16 =	sld [smem:$0x3FD0];
	_ =	sdelay $0x2  }
0x91: {  	s4 =	simm.s32 $0xB;
	s5 =	simm.s32 $0x10;
	s2 =	sld [smem:$0x3FAD]  }
0x92: {  	[smem:s5], [sflag:s4] =	dma.local [hbm:s16], $0x1  }
0x93: {  	_ =	swait.eq [sflag:s4], $0x1  }
0x94: {  	[sflag:s4] =	ssyncset.done $0x0  }
0x95: {  	[sflag:s4] =	ssyncadd.s32 $0xFFFFFFFF  }
0x96: {  	s17 =	sld [smem:$0x10];
	(tm) =	ssettm $0x1  }
0x97: {  	s18 =	sld [smem:$0x3FFB];
	_ =	sdelay $0x3  }
0x98: {  	_ =	strace s18  }
0x99: {  	s3 =	sld [smem:$0x3FFC];
	_ =	sdelay $0x3  }
0x9a: {  	_ =	strace s3  }
0x9b: {  	s3 =	sld [smem:$0x3FFD];
	_ =	sdelay $0x3  }
0x9c: {  	_ =	strace s3  }
0x9d: {  	_ =	strace $0x8FFFFFFF  }
0x9e: {  	s19 =	sld [smem:$0x3FDB];
	_ =	sdelay $0x1  }
0x9f: {  	s20 =	simm.s32 $_scs_section_size  }
0xa0: {  	s6 =	simm.s32 $_size__tile_overlayer_lowered;
	s7 =	simm.s32 $_tile_overlayer_lowered  }
0xa1: {  	s8 =	simm.s32 $0x1BFF;
	s21 =	sshll.u32 s7, $0x1;
	s5 =	sadd.s32 s20, s19  }
0xa2: {  	s22 =	simm.s32 $0x0;
	s6 =	sshll.u32 s6, $0x1;
	s7 =	sadd.s32 s21, s5  }
0xa3: {  	[timem:s22], [sflag:s8] =	dma.local [hbm:s7], s6  }
0xa4: {  	_ =	swait.ge [sflag:s8], s6  }
0xa5: {  	s6 =	ssub.s32 $0x0, s6;
	[sflag:s8] =	ssyncset.done $0x0  }
0xa6: {  	[sflag:s8] =	ssyncadd.s32 s6;
	_ =	sdelay $0x1  }
0xa7: {  	s23 =	simm.s32 $0x1B8B  }
0xa8: {  	_ =	swait.ge [sflag:s23], $0x1  }
0xa9: {  	[sflag:s23] =	ssyncset.done $0x0  }
0xaa: {  	[sflag:s23] =	ssyncadd.s32 $0xFFFFFFFF  }
0xab: {  	s6 =	sld [smem:$0x0]  }
0xac: {  	s7 =	sand.u32 $0xFFFFFFFE, s1  }
0xad: {  	p0 =	sne.s32 s1, s7  }
0xae: {  	s7 =	sshll.u32 @p0 s7, $0xE  }
0xaf: {  	s7 =	sadd.s32 @p0 $0x11B8D, s7;
	s8 =	sshll.u32 @p0 s6, $0x11  }
0xb0: {  	s7 =	sor.u32 @p0 s8, s7  }
0xb1: {  	[sflag:s7] =	ssyncadd.remote.s32 @p0 $0x1;
	_ =	sdelay $0x1  }
0xb2: {  	s7 =	simm.s32 @p0 $0x1B8D  }
0xb3: {  	_ =	swait.eq @p0 [sflag:s7], $0x1  }
0xb4: {  	[sflag:s7] =	ssyncadd.s32 @p0 $0xFFFFFFFF  }
0xb5: {  	s8 =	sshll.u32 @!p0 s1, $0xE  }
0xb6: {  	s8 =	sor.u32 @!p0 $0x4000, s8;
	s7 =	simm.s32 @!p0 $0x1B8D  }
0xb7: {  	s6 =	sshll.u32 @!p0 s6, $0x11;
	s8 =	sadd.s32 @!p0 $0x11B8D, s8;
	_ =	swait.eq @!p0 [sflag:s7], $0x1  }
0xb8: {  	s6 =	sor.u32 @!p0 s6, s8;
	[sflag:s7] =	ssyncadd.s32 @!p0 $0xFFFFFFFF  }
0xb9: {  	s25 =	simm.s32 $0x1B8E;
	s24 =	sld [smem:$0x3FFE];
	[sflag:s6] =	ssyncadd.remote.s32 @!p0 $0x1  }
0xba: {  	s26 =	simm.s32 $execute0_lowered;
	[smem:$0x3FD2] =	sst s25  }
0xbb: {  	s7 =	sshll.u32 s26, $0x1;
	_ =	strace $0x80000049;
	[dreg:$0x1] =	wrdreg $0xFFFFFFFF  }
0xbc: {  	s28 =	simm.s32 $_size_execute0_lowered;
	s5 =	sadd.s32 s5, s7;
	[dreg:$0x0] =	wrdreg $0x0  }
0xbd: {  	s7 =	sshll.u32 s28, $0x1;
	[dreg:$0x2] =	wrdreg s5  }
0xbe: {  	[dreg:$0x3] =	wrdreg s7  }
0xbf: {  	[dreg:$0x4] =	wrdreg $0xC0  }
0xc0: {  	_ =	task [dreg:s22], $0x5FFFF  }
0xc1: {  	[dreg:$0x1] =	wrdreg $0xFFFFFFFF  }
0xc2: {  	[dreg:$0x0] =	wrdreg $0x60  }
0xc3: {  	[dreg:$0x2] =	wrdreg s2  }
0xc4: {  	[dreg:$0x3] =	wrdreg s17  }
0xc5: {  	[dreg:$0x4] =	wrdreg s24  }
0xc6: {  	[dreg:$0x5] =	wrdreg $0xA  }
0xc7: {  	_ =	task.clear_ibuf [dreg:s22], $0x6FFFF;
	_ =	strace $0x90000049  }
0xc8: {  	s29 =	simm.s32 $0xA;
	_ =	strace $0x8000004B  }
0xc9: {  	_ =	swait.ge [sflag:s29], $0x1  }
0xca: {  	[sflag:s29] =	ssyncadd.s32 $0xFFFFFFFF  }
0xcb: {  	_ =	strace $0x9000004B  }
0xcc: {  	_ =	sfence  }
0xcd: {  	s30 =	sld [smem:$0x0];
	_ =	sdelay $0x2  }
0xce: {  	s31 =	sshll.u32 s1, $0xD;
	s1 =	sshrl.u32 s1, $0x2  }
0xcf: {  	s4 =	sand.u32 $0x4000, s31;
	s1 =	sadd.s32 s1, s30  }
0xd0: {  	s0 =	sor.u32 s4, s0;
	s1 =	sshll.u32 s1, $0x11  }
0xd1: {  	s0 =	sor.u32 s1, s0  }
0xd2: {  	s0 =	sadd.s32 $0x8F2B, s0  }
0xd3: {  	[sflag:s0] =	ssyncadd.remote.s32 $0x1  }
0xd4: {  	_ =	sfence.sel $0xFFFF  }
0xd5: {  	[dreg:$0x0] =	wrdreg $0xFFFFFFFF;
	(pc) =	sbr.abs _section_cstart, $3  }
0xd6: {  	[dreg:$0x1] =	wrdreg $0xFFFFFFFF  }
0xd7: {  	_ =	task.clear_ibuf [dreg:s22], $0x2FFFF;
	_ =	strace $0x9FFFFFFF  }
0xd8: {  	(tm) =	ssettm $0x7FFFFFFF  }
0xd9: {  	_ =	shalt  }
tec
execute0_lowered:
.L_overlay_start_1:
0x0: {  	(tag) =	ssettag $0x1  }
0x1: {  	s1 =	rddreg [dreg:$0x0]  }
0x2: {  	s6 =	rddreg [dreg:$0x1]  }
0x3: {  	s4 =	rddreg [dreg:$0x2]  }
0x4: {  	s0 =	rddreg [dreg:$0x3]  }
0x5: {  	s3 =	simm.s32 $0x0;
	s2 =	stileid.u32;
	s5 =	srdreg.scid  }
0x6: {  	[smem:$0x7FF] =	sst s3;
	s7 =	sshll.u32 s2, $0xF;
	s5 =	sand.u32 $0x1, s5  }
0x7: {  	s9 =	sshll.u32 s2, $0xB;
	_ =	strace $0x8000004A;
	s7 =	sadd.s32 s7, s4  }
0x8: {  	s29 =	ssub.s32 $0x2, s5;
	s10 =	sshll.u32 s5, $0xA;
	s5 =	sshll.u32 s5, $0xE  }
0x9: {  	s8 =	sshrl.u32 s29, $0x1;
	s30 =	sor.u32 s10, s9;
	s5 =	sadd.s32 s5, s7  }
0xa: {  	s7 =	simm.s32 $0x2;
	s9 =	simm.s32 $0x1;
	s10 =	simm.s32 $0x0  }
0xb: {  	s4 =	ssub.s32 s29, s8;
	s31 =	sshrl.u32 s30, $0x3;
	s5 =	sadd.s32 $0xE7C00, s5  }
0xc: {  	s8 =	simm.s32 $0x80;
	s4 =	smax.u32 s4, $0x1;
	s6 =	sadd.s32 s31, s6  }
.LBB2_1:
0xd: {  	s11 =	sadd.s32 $0x0, s6  }
0xe: {  	[tilespmem:s3], [sflag:$0x2] =	stream.linear.gather [hbm4b:s11+s3], $0x80, $0x38;
	[tilespmem:$0x4080] =	vst v63  }
0xf: {  	_ =	swait.ge [sflag:s7], $0x80  }
0x10: {  	[sflag:s7] =	ssyncset.done $0x0  }
0x11: {  	[sflag:s7] =	ssyncadd.s32 $0xFFFFFF80  }
0x12: {  	[tilespmem:s8], [sflag:$0x1] =	stream.indirect.gather [hbm4b:s1+s8], $0x80, s3, s8, $0xb8;
	[tilespmem:$0x4080] =	vst v63  }
0x13: {  	_ =	swait.ge [sflag:s9], $0x4000  }
0x14: {  	[sflag:s9] =	ssyncset.done $0x0  }
0x15: {  	[sflag:s9] =	ssyncadd.s32 $0xFFFFC000  }
0x16: {  	[hbm4b:s5+s3] =	stream.linear.scatter [tilespmem:s8], [sflag:$0x2], $0x4000, $0x38;
	[tilespmem:$0x4080] =	vst v63  }
0x17: {  	s12 =	simm.s32 $0x10;
	_ =	swait.ge [sflag:s7], $0x4000  }
0x18: {  	s13 =	simm.s32 $0x20;
	s11 =	sadd.s32 $0x800, s5;
	[sflag:s7] =	ssyncset.done $0x0  }
.LBB2_2:
0x19: {  	s14 =	sadd.s32 s12, s6  }
0x1a: {  	[sflag:s7] =	ssyncadd.s32 $0xFFFFC000;
	s12 =	smov.u32 s13;
	s15 =	sadd.s32 $0x10, s13  }
0x1b: {  	[tilespmem:s3], [sflag:$0x2] =	stream.linear.gather [hbm4b:s14+s3], $0x80, $0x38;
	[tilespmem:$0x4080] =	vst v63  }
0x1c: {  	p0 =	sne.s32 s13, $0x70;
	_ =	swait.ge [sflag:s7], $0x80  }
0x1d: {  	[sflag:s7] =	ssyncset.done $0x0  }
0x1e: {  	[sflag:s7] =	ssyncadd.s32 $0xFFFFFF80  }
0x1f: {  	[tilespmem:s8], [sflag:$0x1] =	stream.indirect.gather [hbm4b:s1+s8], $0x80, s3, s8, $0xb8;
	[tilespmem:$0x4080] =	vst v63  }
0x20: {  	_ =	swait.ge [sflag:s9], $0x4000  }
.Ltmp0:
0x21: {  	[sflag:s9] =	ssyncset.done $0x0;
	(pc) =	sbr.rel @p0 .LBB2_2-.Ltmp0, $4  }
0x22: {  	[sflag:s9] =	ssyncadd.s32 $0xFFFFC000  }
0x23: {  	[hbm4b:s11+s3] =	stream.linear.scatter [tilespmem:s8], [sflag:$0x2], $0x4000, $0x38;
	[tilespmem:$0x4080] =	vst v63  }
0x24: {  	_ =	swait.ge [sflag:s7], $0x4000  }
0x25: {  	s13 =	smov.u32 s15;
	s11 =	sadd.s32 $0x800, s11;
	[sflag:s7] =	ssyncset.done $0x0  }
0x26: {  	s12 =	sadd.s32 s12, s6;
	[sflag:s7] =	ssyncadd.s32 $0xFFFFC000  }
0x27: {  	[tilespmem:s3], [sflag:$0x2] =	stream.linear.gather [hbm4b:s12+s3], $0x80, $0x38;
	[tilespmem:$0x4080] =	vst v63  }
0x28: {  	_ =	swait.ge [sflag:s7], $0x80  }
0x29: {  	[sflag:s7] =	ssyncset.done $0x0  }
0x2a: {  	[sflag:s7] =	ssyncadd.s32 $0xFFFFFF80  }
0x2b: {  	[tilespmem:s8], [sflag:$0x1] =	stream.indirect.gather [hbm4b:s1+s8], $0x80, s3, s8, $0xb8;
	[tilespmem:$0x4080] =	vst v63  }
0x2c: {  	s10 =	sadd.s32 $0x1, s10;
	_ =	swait.ge [sflag:s9], $0x4000  }
0x2d: {  	p0 =	sne.s32 s10, s4;
	[sflag:s9] =	ssyncset.done $0x0  }
.Ltmp1:
0x2e: {  	[sflag:s9] =	ssyncadd.s32 $0xFFFFC000;
	(pc) =	sbr.rel @p0 .LBB2_1-.Ltmp1, $4  }
0x2f: {  	[hbm4b:s11+s3] =	stream.linear.scatter [tilespmem:s8], [sflag:$0x2], $0x4000, $0x38;
	[tilespmem:$0x4080] =	vst v63  }
0x30: {  	_ =	swait.ge [sflag:s7], $0x4000  }
0x31: {  	[sflag:s7] =	ssyncset.done $0x0  }
0x32: {  	[sflag:s7] =	ssyncadd.s32 $0xFFFFC000  }
0x33: {  	_ =	sfence.sel $0x180000  }
0x34: {  	[bflag:$0x0] =	sbarrier.arrive $0xFFFF  }
0x35: {  	p0 =	sne.s32 s2, $0x0;
	_ =	strace $0x9000004A  }
0x36: {  	s0 =	sadd.s32 @!p0 $0x100000, s0;
	[bflag:$0x2] =	sbarrier.arrive $0xFFFF  }
0x37: {  	[sflag:s0] =	ssyncadd.tile.s32 @!p0 $0x1;
	_ =	shalt  }
.Lfunc_end2:
_tile_overlayer_lowered:
.L_overlay_start_2:
0x38: {  	(tag) =	ssettag $0x2  }
0x39: {  	s0 =	rddreg [dreg:$0x0];
	s2 =	stileid.u32  }
0x3a: {  	s1 =	rddreg [dreg:$0x1];
	p0 =	sne.s32 s2, $0x0  }
0x3b: {  	s3 =	rddreg [dreg:$0x2];
	[bflag:$0x3] =	sbarrier.arrive $0xFFFF;
	s2 =	simm.s32 @!p0 $0x1C02  }
0x3c: {  	[timem:s3], [sflag:s2] =	dma.local @!p0 [hbm:s0], s1  }
0x3d: {  	s0 =	simm.s32 @!p0 $0x2  }
0x3e: {  	_ =	swait.ge @!p0 [sflag:s0], s1  }
0x3f: {  	s1 =	ssub.s32 @!p0 $0x0, s1;
	[sflag:s0] =	ssyncset.done @!p0 $0x0  }
0x40: {  	[sflag:s0] =	ssyncadd.s32 @!p0 s1  }
0x41: {  	[bflag:$0x3] =	sbarrier.arrive $0xFFFF  }
0x42: {  	_ =	shalt  }

</sc_bundles>
